<compile_context>
chip_gen: v7x
topology: tpu7x:2x2x1
jax: 0.10.2.dev20260603
libtpu: 0.0.44.dev20260713+nightly
codegen_flags: <defaults>
</compile_context>

<pallas_src>
import functools

import jax
import jax.numpy as jnp
from jax import lax
from jax.experimental import pallas as pl
from jax.experimental.pallas import tpu as pltpu
from jax.experimental.pallas import tpu_sc as plsc

N = 10000
E = 320000
D = 128
H = D // 2
B = 64

NC = 2
NS = 16
NW = NC * NS
E_PER = E // NW
CH = 40
NCHUNK = E_PER // CH
ROWS_PER_TILE = 624
TAIL_ROWS = N - NS * ROWS_PER_TILE
ZCH = 104

ROW_BLK = 2000
NB = N // ROW_BLK


def _sc_body(x0_hbm, x1_hbm, srcr, dstr, zh, z16h, onesh,
             agg_o0, agg_o1, deg_o,
             src_v, dst_v, rows0, rows1, zv, acc, s0, s1,
             ones_v, z16v, dacc):
    c = lax.axis_index("c")
    s = lax.axis_index("s")
    wid = s * NC + c
    base_row = s * ROWS_PER_TILE
    tail_base = NS * ROWS_PER_TILE

    pltpu.sync_copy(zh, zv)
    pltpu.sync_copy(z16h, z16v)
    pltpu.sync_copy(onesh, ones_v)
    pltpu.sync_copy(srcr.at[wid], src_v)
    pltpu.sync_copy(dstr.at[wid], dst_v)

    def zero_acc(ref, staging):
        for j in range(ROWS_PER_TILE // ZCH):
            pltpu.sync_copy(staging, ref.at[pl.ds(base_row + j * ZCH, ZCH)])

        @pl.when(s == NS - 1)
        def _():
            pltpu.sync_copy(staging.at[pl.ds(0, TAIL_ROWS)],
                            ref.at[pl.ds(tail_base, TAIL_ROWS)])

    def writeback(ref, out):
        pltpu.sync_copy(ref.at[pl.ds(base_row, ROWS_PER_TILE)],
                        out.at[c, pl.ds(base_row, ROWS_PER_TILE)])

        @pl.when(s == NS - 1)
        def _():
            pltpu.sync_copy(ref.at[pl.ds(tail_base, TAIL_ROWS)],
                            out.at[c, pl.ds(tail_base, TAIL_ROWS)])

    for phase in range(2):
        table = x0_hbm if phase == 0 else x1_hbm
        out = agg_o0 if phase == 0 else agg_o1
        with_deg = phase == 0

        zero_acc(acc, zv)
        if with_deg:
            zero_acc(dacc, z16v)
        plsc.subcore_barrier()

        def fire(chunk, buf, sem):
            pltpu.make_async_copy(table.at[src_v.at[chunk]], buf, sem).start()

        def drain(buf, sem):
            pltpu.make_async_copy(table.at[src_v.at[0]], buf, sem).wait()

        def put(chunk, buf):
            pltpu.sync_copy(buf, acc.at[dst_v.at[chunk]], add=True)
            if with_deg:
                pltpu.sync_copy(ones_v, dacc.at[dst_v.at[chunk]], add=True)

        fire(0, rows0, s0)

        def lbody(i, carry):
            a = 2 * i
            b = a + 1
            fire(b, rows1, s1)
            drain(rows0, s0)
            put(a, rows0)

            @pl.when(b + 1 < NCHUNK)
            def _():
                fire(b + 1, rows0, s0)

            drain(rows1, s1)
            put(b, rows1)
            return carry

        lax.fori_loop(0, NCHUNK // 2, lbody, 0)

        plsc.subcore_barrier()

        writeback(acc, out)
        if with_deg:
            writeback(dacc, deg_o)


@functools.lru_cache(maxsize=None)
def _get_sc_agg():
    mesh = plsc.VectorSubcoreMesh(core_axis_name="c", subcore_axis_name="s")
    out_type = [jax.ShapeDtypeStruct((NC, N, H), jnp.float32),
                jax.ShapeDtypeStruct((NC, N, H), jnp.float32),
                jax.ShapeDtypeStruct((NC, N, 16), jnp.float32)]
    scratch = [
        pltpu.VMEM((NCHUNK, CH), jnp.int32),
        pltpu.VMEM((NCHUNK, CH), jnp.int32),
        pltpu.VMEM((CH, H), jnp.float32),
        pltpu.VMEM((CH, H), jnp.float32),
        pltpu.VMEM((ZCH, H), jnp.float32),
        pltpu.VMEM_SHARED((N, H), jnp.float32),
        pltpu.SemaphoreType.DMA,
        pltpu.SemaphoreType.DMA,
        pltpu.VMEM((CH, 16), jnp.float32),
        pltpu.VMEM((ZCH, 16), jnp.float32),
        pltpu.VMEM_SHARED((N, 16), jnp.float32),
    ]
    return pl.kernel(
        _sc_body, out_type=out_type, mesh=mesh, scratch_types=scratch,
        compiler_params=pltpu.CompilerParams(use_tc_tiling_on_sc=False))


def _sc_agg(x0, x1, srcr, dstr, zh, z16, ones16):
    return _get_sc_agg()(x0, x1, srcr, dstr, zh, z16, ones16)


def _emb_body(h_ref, w_ref, b_ref, o0_ref, o1_ref):
    bu = (jnp.dot(h_ref[...], w_ref[...],
                  preferred_element_type=jnp.float32) + b_ref[...])
    o0_ref[...] = bu[:, :H]
    o1_ref[...] = bu[:, H:]


def _emb(h, wt, b2):
    return pl.pallas_call(
        _emb_body,
        grid=(NB,),
        in_specs=[pl.BlockSpec((ROW_BLK, D), lambda i: (i, 0)),
                  pl.BlockSpec((D, D), lambda i: (0, 0)),
                  pl.BlockSpec((1, D), lambda i: (0, 0))],
        out_specs=[pl.BlockSpec((ROW_BLK, H), lambda i: (i, 0)),
                   pl.BlockSpec((ROW_BLK, H), lambda i: (i, 0))],
        out_shape=[jax.ShapeDtypeStruct((N, H), jnp.float32),
                   jax.ShapeDtypeStruct((N, H), jnp.float32)],
    )(h, wt, b2)


def _sage_body(x0_ref, x1_ref, a0_ref, a1_ref, deg_ref,
               wh_ref, wc_ref, b_ref, o0_ref, o1_ref):
    x0 = x0_ref[...]
    x1 = x1_ref[...]
    deg = deg_ref[0, :, 0:1] + deg_ref[1, :, 0:1]
    inv = 1.0 / jnp.maximum(deg, 1.0)
    c0 = (a0_ref[0] + a0_ref[1]) * inv
    c1 = (a1_ref[0] + a1_ref[1]) * inv
    bu = (jnp.dot(x0, wh_ref[:H], preferred_element_type=jnp.float32)
          + jnp.dot(x1, wh_ref[H:], preferred_element_type=jnp.float32)
          + jnp.dot(c0, wc_ref[:H], preferred_element_type=jnp.float32)
          + jnp.dot(c1, wc_ref[H:], preferred_element_type=jnp.float32)
          + b_ref[...])
    nrm = jnp.sqrt(jnp.sum(bu * bu, axis=1, keepdims=True))
    bu = jnp.maximum(bu / jnp.maximum(nrm, 1e-12), 0.0)
    o0_ref[...] = x0 + bu[:, :H]
    o1_ref[...] = x1 + bu[:, H:]


def _sage(x0, x1, a0, a1, degp, wht, wct, b2):
    return pl.pallas_call(
        _sage_body,
        grid=(NB,),
        in_specs=[pl.BlockSpec((ROW_BLK, H), lambda i: (i, 0)),
                  pl.BlockSpec((ROW_BLK, H), lambda i: (i, 0)),
                  pl.BlockSpec((NC, ROW_BLK, H), lambda i: (0, i, 0)),
                  pl.BlockSpec((NC, ROW_BLK, H), lambda i: (0, i, 0)),
                  pl.BlockSpec((NC, ROW_BLK, 16), lambda i: (0, i, 0)),
                  pl.BlockSpec((D, D), lambda i: (0, 0)),
                  pl.BlockSpec((D, D), lambda i: (0, 0)),
                  pl.BlockSpec((1, D), lambda i: (0, 0))],
        out_specs=[pl.BlockSpec((ROW_BLK, H), lambda i: (i, 0)),
                   pl.BlockSpec((ROW_BLK, H), lambda i: (i, 0))],
        out_shape=[jax.ShapeDtypeStruct((N, H), jnp.float32),
                   jax.ShapeDtypeStruct((N, H), jnp.float32)],
    )(x0, x1, a0, a1, degp, wht, wct, b2)


def _head_body(x0_ref, x1_ref, gid_ref, pp_ref, pn_ref, wfc_ref, o_ref,
               hg_ref, cnt_ref):
    i = pl.program_id(0)

    @pl.when(i == 0)
    def _():
        hg_ref[...] = jnp.zeros_like(hg_ref)
        cnt_ref[...] = jnp.zeros_like(cnt_ref)

    x = jnp.concatenate([x0_ref[...], x1_ref[...]], axis=1)
    gid = gid_ref[0]
    lanes = jax.lax.broadcasted_iota(jnp.int32, (B, ROW_BLK), 0)
    onehot_t = (lanes == gid).astype(jnp.float32)
    hg_ref[...] += jnp.dot(onehot_t, x, preferred_element_type=jnp.float32)
    cnt_ref[...] += jnp.sum(onehot_t, axis=1, keepdims=True)

    @pl.when(i == NB - 1)
    def _():
        hg = hg_ref[...] / jnp.maximum(cnt_ref[...], 1.0)

        def sims(prots):
            diff = hg[:, None, :] - prots[None, :, :]
            d = jnp.sum(diff * diff, axis=-1)
            return jnp.log((d + 1.0) / (d + 1e-12))

        ss = jnp.concatenate([sims(pp_ref[...]), sims(pn_ref[...])], axis=1)
        y = jnp.dot(ss, wfc_ref[...], preferred_element_type=jnp.float32)
        o_ref[...] = jax.nn.sigmoid(y)


def _head(x0, x1, gid3, p_pos, p_neg, wfct):
    p = p_pos.shape[0]
    return pl.pallas_call(
        _head_body,
        grid=(NB,),
        in_specs=[pl.BlockSpec((ROW_BLK, H), lambda i: (i, 0)),
                  pl.BlockSpec((ROW_BLK, H), lambda i: (i, 0)),
                  pl.BlockSpec((1, 1, ROW_BLK), lambda i: (i, 0, 0)),
                  pl.BlockSpec((p, D), lambda i: (0, 0)),
                  pl.BlockSpec((p, D), lambda i: (0, 0)),
                  pl.BlockSpec((2 * p, 1), lambda i: (0, 0))],
        out_specs=pl.BlockSpec((B, 1), lambda i: (0, 0)),
        out_shape=jax.ShapeDtypeStruct((B, 1), jnp.float32),
        scratch_shapes=[pltpu.VMEM((B, D), jnp.float32),
                        pltpu.VMEM((B, 1), jnp.float32)],
    )(x0, x1, gid3, p_pos, p_neg, wfct)


def kernel(h, edge_index, e, graph_ids, W_emb, b_emb, W0, b0, W1, b1,
           p_pos, p_neg, W_fc):
    del e
    srcr = edge_index[0].reshape(NW, NCHUNK, CH)
    dstr = edge_index[1].reshape(NW, NCHUNK, CH)
    zh = jnp.zeros((ZCH, H), jnp.float32)
    z16 = jnp.zeros((ZCH, 16), jnp.float32)
    ones16 = jnp.ones((CH, 16), jnp.float32)

    x0, x1 = _emb(h, W_emb.T, b_emb.reshape(1, D))
    a0, a1, degp = _sc_agg(x0, x1, srcr, dstr, zh, z16, ones16)
    x0, x1 = _sage(x0, x1, a0, a1, degp,
                   W0[:, :D].T, W0[:, D:].T, b0.reshape(1, D))
    a0, a1, _ = _sc_agg(x0, x1, srcr, dstr, zh, z16, ones16)
    x0, x1 = _sage(x0, x1, a0, a1, degp,
                   W1[:, :D].T, W1[:, D:].T, b1.reshape(1, D))

    gid3 = graph_ids.reshape(NB, 1, ROW_BLK)
    y = _head(x0, x1, gid3, p_pos, p_neg, W_fc.T)
    return y.reshape(B)

# --- scband reference (transcript-rebuilt; emitter-appended) ---
"""Pipeline reference for scband-ppnet-69166153335416 (READ-ONLY COPY).

The authoritative reference and input builder live on the scoring server;
editing this copy changes nothing except your own understanding.
"""

import jax, jax.numpy as jnp
import numpy as np

N = 10000
E = 320000
IN_DIM = 128
HID = 128
P = 5
B = 64

def setup_inputs(seed: int = 0):
    key = jax.random.key(seed)
    ks = jax.random.split(key, 12)
    h = jax.random.normal(ks[0], (N, IN_DIM), dtype=jnp.float32)
    edge_index = jax.random.randint(ks[1], (2, E), 0, N, dtype=jnp.int32)
    e = jax.random.normal(ks[2], (E, 4), dtype=jnp.float32)
    graph_ids = jnp.sort(jax.random.randint(ks[3], (N,), 0, B, dtype=jnp.int32))
    W_emb = jax.random.normal(ks[4], (HID, IN_DIM), dtype=jnp.float32) * 0.05
    b_emb = jnp.zeros((HID,), dtype=jnp.float32)
    W0 = jax.random.normal(ks[5], (HID, 2 * HID), dtype=jnp.float32) * 0.05
    b0 = jnp.zeros((HID,), dtype=jnp.float32)
    W1 = jax.random.normal(ks[6], (HID, 2 * HID), dtype=jnp.float32) * 0.05
    b1 = jnp.zeros((HID,), dtype=jnp.float32)
    p_pos = jax.random.uniform(ks[7], (P, HID), dtype=jnp.float32)
    p_neg = jax.random.uniform(ks[8], (P, HID), dtype=jnp.float32)
    # FC_layers weight after set_last_layer_incorrect_connection(incorrect_strength=-0.5):
    # first P columns = 1.0 (correct class), last P columns = -0.5 (incorrect)
    W_fc = jnp.concatenate([jnp.ones((1, P), jnp.float32), -0.5 * jnp.ones((1, P), jnp.float32)], axis=1)
    return {"h": h, "edge_index": edge_index, "e": e, "graph_ids": graph_ids,
            "W_emb": W_emb, "b_emb": b_emb, "W0": W0, "b0": b0, "W1": W1, "b1": b1,
            "p_pos": p_pos, "p_neg": p_neg, "W_fc": W_fc}

def _sage_layer(h, src, dst, W, b):
    # benchmarking-gnns GraphSageLayer (mean aggregator, dropout=0 eval, batch_norm=False, residual=True)
    h_in = h
    msg = jnp.take(h, src, axis=0)
    agg = jax.ops.segment_sum(msg, dst, num_segments=N)
    deg = jax.ops.segment_sum(jnp.ones((E,), jnp.float32), dst, num_segments=N)
    c = agg / jnp.maximum(deg, 1.0)[:, None]
    bundle = jnp.concatenate([h, c], axis=1) @ W.T + b
    nrm = jnp.sqrt(jnp.sum(bundle * bundle, axis=1, keepdims=True))
    bundle = bundle / jnp.maximum(nrm, 1e-12)  # F.normalize(p=2, dim=1)
    bundle = jax.nn.relu(bundle)
    return h_in + bundle

def _sims(hg, prots):
    # distance = ||hg - p||_2^2; similarity = log((d+1)/(d+1e-12))
    d = jnp.sum((hg[:, None, :] - prots[None, :, :]) ** 2, axis=-1)
    return jnp.log((d + 1.0) / (d + 1e-12))

def reference(h, edge_index, e, graph_ids, W_emb, b_emb, W0, b0, W1, b1, p_pos, p_neg, W_fc):
    src = edge_index[0]
    dst = edge_index[1]
    x = h @ W_emb.T + b_emb
    x = _sage_layer(x, src, dst, W0, b0)
    x = _sage_layer(x, src, dst, W1, b1)
    # dgl.mean_nodes readout over 64-graph batch
    hg_sum = jax.ops.segment_sum(x, graph_ids, num_segments=B)
    cnt = jax.ops.segment_sum(jnp.ones((N,), jnp.float32), graph_ids, num_segments=B)
    hg = hg_sum / jnp.maximum(cnt, 1.0)[:, None]
    ss = jnp.concatenate([_sims(hg, p_pos), _sims(hg, p_neg)], axis=1)
    y = ss @ W_fc.T
    return jax.nn.sigmoid(y).squeeze()

if __name__ == "__main__":
    import jax
    _d = setup_inputs()
    print(jax.jit(kernel)(*tuple(_d.values())))

</pallas_src>

<mosaic_0001>
#map = affine_map<(d0, d1) -> (0, 0)>
#map1 = affine_map<(d0, d1) -> (0, 0, 0)>
module attributes {stable_mosaic.version = 14 : i64} {
  func.func @_sc_body(%arg0: i32, %arg1: i32, %arg2: memref<10000x64xf32, #tpu.memory_space<hbm>>, %arg3: memref<10000x64xf32, #tpu.memory_space<hbm>>, %arg4: memref<32x250x40xi32, #tpu.memory_space<hbm>>, %arg5: memref<32x250x40xi32, #tpu.memory_space<hbm>>, %arg6: memref<104x64xf32, #tpu.memory_space<hbm>>, %arg7: memref<104x16xf32, #tpu.memory_space<hbm>>, %arg8: memref<40x16xf32, #tpu.memory_space<hbm>>, %arg9: memref<2x10000x64xf32, #tpu.memory_space<hbm>>, %arg10: memref<2x10000x64xf32, #tpu.memory_space<hbm>>, %arg11: memref<2x10000x16xf32, #tpu.memory_space<hbm>>, %arg12: memref<250x40xi32, #tpu.memory_space<vmem>>, %arg13: memref<250x40xi32, #tpu.memory_space<vmem>>, %arg14: memref<40x64xf32, #tpu.memory_space<vmem>>, %arg15: memref<40x64xf32, #tpu.memory_space<vmem>>, %arg16: memref<104x64xf32, #tpu.memory_space<vmem>>, %arg17: memref<10000x64xf32, #tpu.memory_space<vmem_shared>>, %arg18: memref<!tpu.dma_semaphore, #tpu.memory_space<semaphore_mem>>, %arg19: memref<!tpu.dma_semaphore, #tpu.memory_space<semaphore_mem>>, %arg20: memref<40x16xf32, #tpu.memory_space<vmem>>, %arg21: memref<104x16xf32, #tpu.memory_space<vmem>>, %arg22: memref<10000x16xf32, #tpu.memory_space<vmem_shared>>) attributes {dimension_semantics = [#tpu.dimension_semantics<core_parallel>, #tpu.dimension_semantics<subcore_parallel>], iteration_bounds = array<i64: 2, 16>, scalar_prefetch = 0 : i64, scratch_operands = 11 : i64, tpu.core_type = #tpu.core_type<sc_vector_subcore>, window_params = [{transform_indices = #map}, {transform_indices = #map}, {transform_indices = #map1}, {transform_indices = #map1}, {transform_indices = #map}, {transform_indices = #map}, {transform_indices = #map}, {transform_indices = #map1}, {transform_indices = #map1}, {transform_indices = #map1}]} {
    %mul3A = arith.constant 2 : i32
    %mul3A_0 = arith.muli %arg1, %mul3A : i32
    %add3A = arith.addi %mul3A_0, %arg0 : i32
    %mul3A_1 = arith.constant 624 : i32
    %mul3A_2 = arith.muli %arg1, %mul3A_1 : i32
    "tpu.region"() ({
      %run_scoped3A = tpu.sem_alloc : memref<!tpu.dma_semaphore, #tpu.memory_space<semaphore_mem>>
      tpu.enqueue_dma source(%arg6 : memref<104x64xf32, #tpu.memory_space<hbm>>) target(%arg16 : memref<104x64xf32, #tpu.memory_space<vmem>>) target_semaphore(%run_scoped3A : memref<!tpu.dma_semaphore, #tpu.memory_space<semaphore_mem>>)
      tpu.wait_dma2 semaphore(%run_scoped3A : memref<!tpu.dma_semaphore, #tpu.memory_space<semaphore_mem>>) src(%arg6 : memref<104x64xf32, #tpu.memory_space<hbm>>) dst(%arg16 : memref<104x64xf32, #tpu.memory_space<vmem>>)
      tpu.yield
    }) : () -> ()
    "tpu.region"() ({
      %run_scoped3A = tpu.sem_alloc : memref<!tpu.dma_semaphore, #tpu.memory_space<semaphore_mem>>
      tpu.enqueue_dma source(%arg7 : memref<104x16xf32, #tpu.memory_space<hbm>>) target(%arg21 : memref<104x16xf32, #tpu.memory_space<vmem>>) target_semaphore(%run_scoped3A : memref<!tpu.dma_semaphore, #tpu.memory_space<semaphore_mem>>)
      tpu.wait_dma2 semaphore(%run_scoped3A : memref<!tpu.dma_semaphore, #tpu.memory_space<semaphore_mem>>) src(%arg7 : memref<104x16xf32, #tpu.memory_space<hbm>>) dst(%arg21 : memref<104x16xf32, #tpu.memory_space<vmem>>)
      tpu.yield
    }) : () -> ()
    "tpu.region"() ({
      %run_scoped3A = tpu.sem_alloc : memref<!tpu.dma_semaphore, #tpu.memory_space<semaphore_mem>>
      tpu.enqueue_dma source(%arg8 : memref<40x16xf32, #tpu.memory_space<hbm>>) target(%arg20 : memref<40x16xf32, #tpu.memory_space<vmem>>) target_semaphore(%run_scoped3A : memref<!tpu.dma_semaphore, #tpu.memory_space<semaphore_mem>>)
      tpu.wait_dma2 semaphore(%run_scoped3A : memref<!tpu.dma_semaphore, #tpu.memory_space<semaphore_mem>>) src(%arg8 : memref<40x16xf32, #tpu.memory_space<hbm>>) dst(%arg20 : memref<40x16xf32, #tpu.memory_space<vmem>>)
      tpu.yield
    }) : () -> ()
    "tpu.region"() ({
      %run_scoped3A = tpu.sem_alloc : memref<!tpu.dma_semaphore, #tpu.memory_space<semaphore_mem>>
      %dma_start3A_93 = arith.constant 0 : i32
      %dma_start3A_94 = arith.constant 0 : i32
      %dma_start3A_95 = tpu.memref_slice %arg4[%add3A, %dma_start3A_93, %dma_start3A_94] : memref<32x250x40xi32, #tpu.memory_space<hbm>> -> memref<1x250x40xi32, #tpu.memory_space<hbm>>
      %dma_start3A_96 = tpu.memref_squeeze %dma_start3A_95 : memref<1x250x40xi32, #tpu.memory_space<hbm>> -> memref<250x40xi32, #tpu.memory_space<hbm>>
      %dma_start3A_97 = arith.constant 0 : i32
      %dma_start3A_98 = arith.constant 0 : i32
      %dma_start3A_99 = tpu.memref_slice %arg4[%add3A, %dma_start3A_97, %dma_start3A_98] : memref<32x250x40xi32, #tpu.memory_space<hbm>> -> memref<1x250x40xi32, #tpu.memory_space<hbm>>
      %dma_start3A_100 = tpu.memref_squeeze %dma_start3A_99 : memref<1x250x40xi32, #tpu.memory_space<hbm>> -> memref<250x40xi32, #tpu.memory_space<hbm>>
      tpu.enqueue_dma source(%dma_start3A_100 : memref<250x40xi32, #tpu.memory_space<hbm>>) target(%arg12 : memref<250x40xi32, #tpu.memory_space<vmem>>) target_semaphore(%run_scoped3A : memref<!tpu.dma_semaphore, #tpu.memory_space<semaphore_mem>>)
      %dma_wait3A = arith.constant 0 : i32
      %dma_wait3A_101 = arith.constant 0 : i32
      %dma_wait3A_102 = tpu.memref_slice %arg4[%add3A, %dma_wait3A, %dma_wait3A_101] : memref<32x250x40xi32, #tpu.memory_space<hbm>> -> memref<1x250x40xi32, #tpu.memory_space<hbm>>
      %dma_wait3A_103 = tpu.memref_squeeze %dma_wait3A_102 : memref<1x250x40xi32, #tpu.memory_space<hbm>> -> memref<250x40xi32, #tpu.memory_space<hbm>>
      %dma_wait3A_104 = arith.constant 0 : i32
      %dma_wait3A_105 = arith.constant 0 : i32
      %dma_wait3A_106 = tpu.memref_slice %arg4[%add3A, %dma_wait3A_104, %dma_wait3A_105] : memref<32x250x40xi32, #tpu.memory_space<hbm>> -> memref<1x250x40xi32, #tpu.memory_space<hbm>>
      %dma_wait3A_107 = tpu.memref_squeeze %dma_wait3A_106 : memref<1x250x40xi32, #tpu.memory_space<hbm>> -> memref<250x40xi32, #tpu.memory_space<hbm>>
      tpu.wait_dma2 semaphore(%run_scoped3A : memref<!tpu.dma_semaphore, #tpu.memory_space<semaphore_mem>>) src(%dma_wait3A_107 : memref<250x40xi32, #tpu.memory_space<hbm>>) dst(%arg12 : memref<250x40xi32, #tpu.memory_space<vmem>>)
      tpu.yield
    }) : () -> ()
    "tpu.region"() ({
      %run_scoped3A = tpu.sem_alloc : memref<!tpu.dma_semaphore, #tpu.memory_space<semaphore_mem>>
      %dma_start3A_93 = arith.constant 0 : i32
      %dma_start3A_94 = arith.constant 0 : i32
      %dma_start3A_95 = tpu.memref_slice %arg5[%add3A, %dma_start3A_93, %dma_start3A_94] : memref<32x250x40xi32, #tpu.memory_space<hbm>> -> memref<1x250x40xi32, #tpu.memory_space<hbm>>
      %dma_start3A_96 = tpu.memref_squeeze %dma_start3A_95 : memref<1x250x40xi32, #tpu.memory_space<hbm>> -> memref<250x40xi32, #tpu.memory_space<hbm>>
      %dma_start3A_97 = arith.constant 0 : i32
      %dma_start3A_98 = arith.constant 0 : i32
      %dma_start3A_99 = tpu.memref_slice %arg5[%add3A, %dma_start3A_97, %dma_start3A_98] : memref<32x250x40xi32, #tpu.memory_space<hbm>> -> memref<1x250x40xi32, #tpu.memory_space<hbm>>
      %dma_start3A_100 = tpu.memref_squeeze %dma_start3A_99 : memref<1x250x40xi32, #tpu.memory_space<hbm>> -> memref<250x40xi32, #tpu.memory_space<hbm>>
      tpu.enqueue_dma source(%dma_start3A_100 : memref<250x40xi32, #tpu.memory_space<hbm>>) target(%arg13 : memref<250x40xi32, #tpu.memory_space<vmem>>) target_semaphore(%run_scoped3A : memref<!tpu.dma_semaphore, #tpu.memory_space<semaphore_mem>>)
      %dma_wait3A = arith.constant 0 : i32
      %dma_wait3A_101 = arith.constant 0 : i32
      %dma_wait3A_102 = tpu.memref_slice %arg5[%add3A, %dma_wait3A, %dma_wait3A_101] : memref<32x250x40xi32, #tpu.memory_space<hbm>> -> memref<1x250x40xi32, #tpu.memory_space<hbm>>
      %dma_wait3A_103 = tpu.memref_squeeze %dma_wait3A_102 : memref<1x250x40xi32, #tpu.memory_space<hbm>> -> memref<250x40xi32, #tpu.memory_space<hbm>>
      %dma_wait3A_104 = arith.constant 0 : i32
      %dma_wait3A_105 = arith.constant 0 : i32
      %dma_wait3A_106 = tpu.memref_slice %arg5[%add3A, %dma_wait3A_104, %dma_wait3A_105] : memref<32x250x40xi32, #tpu.memory_space<hbm>> -> memref<1x250x40xi32, #tpu.memory_space<hbm>>
      %dma_wait3A_107 = tpu.memref_squeeze %dma_wait3A_106 : memref<1x250x40xi32, #tpu.memory_space<hbm>> -> memref<250x40xi32, #tpu.memory_space<hbm>>
      tpu.wait_dma2 semaphore(%run_scoped3A : memref<!tpu.dma_semaphore, #tpu.memory_space<semaphore_mem>>) src(%dma_wait3A_107 : memref<250x40xi32, #tpu.memory_space<hbm>>) dst(%arg13 : memref<250x40xi32, #tpu.memory_space<vmem>>)
      tpu.yield
    }) : () -> ()
    %add3A_3 = arith.constant 0 : i32
    %add3A_4 = arith.addi %mul3A_2, %add3A_3 : i32
    "tpu.region"() ({
      %run_scoped3A = tpu.sem_alloc : memref<!tpu.dma_semaphore, #tpu.memory_space<semaphore_mem>>
      %dma_start3A_93 = arith.constant 0 : i32
      %dma_start3A_94 = tpu.memref_slice %arg17[%add3A_4, %dma_start3A_93] : memref<10000x64xf32, #tpu.memory_space<vmem_shared>> -> memref<104x64xf32, #tpu.memory_space<vmem_shared>>
      %dma_start3A_95 = arith.constant 0 : i32
      %dma_start3A_96 = tpu.memref_slice %arg17[%add3A_4, %dma_start3A_95] : memref<10000x64xf32, #tpu.memory_space<vmem_shared>> -> memref<104x64xf32, #tpu.memory_space<vmem_shared>>
      tpu.enqueue_dma source(%arg16 : memref<104x64xf32, #tpu.memory_space<vmem>>) target(%dma_start3A_96 : memref<104x64xf32, #tpu.memory_space<vmem_shared>>) target_semaphore(%run_scoped3A : memref<!tpu.dma_semaphore, #tpu.memory_space<semaphore_mem>>)
      %dma_wait3A = arith.constant 0 : i32
      %dma_wait3A_97 = tpu.memref_slice %arg17[%add3A_4, %dma_wait3A] : memref<10000x64xf32, #tpu.memory_space<vmem_shared>> -> memref<104x64xf32, #tpu.memory_space<vmem_shared>>
      %dma_wait3A_98 = arith.constant 0 : i32
      %dma_wait3A_99 = tpu.memref_slice %arg17[%add3A_4, %dma_wait3A_98] : memref<10000x64xf32, #tpu.memory_space<vmem_shared>> -> memref<104x64xf32, #tpu.memory_space<vmem_shared>>
      tpu.wait_dma2 semaphore(%run_scoped3A : memref<!tpu.dma_semaphore, #tpu.memory_space<semaphore_mem>>) src(%arg16 : memref<104x64xf32, #tpu.memory_space<vmem>>) dst(%dma_wait3A_99 : memref<104x64xf32, #tpu.memory_space<vmem_shared>>)
      tpu.yield
    }) : () -> ()
    %add3A_5 = arith.constant 104 : i32
    %add3A_6 = arith.addi %mul3A_2, %add3A_5 : i32
    "tpu.region"() ({
      %run_scoped3A = tpu.sem_alloc : memref<!tpu.dma_semaphore, #tpu.memory_space<semaphore_mem>>
      %dma_start3A_93 = arith.constant 0 : i32
      %dma_start3A_94 = tpu.memref_slice %arg17[%add3A_6, %dma_start3A_93] : memref<10000x64xf32, #tpu.memory_space<vmem_shared>> -> memref<104x64xf32, #tpu.memory_space<vmem_shared>>
      %dma_start3A_95 = arith.constant 0 : i32
      %dma_start3A_96 = tpu.memref_slice %arg17[%add3A_6, %dma_start3A_95] : memref<10000x64xf32, #tpu.memory_space<vmem_shared>> -> memref<104x64xf32, #tpu.memory_space<vmem_shared>>
      tpu.enqueue_dma source(%arg16 : memref<104x64xf32, #tpu.memory_space<vmem>>) target(%dma_start3A_96 : memref<104x64xf32, #tpu.memory_space<vmem_shared>>) target_semaphore(%run_scoped3A : memref<!tpu.dma_semaphore, #tpu.memory_space<semaphore_mem>>)
      %dma_wait3A = arith.constant 0 : i32
      %dma_wait3A_97 = tpu.memref_slice %arg17[%add3A_6, %dma_wait3A] : memref<10000x64xf32, #tpu.memory_space<vmem_shared>> -> memref<104x64xf32, #tpu.memory_space<vmem_shared>>
      %dma_wait3A_98 = arith.constant 0 : i32
      %dma_wait3A_99 = tpu.memref_slice %arg17[%add3A_6, %dma_wait3A_98] : memref<10000x64xf32, #tpu.memory_space<vmem_shared>> -> memref<104x64xf32, #tpu.memory_space<vmem_shared>>
      tpu.wait_dma2 semaphore(%run_scoped3A : memref<!tpu.dma_semaphore, #tpu.memory_space<semaphore_mem>>) src(%arg16 : memref<104x64xf32, #tpu.memory_space<vmem>>) dst(%dma_wait3A_99 : memref<104x64xf32, #tpu.memory_space<vmem_shared>>)
      tpu.yield
    }) : () -> ()
    %add3A_7 = arith.constant 208 : i32
    %add3A_8 = arith.addi %mul3A_2, %add3A_7 : i32
    "tpu.region"() ({
      %run_scoped3A = tpu.sem_alloc : memref<!tpu.dma_semaphore, #tpu.memory_space<semaphore_mem>>
      %dma_start3A_93 = arith.constant 0 : i32
      %dma_start3A_94 = tpu.memref_slice %arg17[%add3A_8, %dma_start3A_93] : memref<10000x64xf32, #tpu.memory_space<vmem_shared>> -> memref<104x64xf32, #tpu.memory_space<vmem_shared>>
      %dma_start3A_95 = arith.constant 0 : i32
      %dma_start3A_96 = tpu.memref_slice %arg17[%add3A_8, %dma_start3A_95] : memref<10000x64xf32, #tpu.memory_space<vmem_shared>> -> memref<104x64xf32, #tpu.memory_space<vmem_shared>>
      tpu.enqueue_dma source(%arg16 : memref<104x64xf32, #tpu.memory_space<vmem>>) target(%dma_start3A_96 : memref<104x64xf32, #tpu.memory_space<vmem_shared>>) target_semaphore(%run_scoped3A : memref<!tpu.dma_semaphore, #tpu.memory_space<semaphore_mem>>)
      %dma_wait3A = arith.constant 0 : i32
      %dma_wait3A_97 = tpu.memref_slice %arg17[%add3A_8, %dma_wait3A] : memref<10000x64xf32, #tpu.memory_space<vmem_shared>> -> memref<104x64xf32, #tpu.memory_space<vmem_shared>>
      %dma_wait3A_98 = arith.constant 0 : i32
      %dma_wait3A_99 = tpu.memref_slice %arg17[%add3A_8, %dma_wait3A_98] : memref<10000x64xf32, #tpu.memory_space<vmem_shared>> -> memref<104x64xf32, #tpu.memory_space<vmem_shared>>
      tpu.wait_dma2 semaphore(%run_scoped3A : memref<!tpu.dma_semaphore, #tpu.memory_space<semaphore_mem>>) src(%arg16 : memref<104x64xf32, #tpu.memory_space<vmem>>) dst(%dma_wait3A_99 : memref<104x64xf32, #tpu.memory_space<vmem_shared>>)
      tpu.yield
    }) : () -> ()
    %add3A_9 = arith.constant 312 : i32
    %add3A_10 = arith.addi %mul3A_2, %add3A_9 : i32
    "tpu.region"() ({
      %run_scoped3A = tpu.sem_alloc : memref<!tpu.dma_semaphore, #tpu.memory_space<semaphore_mem>>
      %dma_start3A_93 = arith.constant 0 : i32
      %dma_start3A_94 = tpu.memref_slice %arg17[%add3A_10, %dma_start3A_93] : memref<10000x64xf32, #tpu.memory_space<vmem_shared>> -> memref<104x64xf32, #tpu.memory_space<vmem_shared>>
      %dma_start3A_95 = arith.constant 0 : i32
      %dma_start3A_96 = tpu.memref_slice %arg17[%add3A_10, %dma_start3A_95] : memref<10000x64xf32, #tpu.memory_space<vmem_shared>> -> memref<104x64xf32, #tpu.memory_space<vmem_shared>>
      tpu.enqueue_dma source(%arg16 : memref<104x64xf32, #tpu.memory_space<vmem>>) target(%dma_start3A_96 : memref<104x64xf32, #tpu.memory_space<vmem_shared>>) target_semaphore(%run_scoped3A : memref<!tpu.dma_semaphore, #tpu.memory_space<semaphore_mem>>)
      %dma_wait3A = arith.constant 0 : i32
      %dma_wait3A_97 = tpu.memref_slice %arg17[%add3A_10, %dma_wait3A] : memref<10000x64xf32, #tpu.memory_space<vmem_shared>> -> memref<104x64xf32, #tpu.memory_space<vmem_shared>>
      %dma_wait3A_98 = arith.constant 0 : i32
      %dma_wait3A_99 = tpu.memref_slice %arg17[%add3A_10, %dma_wait3A_98] : memref<10000x64xf32, #tpu.memory_space<vmem_shared>> -> memref<104x64xf32, #tpu.memory_space<vmem_shared>>
      tpu.wait_dma2 semaphore(%run_scoped3A : memref<!tpu.dma_semaphore, #tpu.memory_space<semaphore_mem>>) src(%arg16 : memref<104x64xf32, #tpu.memory_space<vmem>>) dst(%dma_wait3A_99 : memref<104x64xf32, #tpu.memory_space<vmem_shared>>)
      tpu.yield
    }) : () -> ()
    %add3A_11 = arith.constant 416 : i32
    %add3A_12 = arith.addi %mul3A_2, %add3A_11 : i32
    "tpu.region"() ({
      %run_scoped3A = tpu.sem_alloc : memref<!tpu.dma_semaphore, #tpu.memory_space<semaphore_mem>>
      %dma_start3A_93 = arith.constant 0 : i32
      %dma_start3A_94 = tpu.memref_slice %arg17[%add3A_12, %dma_start3A_93] : memref<10000x64xf32, #tpu.memory_space<vmem_shared>> -> memref<104x64xf32, #tpu.memory_space<vmem_shared>>
      %dma_start3A_95 = arith.constant 0 : i32
      %dma_start3A_96 = tpu.memref_slice %arg17[%add3A_12, %dma_start3A_95] : memref<10000x64xf32, #tpu.memory_space<vmem_shared>> -> memref<104x64xf32, #tpu.memory_space<vmem_shared>>
      tpu.enqueue_dma source(%arg16 : memref<104x64xf32, #tpu.memory_space<vmem>>) target(%dma_start3A_96 : memref<104x64xf32, #tpu.memory_space<vmem_shared>>) target_semaphore(%run_scoped3A : memref<!tpu.dma_semaphore, #tpu.memory_space<semaphore_mem>>)
      %dma_wait3A = arith.constant 0 : i32
      %dma_wait3A_97 = tpu.memref_slice %arg17[%add3A_12, %dma_wait3A] : memref<10000x64xf32, #tpu.memory_space<vmem_shared>> -> memref<104x64xf32, #tpu.memory_space<vmem_shared>>
      %dma_wait3A_98 = arith.constant 0 : i32
      %dma_wait3A_99 = tpu.memref_slice %arg17[%add3A_12, %dma_wait3A_98] : memref<10000x64xf32, #tpu.memory_space<vmem_shared>> -> memref<104x64xf32, #tpu.memory_space<vmem_shared>>
      tpu.wait_dma2 semaphore(%run_scoped3A : memref<!tpu.dma_semaphore, #tpu.memory_space<semaphore_mem>>) src(%arg16 : memref<104x64xf32, #tpu.memory_space<vmem>>) dst(%dma_wait3A_99 : memref<104x64xf32, #tpu.memory_space<vmem_shared>>)
      tpu.yield
    }) : () -> ()
    %add3A_13 = arith.constant 520 : i32
    %add3A_14 = arith.addi %mul3A_2, %add3A_13 : i32
    "tpu.region"() ({
      %run_scoped3A = tpu.sem_alloc : memref<!tpu.dma_semaphore, #tpu.memory_space<semaphore_mem>>
      %dma_start3A_93 = arith.constant 0 : i32
      %dma_start3A_94 = tpu.memref_slice %arg17[%add3A_14, %dma_start3A_93] : memref<10000x64xf32, #tpu.memory_space<vmem_shared>> -> memref<104x64xf32, #tpu.memory_space<vmem_shared>>
      %dma_start3A_95 = arith.constant 0 : i32
      %dma_start3A_96 = tpu.memref_slice %arg17[%add3A_14, %dma_start3A_95] : memref<10000x64xf32, #tpu.memory_space<vmem_shared>> -> memref<104x64xf32, #tpu.memory_space<vmem_shared>>
      tpu.enqueue_dma source(%arg16 : memref<104x64xf32, #tpu.memory_space<vmem>>) target(%dma_start3A_96 : memref<104x64xf32, #tpu.memory_space<vmem_shared>>) target_semaphore(%run_scoped3A : memref<!tpu.dma_semaphore, #tpu.memory_space<semaphore_mem>>)
      %dma_wait3A = arith.constant 0 : i32
      %dma_wait3A_97 = tpu.memref_slice %arg17[%add3A_14, %dma_wait3A] : memref<10000x64xf32, #tpu.memory_space<vmem_shared>> -> memref<104x64xf32, #tpu.memory_space<vmem_shared>>
      %dma_wait3A_98 = arith.constant 0 : i32
      %dma_wait3A_99 = tpu.memref_slice %arg17[%add3A_14, %dma_wait3A_98] : memref<10000x64xf32, #tpu.memory_space<vmem_shared>> -> memref<104x64xf32, #tpu.memory_space<vmem_shared>>
      tpu.wait_dma2 semaphore(%run_scoped3A : memref<!tpu.dma_semaphore, #tpu.memory_space<semaphore_mem>>) src(%arg16 : memref<104x64xf32, #tpu.memory_space<vmem>>) dst(%dma_wait3A_99 : memref<104x64xf32, #tpu.memory_space<vmem_shared>>)
      tpu.yield
    }) : () -> ()
    %eq3A = arith.constant 15 : i32
    %eq3A_15 = arith.cmpi eq, %arg1, %eq3A : i32
    %convert_element_type3A = arith.extui %eq3A_15 : i1 to i32
    %cond3A = arith.constant 0 : i32
    %cond3A_16 = arith.cmpi ne, %convert_element_type3A, %cond3A : i32
    scf.if %cond3A_16 {
      "tpu.region"() ({
        %run_scoped3A = tpu.sem_alloc : memref<!tpu.dma_semaphore, #tpu.memory_space<semaphore_mem>>
        %dma_start3A_93 = arith.constant 0 : i32
        %dma_start3A_94 = arith.constant 0 : i32
        %dma_start3A_95 = tpu.memref_slice %arg16[%dma_start3A_93, %dma_start3A_94] : memref<104x64xf32, #tpu.memory_space<vmem>> -> memref<16x64xf32, #tpu.memory_space<vmem>>
        %dma_start3A_96 = arith.constant 9984 : i32
        %dma_start3A_97 = arith.constant 0 : i32
        %dma_start3A_98 = tpu.memref_slice %arg17[%dma_start3A_96, %dma_start3A_97] : memref<10000x64xf32, #tpu.memory_space<vmem_shared>> -> memref<16x64xf32, #tpu.memory_space<vmem_shared>>
        %dma_start3A_99 = arith.constant 9984 : i32
        %dma_start3A_100 = arith.constant 0 : i32
        %dma_start3A_101 = tpu.memref_slice %arg17[%dma_start3A_99, %dma_start3A_100] : memref<10000x64xf32, #tpu.memory_space<vmem_shared>> -> memref<16x64xf32, #tpu.memory_space<vmem_shared>>
        %dma_start3A_102 = arith.constant 0 : i32
        %dma_start3A_103 = arith.constant 0 : i32
        %dma_start3A_104 = tpu.memref_slice %arg16[%dma_start3A_102, %dma_start3A_103] : memref<104x64xf32, #tpu.memory_space<vmem>> -> memref<16x64xf32, #tpu.memory_space<vmem>>
        tpu.enqueue_dma source(%dma_start3A_104 : memref<16x64xf32, #tpu.memory_space<vmem>>) target(%dma_start3A_101 : memref<16x64xf32, #tpu.memory_space<vmem_shared>>) target_semaphore(%run_scoped3A : memref<!tpu.dma_semaphore, #tpu.memory_space<semaphore_mem>>)
        %dma_wait3A = arith.constant 0 : i32
        %dma_wait3A_105 = arith.constant 0 : i32
        %dma_wait3A_106 = tpu.memref_slice %arg16[%dma_wait3A, %dma_wait3A_105] : memref<104x64xf32, #tpu.memory_space<vmem>> -> memref<16x64xf32, #tpu.memory_space<vmem>>
        %dma_wait3A_107 = arith.constant 9984 : i32
        %dma_wait3A_108 = arith.constant 0 : i32
        %dma_wait3A_109 = tpu.memref_slice %arg17[%dma_wait3A_107, %dma_wait3A_108] : memref<10000x64xf32, #tpu.memory_space<vmem_shared>> -> memref<16x64xf32, #tpu.memory_space<vmem_shared>>
        %dma_wait3A_110 = arith.constant 9984 : i32
        %dma_wait3A_111 = arith.constant 0 : i32
        %dma_wait3A_112 = tpu.memref_slice %arg17[%dma_wait3A_110, %dma_wait3A_111] : memref<10000x64xf32, #tpu.memory_space<vmem_shared>> -> memref<16x64xf32, #tpu.memory_space<vmem_shared>>
        %dma_wait3A_113 = arith.constant 0 : i32
        %dma_wait3A_114 = arith.constant 0 : i32
        %dma_wait3A_115 = tpu.memref_slice %arg16[%dma_wait3A_113, %dma_wait3A_114] : memref<104x64xf32, #tpu.memory_space<vmem>> -> memref<16x64xf32, #tpu.memory_space<vmem>>
        tpu.wait_dma2 semaphore(%run_scoped3A : memref<!tpu.dma_semaphore, #tpu.memory_space<semaphore_mem>>) src(%dma_wait3A_115 : memref<16x64xf32, #tpu.memory_space<vmem>>) dst(%dma_wait3A_112 : memref<16x64xf32, #tpu.memory_space<vmem_shared>>)
        tpu.yield
      }) : () -> ()
    } else {
    }
    %add3A_17 = arith.constant 0 : i32
    %add3A_18 = arith.addi %mul3A_2, %add3A_17 : i32
    "tpu.region"() ({
      %run_scoped3A = tpu.sem_alloc : memref<!tpu.dma_semaphore, #tpu.memory_space<semaphore_mem>>
      %dma_start3A_93 = arith.constant 0 : i32
      %dma_start3A_94 = tpu.memref_slice %arg22[%add3A_18, %dma_start3A_93] : memref<10000x16xf32, #tpu.memory_space<vmem_shared>> -> memref<104x16xf32, #tpu.memory_space<vmem_shared>>
      %dma_start3A_95 = arith.constant 0 : i32
      %dma_start3A_96 = tpu.memref_slice %arg22[%add3A_18, %dma_start3A_95] : memref<10000x16xf32, #tpu.memory_space<vmem_shared>> -> memref<104x16xf32, #tpu.memory_space<vmem_shared>>
      tpu.enqueue_dma source(%arg21 : memref<104x16xf32, #tpu.memory_space<vmem>>) target(%dma_start3A_96 : memref<104x16xf32, #tpu.memory_space<vmem_shared>>) target_semaphore(%run_scoped3A : memref<!tpu.dma_semaphore, #tpu.memory_space<semaphore_mem>>)
      %dma_wait3A = arith.constant 0 : i32
      %dma_wait3A_97 = tpu.memref_slice %arg22[%add3A_18, %dma_wait3A] : memref<10000x16xf32, #tpu.memory_space<vmem_shared>> -> memref<104x16xf32, #tpu.memory_space<vmem_shared>>
      %dma_wait3A_98 = arith.constant 0 : i32
      %dma_wait3A_99 = tpu.memref_slice %arg22[%add3A_18, %dma_wait3A_98] : memref<10000x16xf32, #tpu.memory_space<vmem_shared>> -> memref<104x16xf32, #tpu.memory_space<vmem_shared>>
      tpu.wait_dma2 semaphore(%run_scoped3A : memref<!tpu.dma_semaphore, #tpu.memory_space<semaphore_mem>>) src(%arg21 : memref<104x16xf32, #tpu.memory_space<vmem>>) dst(%dma_wait3A_99 : memref<104x16xf32, #tpu.memory_space<vmem_shared>>)
      tpu.yield
    }) : () -> ()
    %add3A_19 = arith.constant 104 : i32
    %add3A_20 = arith.addi %mul3A_2, %add3A_19 : i32
    "tpu.region"() ({
      %run_scoped3A = tpu.sem_alloc : memref<!tpu.dma_semaphore, #tpu.memory_space<semaphore_mem>>
      %dma_start3A_93 = arith.constant 0 : i32
      %dma_start3A_94 = tpu.memref_slice %arg22[%add3A_20, %dma_start3A_93] : memref<10000x16xf32, #tpu.memory_space<vmem_shared>> -> memref<104x16xf32, #tpu.memory_space<vmem_shared>>
      %dma_start3A_95 = arith.constant 0 : i32
      %dma_start3A_96 = tpu.memref_slice %arg22[%add3A_20, %dma_start3A_95] : memref<10000x16xf32, #tpu.memory_space<vmem_shared>> -> memref<104x16xf32, #tpu.memory_space<vmem_shared>>
      tpu.enqueue_dma source(%arg21 : memref<104x16xf32, #tpu.memory_space<vmem>>) target(%dma_start3A_96 : memref<104x16xf32, #tpu.memory_space<vmem_shared>>) target_semaphore(%run_scoped3A : memref<!tpu.dma_semaphore, #tpu.memory_space<semaphore_mem>>)
      %dma_wait3A = arith.constant 0 : i32
      %dma_wait3A_97 = tpu.memref_slice %arg22[%add3A_20, %dma_wait3A] : memref<10000x16xf32, #tpu.memory_space<vmem_shared>> -> memref<104x16xf32, #tpu.memory_space<vmem_shared>>
      %dma_wait3A_98 = arith.constant 0 : i32
      %dma_wait3A_99 = tpu.memref_slice %arg22[%add3A_20, %dma_wait3A_98] : memref<10000x16xf32, #tpu.memory_space<vmem_shared>> -> memref<104x16xf32, #tpu.memory_space<vmem_shared>>
      tpu.wait_dma2 semaphore(%run_scoped3A : memref<!tpu.dma_semaphore, #tpu.memory_space<semaphore_mem>>) src(%arg21 : memref<104x16xf32, #tpu.memory_space<vmem>>) dst(%dma_wait3A_99 : memref<104x16xf32, #tpu.memory_space<vmem_shared>>)
      tpu.yield
    }) : () -> ()
    %add3A_21 = arith.constant 208 : i32
    %add3A_22 = arith.addi %mul3A_2, %add3A_21 : i32
    "tpu.region"() ({
      %run_scoped3A = tpu.sem_alloc : memref<!tpu.dma_semaphore, #tpu.memory_space<semaphore_mem>>
      %dma_start3A_93 = arith.constant 0 : i32
      %dma_start3A_94 = tpu.memref_slice %arg22[%add3A_22, %dma_start3A_93] : memref<10000x16xf32, #tpu.memory_space<vmem_shared>> -> memref<104x16xf32, #tpu.memory_space<vmem_shared>>
      %dma_start3A_95 = arith.constant 0 : i32
      %dma_start3A_96 = tpu.memref_slice %arg22[%add3A_22, %dma_start3A_95] : memref<10000x16xf32, #tpu.memory_space<vmem_shared>> -> memref<104x16xf32, #tpu.memory_space<vmem_shared>>
      tpu.enqueue_dma source(%arg21 : memref<104x16xf32, #tpu.memory_space<vmem>>) target(%dma_start3A_96 : memref<104x16xf32, #tpu.memory_space<vmem_shared>>) target_semaphore(%run_scoped3A : memref<!tpu.dma_semaphore, #tpu.memory_space<semaphore_mem>>)
      %dma_wait3A = arith.constant 0 : i32
      %dma_wait3A_97 = tpu.memref_slice %arg22[%add3A_22, %dma_wait3A] : memref<10000x16xf32, #tpu.memory_space<vmem_shared>> -> memref<104x16xf32, #tpu.memory_space<vmem_shared>>
      %dma_wait3A_98 = arith.constant 0 : i32
      %dma_wait3A_99 = tpu.memref_slice %arg22[%add3A_22, %dma_wait3A_98] : memref<10000x16xf32, #tpu.memory_space<vmem_shared>> -> memref<104x16xf32, #tpu.memory_space<vmem_shared>>
      tpu.wait_dma2 semaphore(%run_scoped3A : memref<!tpu.dma_semaphore, #tpu.memory_space<semaphore_mem>>) src(%arg21 : memref<104x16xf32, #tpu.memory_space<vmem>>) dst(%dma_wait3A_99 : memref<104x16xf32, #tpu.memory_space<vmem_shared>>)
      tpu.yield
    }) : () -> ()
    %add3A_23 = arith.constant 312 : i32
    %add3A_24 = arith.addi %mul3A_2, %add3A_23 : i32
    "tpu.region"() ({
      %run_scoped3A = tpu.sem_alloc : memref<!tpu.dma_semaphore, #tpu.memory_space<semaphore_mem>>
      %dma_start3A_93 = arith.constant 0 : i32
      %dma_start3A_94 = tpu.memref_slice %arg22[%add3A_24, %dma_start3A_93] : memref<10000x16xf32, #tpu.memory_space<vmem_shared>> -> memref<104x16xf32, #tpu.memory_space<vmem_shared>>
      %dma_start3A_95 = arith.constant 0 : i32
      %dma_start3A_96 = tpu.memref_slice %arg22[%add3A_24, %dma_start3A_95] : memref<10000x16xf32, #tpu.memory_space<vmem_shared>> -> memref<104x16xf32, #tpu.memory_space<vmem_shared>>
      tpu.enqueue_dma source(%arg21 : memref<104x16xf32, #tpu.memory_space<vmem>>) target(%dma_start3A_96 : memref<104x16xf32, #tpu.memory_space<vmem_shared>>) target_semaphore(%run_scoped3A : memref<!tpu.dma_semaphore, #tpu.memory_space<semaphore_mem>>)
      %dma_wait3A = arith.constant 0 : i32
      %dma_wait3A_97 = tpu.memref_slice %arg22[%add3A_24, %dma_wait3A] : memref<10000x16xf32, #tpu.memory_space<vmem_shared>> -> memref<104x16xf32, #tpu.memory_space<vmem_shared>>
      %dma_wait3A_98 = arith.constant 0 : i32
      %dma_wait3A_99 = tpu.memref_slice %arg22[%add3A_24, %dma_wait3A_98] : memref<10000x16xf32, #tpu.memory_space<vmem_shared>> -> memref<104x16xf32, #tpu.memory_space<vmem_shared>>
      tpu.wait_dma2 semaphore(%run_scoped3A : memref<!tpu.dma_semaphore, #tpu.memory_space<semaphore_mem>>) src(%arg21 : memref<104x16xf32, #tpu.memory_space<vmem>>) dst(%dma_wait3A_99 : memref<104x16xf32, #tpu.memory_space<vmem_shared>>)
      tpu.yield
    }) : () -> ()
    %add3A_25 = arith.constant 416 : i32
    %add3A_26 = arith.addi %mul3A_2, %add3A_25 : i32
    "tpu.region"() ({
      %run_scoped3A = tpu.sem_alloc : memref<!tpu.dma_semaphore, #tpu.memory_space<semaphore_mem>>
      %dma_start3A_93 = arith.constant 0 : i32
      %dma_start3A_94 = tpu.memref_slice %arg22[%add3A_26, %dma_start3A_93] : memref<10000x16xf32, #tpu.memory_space<vmem_shared>> -> memref<104x16xf32, #tpu.memory_space<vmem_shared>>
      %dma_start3A_95 = arith.constant 0 : i32
      %dma_start3A_96 = tpu.memref_slice %arg22[%add3A_26, %dma_start3A_95] : memref<10000x16xf32, #tpu.memory_space<vmem_shared>> -> memref<104x16xf32, #tpu.memory_space<vmem_shared>>
      tpu.enqueue_dma source(%arg21 : memref<104x16xf32, #tpu.memory_space<vmem>>) target(%dma_start3A_96 : memref<104x16xf32, #tpu.memory_space<vmem_shared>>) target_semaphore(%run_scoped3A : memref<!tpu.dma_semaphore, #tpu.memory_space<semaphore_mem>>)
      %dma_wait3A = arith.constant 0 : i32
      %dma_wait3A_97 = tpu.memref_slice %arg22[%add3A_26, %dma_wait3A] : memref<10000x16xf32, #tpu.memory_space<vmem_shared>> -> memref<104x16xf32, #tpu.memory_space<vmem_shared>>
      %dma_wait3A_98 = arith.constant 0 : i32
      %dma_wait3A_99 = tpu.memref_slice %arg22[%add3A_26, %dma_wait3A_98] : memref<10000x16xf32, #tpu.memory_space<vmem_shared>> -> memref<104x16xf32, #tpu.memory_space<vmem_shared>>
      tpu.wait_dma2 semaphore(%run_scoped3A : memref<!tpu.dma_semaphore, #tpu.memory_space<semaphore_mem>>) src(%arg21 : memref<104x16xf32, #tpu.memory_space<vmem>>) dst(%dma_wait3A_99 : memref<104x16xf32, #tpu.memory_space<vmem_shared>>)
      tpu.yield
    }) : () -> ()
    %add3A_27 = arith.constant 520 : i32
    %add3A_28 = arith.addi %mul3A_2, %add3A_27 : i32
    "tpu.region"() ({
      %run_scoped3A = tpu.sem_alloc : memref<!tpu.dma_semaphore, #tpu.memory_space<semaphore_mem>>
      %dma_start3A_93 = arith.constant 0 : i32
      %dma_start3A_94 = tpu.memref_slice %arg22[%add3A_28, %dma_start3A_93] : memref<10000x16xf32, #tpu.memory_space<vmem_shared>> -> memref<104x16xf32, #tpu.memory_space<vmem_shared>>
      %dma_start3A_95 = arith.constant 0 : i32
      %dma_start3A_96 = tpu.memref_slice %arg22[%add3A_28, %dma_start3A_95] : memref<10000x16xf32, #tpu.memory_space<vmem_shared>> -> memref<104x16xf32, #tpu.memory_space<vmem_shared>>
      tpu.enqueue_dma source(%arg21 : memref<104x16xf32, #tpu.memory_space<vmem>>) target(%dma_start3A_96 : memref<104x16xf32, #tpu.memory_space<vmem_shared>>) target_semaphore(%run_scoped3A : memref<!tpu.dma_semaphore, #tpu.memory_space<semaphore_mem>>)
      %dma_wait3A = arith.constant 0 : i32
      %dma_wait3A_97 = tpu.memref_slice %arg22[%add3A_28, %dma_wait3A] : memref<10000x16xf32, #tpu.memory_space<vmem_shared>> -> memref<104x16xf32, #tpu.memory_space<vmem_shared>>
      %dma_wait3A_98 = arith.constant 0 : i32
      %dma_wait3A_99 = tpu.memref_slice %arg22[%add3A_28, %dma_wait3A_98] : memref<10000x16xf32, #tpu.memory_space<vmem_shared>> -> memref<104x16xf32, #tpu.memory_space<vmem_shared>>
      tpu.wait_dma2 semaphore(%run_scoped3A : memref<!tpu.dma_semaphore, #tpu.memory_space<semaphore_mem>>) src(%arg21 : memref<104x16xf32, #tpu.memory_space<vmem>>) dst(%dma_wait3A_99 : memref<104x16xf32, #tpu.memory_space<vmem_shared>>)
      tpu.yield
    }) : () -> ()
    %eq3A_29 = arith.constant 15 : i32
    %eq3A_30 = arith.cmpi eq, %arg1, %eq3A_29 : i32
    %convert_element_type3A_31 = arith.extui %eq3A_30 : i1 to i32
    %cond3A_32 = arith.constant 0 : i32
    %cond3A_33 = arith.cmpi ne, %convert_element_type3A_31, %cond3A_32 : i32
    scf.if %cond3A_33 {
      "tpu.region"() ({
        %run_scoped3A = tpu.sem_alloc : memref<!tpu.dma_semaphore, #tpu.memory_space<semaphore_mem>>
        %dma_start3A_93 = arith.constant 0 : i32
        %dma_start3A_94 = arith.constant 0 : i32
        %dma_start3A_95 = tpu.memref_slice %arg21[%dma_start3A_93, %dma_start3A_94] : memref<104x16xf32, #tpu.memory_space<vmem>> -> memref<16x16xf32, #tpu.memory_space<vmem>>
        %dma_start3A_96 = arith.constant 9984 : i32
        %dma_start3A_97 = arith.constant 0 : i32
        %dma_start3A_98 = tpu.memref_slice %arg22[%dma_start3A_96, %dma_start3A_97] : memref<10000x16xf32, #tpu.memory_space<vmem_shared>> -> memref<16x16xf32, #tpu.memory_space<vmem_shared>>
        %dma_start3A_99 = arith.constant 9984 : i32
        %dma_start3A_100 = arith.constant 0 : i32
        %dma_start3A_101 = tpu.memref_slice %arg22[%dma_start3A_99, %dma_start3A_100] : memref<10000x16xf32, #tpu.memory_space<vmem_shared>> -> memref<16x16xf32, #tpu.memory_space<vmem_shared>>
        %dma_start3A_102 = arith.constant 0 : i32
        %dma_start3A_103 = arith.constant 0 : i32
        %dma_start3A_104 = tpu.memref_slice %arg21[%dma_start3A_102, %dma_start3A_103] : memref<104x16xf32, #tpu.memory_space<vmem>> -> memref<16x16xf32, #tpu.memory_space<vmem>>
        tpu.enqueue_dma source(%dma_start3A_104 : memref<16x16xf32, #tpu.memory_space<vmem>>) target(%dma_start3A_101 : memref<16x16xf32, #tpu.memory_space<vmem_shared>>) target_semaphore(%run_scoped3A : memref<!tpu.dma_semaphore, #tpu.memory_space<semaphore_mem>>)
        %dma_wait3A = arith.constant 0 : i32
        %dma_wait3A_105 = arith.constant 0 : i32
        %dma_wait3A_106 = tpu.memref_slice %arg21[%dma_wait3A, %dma_wait3A_105] : memref<104x16xf32, #tpu.memory_space<vmem>> -> memref<16x16xf32, #tpu.memory_space<vmem>>
        %dma_wait3A_107 = arith.constant 9984 : i32
        %dma_wait3A_108 = arith.constant 0 : i32
        %dma_wait3A_109 = tpu.memref_slice %arg22[%dma_wait3A_107, %dma_wait3A_108] : memref<10000x16xf32, #tpu.memory_space<vmem_shared>> -> memref<16x16xf32, #tpu.memory_space<vmem_shared>>
        %dma_wait3A_110 = arith.constant 9984 : i32
        %dma_wait3A_111 = arith.constant 0 : i32
        %dma_wait3A_112 = tpu.memref_slice %arg22[%dma_wait3A_110, %dma_wait3A_111] : memref<10000x16xf32, #tpu.memory_space<vmem_shared>> -> memref<16x16xf32, #tpu.memory_space<vmem_shared>>
        %dma_wait3A_113 = arith.constant 0 : i32
        %dma_wait3A_114 = arith.constant 0 : i32
        %dma_wait3A_115 = tpu.memref_slice %arg21[%dma_wait3A_113, %dma_wait3A_114] : memref<104x16xf32, #tpu.memory_space<vmem>> -> memref<16x16xf32, #tpu.memory_space<vmem>>
        tpu.wait_dma2 semaphore(%run_scoped3A : memref<!tpu.dma_semaphore, #tpu.memory_space<semaphore_mem>>) src(%dma_wait3A_115 : memref<16x16xf32, #tpu.memory_space<vmem>>) dst(%dma_wait3A_112 : memref<16x16xf32, #tpu.memory_space<vmem_shared>>)
        tpu.yield
      }) : () -> ()
    } else {
    }
    %barrier3A = arith.constant 0 : index
    tpu.barrier barrier_id(%barrier3A)
    %dma_start3A = arith.constant 0 : i32
    %dma_start3A_34 = arith.constant 0 : i32
    %dma_start3A_35 = tpu.memref_slice %arg12[%dma_start3A, %dma_start3A_34] : memref<250x40xi32, #tpu.memory_space<vmem>> -> memref<1x40xi32, #tpu.memory_space<vmem>>
    %dma_start3A_36 = tpu.memref_squeeze %dma_start3A_35 : memref<1x40xi32, #tpu.memory_space<vmem>> -> memref<40xi32, #tpu.memory_space<vmem>>
    %dma_start3A_37 = arith.constant 0 : i32
    %dma_start3A_38 = arith.constant 0 : i32
    %dma_start3A_39 = tpu.memref_slice %arg2[%dma_start3A_37, %dma_start3A_38] : memref<10000x64xf32, #tpu.memory_space<hbm>> -> memref<10000x64xf32, #tpu.memory_space<hbm>>
    tpu.enqueue_indirect_dma source(%dma_start3A_39 : memref<10000x64xf32, #tpu.memory_space<hbm>>) target(%arg14 : memref<40x64xf32, #tpu.memory_space<vmem>>) offsets(%dma_start3A_36 : memref<40xi32, #tpu.memory_space<vmem>>) semaphore(%arg18 : memref<!tpu.dma_semaphore, #tpu.memory_space<semaphore_mem>>)
    %scan3A = arith.constant 0 : i32
    %scan3A_40 = arith.constant 0 : i32
    %scan3A_41 = arith.constant 125 : i32
    %scan3A_42 = arith.addi %scan3A_40, %scan3A_41 : i32
    %scan3A_43 = arith.constant 1 : i32
    scf.for %scan3A_93 = %scan3A_40 to %scan3A_42 step %scan3A_43  : i32 {
      %mul3A_94 = arith.constant 2 : i32
      %mul3A_95 = arith.muli %mul3A_94, %scan3A_93 : i32
      %add3A_96 = arith.constant 1 : i32
      %add3A_97 = arith.addi %mul3A_95, %add3A_96 : i32
      %dma_start3A_98 = arith.constant 0 : i32
      %dma_start3A_99 = tpu.memref_slice %arg12[%add3A_97, %dma_start3A_98] : memref<250x40xi32, #tpu.memory_space<vmem>> -> memref<1x40xi32, #tpu.memory_space<vmem>>
      %dma_start3A_100 = tpu.memref_squeeze %dma_start3A_99 : memref<1x40xi32, #tpu.memory_space<vmem>> -> memref<40xi32, #tpu.memory_space<vmem>>
      %dma_start3A_101 = arith.constant 0 : i32
      %dma_start3A_102 = arith.constant 0 : i32
      %dma_start3A_103 = tpu.memref_slice %arg2[%dma_start3A_101, %dma_start3A_102] : memref<10000x64xf32, #tpu.memory_space<hbm>> -> memref<10000x64xf32, #tpu.memory_space<hbm>>
      tpu.enqueue_indirect_dma source(%dma_start3A_103 : memref<10000x64xf32, #tpu.memory_space<hbm>>) target(%arg15 : memref<40x64xf32, #tpu.memory_space<vmem>>) offsets(%dma_start3A_100 : memref<40xi32, #tpu.memory_space<vmem>>) semaphore(%arg19 : memref<!tpu.dma_semaphore, #tpu.memory_space<semaphore_mem>>)
      %dma_wait3A = arith.constant 0 : i32
      %dma_wait3A_104 = arith.constant 0 : i32
      %dma_wait3A_105 = tpu.memref_slice %arg12[%dma_wait3A, %dma_wait3A_104] : memref<250x40xi32, #tpu.memory_space<vmem>> -> memref<1x40xi32, #tpu.memory_space<vmem>>
      %dma_wait3A_106 = tpu.memref_squeeze %dma_wait3A_105 : memref<1x40xi32, #tpu.memory_space<vmem>> -> memref<40xi32, #tpu.memory_space<vmem>>
      %dma_wait3A_107 = arith.constant 0 : i32
      %dma_wait3A_108 = arith.constant 0 : i32
      %dma_wait3A_109 = tpu.memref_slice %arg2[%dma_wait3A_107, %dma_wait3A_108] : memref<10000x64xf32, #tpu.memory_space<hbm>> -> memref<10000x64xf32, #tpu.memory_space<hbm>>
      tpu.wait_indirect_dma semaphore(%arg18 : memref<!tpu.dma_semaphore, #tpu.memory_space<semaphore_mem>>) src(%dma_wait3A_109 : memref<10000x64xf32, #tpu.memory_space<hbm>>) dst(%arg14 : memref<40x64xf32, #tpu.memory_space<vmem>>)
      "tpu.region"() ({
        %run_scoped3A = tpu.sem_alloc : memref<!tpu.dma_semaphore, #tpu.memory_space<semaphore_mem>>
        %dma_start3A_123 = arith.constant 0 : i32
        %dma_start3A_124 = tpu.memref_slice %arg13[%mul3A_95, %dma_start3A_123] : memref<250x40xi32, #tpu.memory_space<vmem>> -> memref<1x40xi32, #tpu.memory_space<vmem>>
        %dma_start3A_125 = tpu.memref_squeeze %dma_start3A_124 : memref<1x40xi32, #tpu.memory_space<vmem>> -> memref<40xi32, #tpu.memory_space<vmem>>
        %dma_start3A_126 = arith.constant 0 : i32
        %dma_start3A_127 = arith.constant 0 : i32
        %dma_start3A_128 = tpu.memref_slice %arg17[%dma_start3A_126, %dma_start3A_127] : memref<10000x64xf32, #tpu.memory_space<vmem_shared>> -> memref<10000x64xf32, #tpu.memory_space<vmem_shared>>
        tpu.enqueue_indirect_dma source(%arg14 : memref<40x64xf32, #tpu.memory_space<vmem>>) target(%dma_start3A_128 : memref<10000x64xf32, #tpu.memory_space<vmem_shared>>) offsets(%dma_start3A_125 : memref<40xi32, #tpu.memory_space<vmem>>) semaphore(%run_scoped3A : memref<!tpu.dma_semaphore, #tpu.memory_space<semaphore_mem>>) {add = true}
        %dma_wait3A_129 = arith.constant 0 : i32
        %dma_wait3A_130 = tpu.memref_slice %arg13[%mul3A_95, %dma_wait3A_129] : memref<250x40xi32, #tpu.memory_space<vmem>> -> memref<1x40xi32, #tpu.memory_space<vmem>>
        %dma_wait3A_131 = tpu.memref_squeeze %dma_wait3A_130 : memref<1x40xi32, #tpu.memory_space<vmem>> -> memref<40xi32, #tpu.memory_space<vmem>>
        %dma_wait3A_132 = arith.constant 0 : i32
        %dma_wait3A_133 = arith.constant 0 : i32
        %dma_wait3A_134 = tpu.memref_slice %arg17[%dma_wait3A_132, %dma_wait3A_133] : memref<10000x64xf32, #tpu.memory_space<vmem_shared>> -> memref<10000x64xf32, #tpu.memory_space<vmem_shared>>
        tpu.wait_indirect_dma semaphore(%run_scoped3A : memref<!tpu.dma_semaphore, #tpu.memory_space<semaphore_mem>>) src(%arg14 : memref<40x64xf32, #tpu.memory_space<vmem>>) dst(%dma_wait3A_134 : memref<10000x64xf32, #tpu.memory_space<vmem_shared>>)
        tpu.yield
      }) : () -> ()
      "tpu.region"() ({
        %run_scoped3A = tpu.sem_alloc : memref<!tpu.dma_semaphore, #tpu.memory_space<semaphore_mem>>
        %dma_start3A_123 = arith.constant 0 : i32
        %dma_start3A_124 = tpu.memref_slice %arg13[%mul3A_95, %dma_start3A_123] : memref<250x40xi32, #tpu.memory_space<vmem>> -> memref<1x40xi32, #tpu.memory_space<vmem>>
        %dma_start3A_125 = tpu.memref_squeeze %dma_start3A_124 : memref<1x40xi32, #tpu.memory_space<vmem>> -> memref<40xi32, #tpu.memory_space<vmem>>
        %dma_start3A_126 = arith.constant 0 : i32
        %dma_start3A_127 = arith.constant 0 : i32
        %dma_start3A_128 = tpu.memref_slice %arg22[%dma_start3A_126, %dma_start3A_127] : memref<10000x16xf32, #tpu.memory_space<vmem_shared>> -> memref<10000x16xf32, #tpu.memory_space<vmem_shared>>
        tpu.enqueue_indirect_dma source(%arg20 : memref<40x16xf32, #tpu.memory_space<vmem>>) target(%dma_start3A_128 : memref<10000x16xf32, #tpu.memory_space<vmem_shared>>) offsets(%dma_start3A_125 : memref<40xi32, #tpu.memory_space<vmem>>) semaphore(%run_scoped3A : memref<!tpu.dma_semaphore, #tpu.memory_space<semaphore_mem>>) {add = true}
        %dma_wait3A_129 = arith.constant 0 : i32
        %dma_wait3A_130 = tpu.memref_slice %arg13[%mul3A_95, %dma_wait3A_129] : memref<250x40xi32, #tpu.memory_space<vmem>> -> memref<1x40xi32, #tpu.memory_space<vmem>>
        %dma_wait3A_131 = tpu.memref_squeeze %dma_wait3A_130 : memref<1x40xi32, #tpu.memory_space<vmem>> -> memref<40xi32, #tpu.memory_space<vmem>>
        %dma_wait3A_132 = arith.constant 0 : i32
        %dma_wait3A_133 = arith.constant 0 : i32
        %dma_wait3A_134 = tpu.memref_slice %arg22[%dma_wait3A_132, %dma_wait3A_133] : memref<10000x16xf32, #tpu.memory_space<vmem_shared>> -> memref<10000x16xf32, #tpu.memory_space<vmem_shared>>
        tpu.wait_indirect_dma semaphore(%run_scoped3A : memref<!tpu.dma_semaphore, #tpu.memory_space<semaphore_mem>>) src(%arg20 : memref<40x16xf32, #tpu.memory_space<vmem>>) dst(%dma_wait3A_134 : memref<10000x16xf32, #tpu.memory_space<vmem_shared>>)
        tpu.yield
      }) : () -> ()
      %add3A_110 = arith.constant 1 : i32
      %add3A_111 = arith.addi %add3A_97, %add3A_110 : i32
      %lt3A = arith.constant 250 : i32
      %lt3A_112 = arith.cmpi slt, %add3A_111, %lt3A : i32
      %convert_element_type3A_113 = arith.extui %lt3A_112 : i1 to i32
      %cond3A_114 = arith.constant 0 : i32
      %cond3A_115 = arith.cmpi ne, %convert_element_type3A_113, %cond3A_114 : i32
      scf.if %cond3A_115 {
        %add3A_123 = arith.constant 1 : i32
        %add3A_124 = arith.addi %add3A_97, %add3A_123 : i32
        %dma_start3A_125 = arith.constant 0 : i32
        %dma_start3A_126 = tpu.memref_slice %arg12[%add3A_124, %dma_start3A_125] : memref<250x40xi32, #tpu.memory_space<vmem>> -> memref<1x40xi32, #tpu.memory_space<vmem>>
        %dma_start3A_127 = tpu.memref_squeeze %dma_start3A_126 : memref<1x40xi32, #tpu.memory_space<vmem>> -> memref<40xi32, #tpu.memory_space<vmem>>
        %dma_start3A_128 = arith.constant 0 : i32
        %dma_start3A_129 = arith.constant 0 : i32
        %dma_start3A_130 = tpu.memref_slice %arg2[%dma_start3A_128, %dma_start3A_129] : memref<10000x64xf32, #tpu.memory_space<hbm>> -> memref<10000x64xf32, #tpu.memory_space<hbm>>
        tpu.enqueue_indirect_dma source(%dma_start3A_130 : memref<10000x64xf32, #tpu.memory_space<hbm>>) target(%arg14 : memref<40x64xf32, #tpu.memory_space<vmem>>) offsets(%dma_start3A_127 : memref<40xi32, #tpu.memory_space<vmem>>) semaphore(%arg18 : memref<!tpu.dma_semaphore, #tpu.memory_space<semaphore_mem>>)
      } else {
      }
      %dma_wait3A_116 = arith.constant 0 : i32
      %dma_wait3A_117 = arith.constant 0 : i32
      %dma_wait3A_118 = tpu.memref_slice %arg12[%dma_wait3A_116, %dma_wait3A_117] : memref<250x40xi32, #tpu.memory_space<vmem>> -> memref<1x40xi32, #tpu.memory_space<vmem>>
      %dma_wait3A_119 = tpu.memref_squeeze %dma_wait3A_118 : memref<1x40xi32, #tpu.memory_space<vmem>> -> memref<40xi32, #tpu.memory_space<vmem>>
      %dma_wait3A_120 = arith.constant 0 : i32
      %dma_wait3A_121 = arith.constant 0 : i32
      %dma_wait3A_122 = tpu.memref_slice %arg2[%dma_wait3A_120, %dma_wait3A_121] : memref<10000x64xf32, #tpu.memory_space<hbm>> -> memref<10000x64xf32, #tpu.memory_space<hbm>>
      tpu.wait_indirect_dma semaphore(%arg19 : memref<!tpu.dma_semaphore, #tpu.memory_space<semaphore_mem>>) src(%dma_wait3A_122 : memref<10000x64xf32, #tpu.memory_space<hbm>>) dst(%arg15 : memref<40x64xf32, #tpu.memory_space<vmem>>)
      "tpu.region"() ({
        %run_scoped3A = tpu.sem_alloc : memref<!tpu.dma_semaphore, #tpu.memory_space<semaphore_mem>>
        %dma_start3A_123 = arith.constant 0 : i32
        %dma_start3A_124 = tpu.memref_slice %arg13[%add3A_97, %dma_start3A_123] : memref<250x40xi32, #tpu.memory_space<vmem>> -> memref<1x40xi32, #tpu.memory_space<vmem>>
        %dma_start3A_125 = tpu.memref_squeeze %dma_start3A_124 : memref<1x40xi32, #tpu.memory_space<vmem>> -> memref<40xi32, #tpu.memory_space<vmem>>
        %dma_start3A_126 = arith.constant 0 : i32
        %dma_start3A_127 = arith.constant 0 : i32
        %dma_start3A_128 = tpu.memref_slice %arg17[%dma_start3A_126, %dma_start3A_127] : memref<10000x64xf32, #tpu.memory_space<vmem_shared>> -> memref<10000x64xf32, #tpu.memory_space<vmem_shared>>
        tpu.enqueue_indirect_dma source(%arg15 : memref<40x64xf32, #tpu.memory_space<vmem>>) target(%dma_start3A_128 : memref<10000x64xf32, #tpu.memory_space<vmem_shared>>) offsets(%dma_start3A_125 : memref<40xi32, #tpu.memory_space<vmem>>) semaphore(%run_scoped3A : memref<!tpu.dma_semaphore, #tpu.memory_space<semaphore_mem>>) {add = true}
        %dma_wait3A_129 = arith.constant 0 : i32
        %dma_wait3A_130 = tpu.memref_slice %arg13[%add3A_97, %dma_wait3A_129] : memref<250x40xi32, #tpu.memory_space<vmem>> -> memref<1x40xi32, #tpu.memory_space<vmem>>
        %dma_wait3A_131 = tpu.memref_squeeze %dma_wait3A_130 : memref<1x40xi32, #tpu.memory_space<vmem>> -> memref<40xi32, #tpu.memory_space<vmem>>
        %dma_wait3A_132 = arith.constant 0 : i32
        %dma_wait3A_133 = arith.constant 0 : i32
        %dma_wait3A_134 = tpu.memref_slice %arg17[%dma_wait3A_132, %dma_wait3A_133] : memref<10000x64xf32, #tpu.memory_space<vmem_shared>> -> memref<10000x64xf32, #tpu.memory_space<vmem_shared>>
        tpu.wait_indirect_dma semaphore(%run_scoped3A : memref<!tpu.dma_semaphore, #tpu.memory_space<semaphore_mem>>) src(%arg15 : memref<40x64xf32, #tpu.memory_space<vmem>>) dst(%dma_wait3A_134 : memref<10000x64xf32, #tpu.memory_space<vmem_shared>>)
        tpu.yield
      }) : () -> ()
      "tpu.region"() ({
        %run_scoped3A = tpu.sem_alloc : memref<!tpu.dma_semaphore, #tpu.memory_space<semaphore_mem>>
        %dma_start3A_123 = arith.constant 0 : i32
        %dma_start3A_124 = tpu.memref_slice %arg13[%add3A_97, %dma_start3A_123] : memref<250x40xi32, #tpu.memory_space<vmem>> -> memref<1x40xi32, #tpu.memory_space<vmem>>
        %dma_start3A_125 = tpu.memref_squeeze %dma_start3A_124 : memref<1x40xi32, #tpu.memory_space<vmem>> -> memref<40xi32, #tpu.memory_space<vmem>>
        %dma_start3A_126 = arith.constant 0 : i32
        %dma_start3A_127 = arith.constant 0 : i32
        %dma_start3A_128 = tpu.memref_slice %arg22[%dma_start3A_126, %dma_start3A_127] : memref<10000x16xf32, #tpu.memory_space<vmem_shared>> -> memref<10000x16xf32, #tpu.memory_space<vmem_shared>>
        tpu.enqueue_indirect_dma source(%arg20 : memref<40x16xf32, #tpu.memory_space<vmem>>) target(%dma_start3A_128 : memref<10000x16xf32, #tpu.memory_space<vmem_shared>>) offsets(%dma_start3A_125 : memref<40xi32, #tpu.memory_space<vmem>>) semaphore(%run_scoped3A : memref<!tpu.dma_semaphore, #tpu.memory_space<semaphore_mem>>) {add = true}
        %dma_wait3A_129 = arith.constant 0 : i32
        %dma_wait3A_130 = tpu.memref_slice %arg13[%add3A_97, %dma_wait3A_129] : memref<250x40xi32, #tpu.memory_space<vmem>> -> memref<1x40xi32, #tpu.memory_space<vmem>>
        %dma_wait3A_131 = tpu.memref_squeeze %dma_wait3A_130 : memref<1x40xi32, #tpu.memory_space<vmem>> -> memref<40xi32, #tpu.memory_space<vmem>>
        %dma_wait3A_132 = arith.constant 0 : i32
        %dma_wait3A_133 = arith.constant 0 : i32
        %dma_wait3A_134 = tpu.memref_slice %arg22[%dma_wait3A_132, %dma_wait3A_133] : memref<10000x16xf32, #tpu.memory_space<vmem_shared>> -> memref<10000x16xf32, #tpu.memory_space<vmem_shared>>
        tpu.wait_indirect_dma semaphore(%run_scoped3A : memref<!tpu.dma_semaphore, #tpu.memory_space<semaphore_mem>>) src(%arg20 : memref<40x16xf32, #tpu.memory_space<vmem>>) dst(%dma_wait3A_134 : memref<10000x16xf32, #tpu.memory_space<vmem_shared>>)
        tpu.yield
      }) : () -> ()
    }
    %scan3A_44 = arith.constant 125 : i32
    %barrier3A_45 = arith.constant 0 : index
    tpu.barrier barrier_id(%barrier3A_45)
    "tpu.region"() ({
      %run_scoped3A = tpu.sem_alloc : memref<!tpu.dma_semaphore, #tpu.memory_space<semaphore_mem>>
      %dma_start3A_93 = arith.constant 0 : i32
      %dma_start3A_94 = tpu.memref_slice %arg9[%arg0, %mul3A_2, %dma_start3A_93] : memref<2x10000x64xf32, #tpu.memory_space<hbm>> -> memref<1x624x64xf32, #tpu.memory_space<hbm>>
      %dma_start3A_95 = tpu.memref_squeeze %dma_start3A_94 : memref<1x624x64xf32, #tpu.memory_space<hbm>> -> memref<624x64xf32, #tpu.memory_space<hbm>>
      %dma_start3A_96 = arith.constant 0 : i32
      %dma_start3A_97 = tpu.memref_slice %arg17[%mul3A_2, %dma_start3A_96] : memref<10000x64xf32, #tpu.memory_space<vmem_shared>> -> memref<624x64xf32, #tpu.memory_space<vmem_shared>>
      tpu.enqueue_dma source(%dma_start3A_97 : memref<624x64xf32, #tpu.memory_space<vmem_shared>>) target(%dma_start3A_95 : memref<624x64xf32, #tpu.memory_space<hbm>>) target_semaphore(%run_scoped3A : memref<!tpu.dma_semaphore, #tpu.memory_space<semaphore_mem>>)
      %dma_wait3A = arith.constant 0 : i32
      %dma_wait3A_98 = tpu.memref_slice %arg9[%arg0, %mul3A_2, %dma_wait3A] : memref<2x10000x64xf32, #tpu.memory_space<hbm>> -> memref<1x624x64xf32, #tpu.memory_space<hbm>>
      %dma_wait3A_99 = tpu.memref_squeeze %dma_wait3A_98 : memref<1x624x64xf32, #tpu.memory_space<hbm>> -> memref<624x64xf32, #tpu.memory_space<hbm>>
      %dma_wait3A_100 = arith.constant 0 : i32
      %dma_wait3A_101 = tpu.memref_slice %arg17[%mul3A_2, %dma_wait3A_100] : memref<10000x64xf32, #tpu.memory_space<vmem_shared>> -> memref<624x64xf32, #tpu.memory_space<vmem_shared>>
      tpu.wait_dma2 semaphore(%run_scoped3A : memref<!tpu.dma_semaphore, #tpu.memory_space<semaphore_mem>>) src(%dma_wait3A_101 : memref<624x64xf32, #tpu.memory_space<vmem_shared>>) dst(%dma_wait3A_99 : memref<624x64xf32, #tpu.memory_space<hbm>>)
      tpu.yield
    }) : () -> ()
    %eq3A_46 = arith.constant 15 : i32
    %eq3A_47 = arith.cmpi eq, %arg1, %eq3A_46 : i32
    %convert_element_type3A_48 = arith.extui %eq3A_47 : i1 to i32
    %cond3A_49 = arith.constant 0 : i32
    %cond3A_50 = arith.cmpi ne, %convert_element_type3A_48, %cond3A_49 : i32
    scf.if %cond3A_50 {
      "tpu.region"() ({
        %run_scoped3A = tpu.sem_alloc : memref<!tpu.dma_semaphore, #tpu.memory_space<semaphore_mem>>
        %dma_start3A_93 = arith.constant 9984 : i32
        %dma_start3A_94 = arith.constant 0 : i32
        %dma_start3A_95 = tpu.memref_slice %arg9[%arg0, %dma_start3A_93, %dma_start3A_94] : memref<2x10000x64xf32, #tpu.memory_space<hbm>> -> memref<1x16x64xf32, #tpu.memory_space<hbm>>
        %dma_start3A_96 = tpu.memref_squeeze %dma_start3A_95 : memref<1x16x64xf32, #tpu.memory_space<hbm>> -> memref<16x64xf32, #tpu.memory_space<hbm>>
        %dma_start3A_97 = arith.constant 9984 : i32
        %dma_start3A_98 = arith.constant 0 : i32
        %dma_start3A_99 = tpu.memref_slice %arg17[%dma_start3A_97, %dma_start3A_98] : memref<10000x64xf32, #tpu.memory_space<vmem_shared>> -> memref<16x64xf32, #tpu.memory_space<vmem_shared>>
        tpu.enqueue_dma source(%dma_start3A_99 : memref<16x64xf32, #tpu.memory_space<vmem_shared>>) target(%dma_start3A_96 : memref<16x64xf32, #tpu.memory_space<hbm>>) target_semaphore(%run_scoped3A : memref<!tpu.dma_semaphore, #tpu.memory_space<semaphore_mem>>)
        %dma_wait3A = arith.constant 9984 : i32
        %dma_wait3A_100 = arith.constant 0 : i32
        %dma_wait3A_101 = tpu.memref_slice %arg9[%arg0, %dma_wait3A, %dma_wait3A_100] : memref<2x10000x64xf32, #tpu.memory_space<hbm>> -> memref<1x16x64xf32, #tpu.memory_space<hbm>>
        %dma_wait3A_102 = tpu.memref_squeeze %dma_wait3A_101 : memref<1x16x64xf32, #tpu.memory_space<hbm>> -> memref<16x64xf32, #tpu.memory_space<hbm>>
        %dma_wait3A_103 = arith.constant 9984 : i32
        %dma_wait3A_104 = arith.constant 0 : i32
        %dma_wait3A_105 = tpu.memref_slice %arg17[%dma_wait3A_103, %dma_wait3A_104] : memref<10000x64xf32, #tpu.memory_space<vmem_shared>> -> memref<16x64xf32, #tpu.memory_space<vmem_shared>>
        tpu.wait_dma2 semaphore(%run_scoped3A : memref<!tpu.dma_semaphore, #tpu.memory_space<semaphore_mem>>) src(%dma_wait3A_105 : memref<16x64xf32, #tpu.memory_space<vmem_shared>>) dst(%dma_wait3A_102 : memref<16x64xf32, #tpu.memory_space<hbm>>)
        tpu.yield
      }) : () -> ()
    } else {
    }
    "tpu.region"() ({
      %run_scoped3A = tpu.sem_alloc : memref<!tpu.dma_semaphore, #tpu.memory_space<semaphore_mem>>
      %dma_start3A_93 = arith.constant 0 : i32
      %dma_start3A_94 = tpu.memref_slice %arg11[%arg0, %mul3A_2, %dma_start3A_93] : memref<2x10000x16xf32, #tpu.memory_space<hbm>> -> memref<1x624x16xf32, #tpu.memory_space<hbm>>
      %dma_start3A_95 = tpu.memref_squeeze %dma_start3A_94 : memref<1x624x16xf32, #tpu.memory_space<hbm>> -> memref<624x16xf32, #tpu.memory_space<hbm>>
      %dma_start3A_96 = arith.constant 0 : i32
      %dma_start3A_97 = tpu.memref_slice %arg22[%mul3A_2, %dma_start3A_96] : memref<10000x16xf32, #tpu.memory_space<vmem_shared>> -> memref<624x16xf32, #tpu.memory_space<vmem_shared>>
      tpu.enqueue_dma source(%dma_start3A_97 : memref<624x16xf32, #tpu.memory_space<vmem_shared>>) target(%dma_start3A_95 : memref<624x16xf32, #tpu.memory_space<hbm>>) target_semaphore(%run_scoped3A : memref<!tpu.dma_semaphore, #tpu.memory_space<semaphore_mem>>)
      %dma_wait3A = arith.constant 0 : i32
      %dma_wait3A_98 = tpu.memref_slice %arg11[%arg0, %mul3A_2, %dma_wait3A] : memref<2x10000x16xf32, #tpu.memory_space<hbm>> -> memref<1x624x16xf32, #tpu.memory_space<hbm>>
      %dma_wait3A_99 = tpu.memref_squeeze %dma_wait3A_98 : memref<1x624x16xf32, #tpu.memory_space<hbm>> -> memref<624x16xf32, #tpu.memory_space<hbm>>
      %dma_wait3A_100 = arith.constant 0 : i32
      %dma_wait3A_101 = tpu.memref_slice %arg22[%mul3A_2, %dma_wait3A_100] : memref<10000x16xf32, #tpu.memory_space<vmem_shared>> -> memref<624x16xf32, #tpu.memory_space<vmem_shared>>
      tpu.wait_dma2 semaphore(%run_scoped3A : memref<!tpu.dma_semaphore, #tpu.memory_space<semaphore_mem>>) src(%dma_wait3A_101 : memref<624x16xf32, #tpu.memory_space<vmem_shared>>) dst(%dma_wait3A_99 : memref<624x16xf32, #tpu.memory_space<hbm>>)
      tpu.yield
    }) : () -> ()
    %eq3A_51 = arith.constant 15 : i32
    %eq3A_52 = arith.cmpi eq, %arg1, %eq3A_51 : i32
    %convert_element_type3A_53 = arith.extui %eq3A_52 : i1 to i32
    %cond3A_54 = arith.constant 0 : i32
    %cond3A_55 = arith.cmpi ne, %convert_element_type3A_53, %cond3A_54 : i32
    scf.if %cond3A_55 {
      "tpu.region"() ({
        %run_scoped3A = tpu.sem_alloc : memref<!tpu.dma_semaphore, #tpu.memory_space<semaphore_mem>>
        %dma_start3A_93 = arith.constant 9984 : i32
        %dma_start3A_94 = arith.constant 0 : i32
        %dma_start3A_95 = tpu.memref_slice %arg11[%arg0, %dma_start3A_93, %dma_start3A_94] : memref<2x10000x16xf32, #tpu.memory_space<hbm>> -> memref<1x16x16xf32, #tpu.memory_space<hbm>>
        %dma_start3A_96 = tpu.memref_squeeze %dma_start3A_95 : memref<1x16x16xf32, #tpu.memory_space<hbm>> -> memref<16x16xf32, #tpu.memory_space<hbm>>
        %dma_start3A_97 = arith.constant 9984 : i32
        %dma_start3A_98 = arith.constant 0 : i32
        %dma_start3A_99 = tpu.memref_slice %arg22[%dma_start3A_97, %dma_start3A_98] : memref<10000x16xf32, #tpu.memory_space<vmem_shared>> -> memref<16x16xf32, #tpu.memory_space<vmem_shared>>
        tpu.enqueue_dma source(%dma_start3A_99 : memref<16x16xf32, #tpu.memory_space<vmem_shared>>) target(%dma_start3A_96 : memref<16x16xf32, #tpu.memory_space<hbm>>) target_semaphore(%run_scoped3A : memref<!tpu.dma_semaphore, #tpu.memory_space<semaphore_mem>>)
        %dma_wait3A = arith.constant 9984 : i32
        %dma_wait3A_100 = arith.constant 0 : i32
        %dma_wait3A_101 = tpu.memref_slice %arg11[%arg0, %dma_wait3A, %dma_wait3A_100] : memref<2x10000x16xf32, #tpu.memory_space<hbm>> -> memref<1x16x16xf32, #tpu.memory_space<hbm>>
        %dma_wait3A_102 = tpu.memref_squeeze %dma_wait3A_101 : memref<1x16x16xf32, #tpu.memory_space<hbm>> -> memref<16x16xf32, #tpu.memory_space<hbm>>
        %dma_wait3A_103 = arith.constant 9984 : i32
        %dma_wait3A_104 = arith.constant 0 : i32
        %dma_wait3A_105 = tpu.memref_slice %arg22[%dma_wait3A_103, %dma_wait3A_104] : memref<10000x16xf32, #tpu.memory_space<vmem_shared>> -> memref<16x16xf32, #tpu.memory_space<vmem_shared>>
        tpu.wait_dma2 semaphore(%run_scoped3A : memref<!tpu.dma_semaphore, #tpu.memory_space<semaphore_mem>>) src(%dma_wait3A_105 : memref<16x16xf32, #tpu.memory_space<vmem_shared>>) dst(%dma_wait3A_102 : memref<16x16xf32, #tpu.memory_space<hbm>>)
        tpu.yield
      }) : () -> ()
    } else {
    }
    %add3A_56 = arith.constant 0 : i32
    %add3A_57 = arith.addi %mul3A_2, %add3A_56 : i32
    "tpu.region"() ({
      %run_scoped3A = tpu.sem_alloc : memref<!tpu.dma_semaphore, #tpu.memory_space<semaphore_mem>>
      %dma_start3A_93 = arith.constant 0 : i32
      %dma_start3A_94 = tpu.memref_slice %arg17[%add3A_57, %dma_start3A_93] : memref<10000x64xf32, #tpu.memory_space<vmem_shared>> -> memref<104x64xf32, #tpu.memory_space<vmem_shared>>
      %dma_start3A_95 = arith.constant 0 : i32
      %dma_start3A_96 = tpu.memref_slice %arg17[%add3A_57, %dma_start3A_95] : memref<10000x64xf32, #tpu.memory_space<vmem_shared>> -> memref<104x64xf32, #tpu.memory_space<vmem_shared>>
      tpu.enqueue_dma source(%arg16 : memref<104x64xf32, #tpu.memory_space<vmem>>) target(%dma_start3A_96 : memref<104x64xf32, #tpu.memory_space<vmem_shared>>) target_semaphore(%run_scoped3A : memref<!tpu.dma_semaphore, #tpu.memory_space<semaphore_mem>>)
      %dma_wait3A = arith.constant 0 : i32
      %dma_wait3A_97 = tpu.memref_slice %arg17[%add3A_57, %dma_wait3A] : memref<10000x64xf32, #tpu.memory_space<vmem_shared>> -> memref<104x64xf32, #tpu.memory_space<vmem_shared>>
      %dma_wait3A_98 = arith.constant 0 : i32
      %dma_wait3A_99 = tpu.memref_slice %arg17[%add3A_57, %dma_wait3A_98] : memref<10000x64xf32, #tpu.memory_space<vmem_shared>> -> memref<104x64xf32, #tpu.memory_space<vmem_shared>>
      tpu.wait_dma2 semaphore(%run_scoped3A : memref<!tpu.dma_semaphore, #tpu.memory_space<semaphore_mem>>) src(%arg16 : memref<104x64xf32, #tpu.memory_space<vmem>>) dst(%dma_wait3A_99 : memref<104x64xf32, #tpu.memory_space<vmem_shared>>)
      tpu.yield
    }) : () -> ()
    %add3A_58 = arith.constant 104 : i32
    %add3A_59 = arith.addi %mul3A_2, %add3A_58 : i32
    "tpu.region"() ({
      %run_scoped3A = tpu.sem_alloc : memref<!tpu.dma_semaphore, #tpu.memory_space<semaphore_mem>>
      %dma_start3A_93 = arith.constant 0 : i32
      %dma_start3A_94 = tpu.memref_slice %arg17[%add3A_59, %dma_start3A_93] : memref<10000x64xf32, #tpu.memory_space<vmem_shared>> -> memref<104x64xf32, #tpu.memory_space<vmem_shared>>
      %dma_start3A_95 = arith.constant 0 : i32
      %dma_start3A_96 = tpu.memref_slice %arg17[%add3A_59, %dma_start3A_95] : memref<10000x64xf32, #tpu.memory_space<vmem_shared>> -> memref<104x64xf32, #tpu.memory_space<vmem_shared>>
      tpu.enqueue_dma source(%arg16 : memref<104x64xf32, #tpu.memory_space<vmem>>) target(%dma_start3A_96 : memref<104x64xf32, #tpu.memory_space<vmem_shared>>) target_semaphore(%run_scoped3A : memref<!tpu.dma_semaphore, #tpu.memory_space<semaphore_mem>>)
      %dma_wait3A = arith.constant 0 : i32
      %dma_wait3A_97 = tpu.memref_slice %arg17[%add3A_59, %dma_wait3A] : memref<10000x64xf32, #tpu.memory_space<vmem_shared>> -> memref<104x64xf32, #tpu.memory_space<vmem_shared>>
      %dma_wait3A_98 = arith.constant 0 : i32
      %dma_wait3A_99 = tpu.memref_slice %arg17[%add3A_59, %dma_wait3A_98] : memref<10000x64xf32, #tpu.memory_space<vmem_shared>> -> memref<104x64xf32, #tpu.memory_space<vmem_shared>>
      tpu.wait_dma2 semaphore(%run_scoped3A : memref<!tpu.dma_semaphore, #tpu.memory_space<semaphore_mem>>) src(%arg16 : memref<104x64xf32, #tpu.memory_space<vmem>>) dst(%dma_wait3A_99 : memref<104x64xf32, #tpu.memory_space<vmem_shared>>)
      tpu.yield
    }) : () -> ()
    %add3A_60 = arith.constant 208 : i32
    %add3A_61 = arith.addi %mul3A_2, %add3A_60 : i32
    "tpu.region"() ({
      %run_scoped3A = tpu.sem_alloc : memref<!tpu.dma_semaphore, #tpu.memory_space<semaphore_mem>>
      %dma_start3A_93 = arith.constant 0 : i32
      %dma_start3A_94 = tpu.memref_slice %arg17[%add3A_61, %dma_start3A_93] : memref<10000x64xf32, #tpu.memory_space<vmem_shared>> -> memref<104x64xf32, #tpu.memory_space<vmem_shared>>
      %dma_start3A_95 = arith.constant 0 : i32
      %dma_start3A_96 = tpu.memref_slice %arg17[%add3A_61, %dma_start3A_95] : memref<10000x64xf32, #tpu.memory_space<vmem_shared>> -> memref<104x64xf32, #tpu.memory_space<vmem_shared>>
      tpu.enqueue_dma source(%arg16 : memref<104x64xf32, #tpu.memory_space<vmem>>) target(%dma_start3A_96 : memref<104x64xf32, #tpu.memory_space<vmem_shared>>) target_semaphore(%run_scoped3A : memref<!tpu.dma_semaphore, #tpu.memory_space<semaphore_mem>>)
      %dma_wait3A = arith.constant 0 : i32
      %dma_wait3A_97 = tpu.memref_slice %arg17[%add3A_61, %dma_wait3A] : memref<10000x64xf32, #tpu.memory_space<vmem_shared>> -> memref<104x64xf32, #tpu.memory_space<vmem_shared>>
      %dma_wait3A_98 = arith.constant 0 : i32
      %dma_wait3A_99 = tpu.memref_slice %arg17[%add3A_61, %dma_wait3A_98] : memref<10000x64xf32, #tpu.memory_space<vmem_shared>> -> memref<104x64xf32, #tpu.memory_space<vmem_shared>>
      tpu.wait_dma2 semaphore(%run_scoped3A : memref<!tpu.dma_semaphore, #tpu.memory_space<semaphore_mem>>) src(%arg16 : memref<104x64xf32, #tpu.memory_space<vmem>>) dst(%dma_wait3A_99 : memref<104x64xf32, #tpu.memory_space<vmem_shared>>)
      tpu.yield
    }) : () -> ()
    %add3A_62 = arith.constant 312 : i32
    %add3A_63 = arith.addi %mul3A_2, %add3A_62 : i32
    "tpu.region"() ({
      %run_scoped3A = tpu.sem_alloc : memref<!tpu.dma_semaphore, #tpu.memory_space<semaphore_mem>>
      %dma_start3A_93 = arith.constant 0 : i32
      %dma_start3A_94 = tpu.memref_slice %arg17[%add3A_63, %dma_start3A_93] : memref<10000x64xf32, #tpu.memory_space<vmem_shared>> -> memref<104x64xf32, #tpu.memory_space<vmem_shared>>
      %dma_start3A_95 = arith.constant 0 : i32
      %dma_start3A_96 = tpu.memref_slice %arg17[%add3A_63, %dma_start3A_95] : memref<10000x64xf32, #tpu.memory_space<vmem_shared>> -> memref<104x64xf32, #tpu.memory_space<vmem_shared>>
      tpu.enqueue_dma source(%arg16 : memref<104x64xf32, #tpu.memory_space<vmem>>) target(%dma_start3A_96 : memref<104x64xf32, #tpu.memory_space<vmem_shared>>) target_semaphore(%run_scoped3A : memref<!tpu.dma_semaphore, #tpu.memory_space<semaphore_mem>>)
      %dma_wait3A = arith.constant 0 : i32
      %dma_wait3A_97 = tpu.memref_slice %arg17[%add3A_63, %dma_wait3A] : memref<10000x64xf32, #tpu.memory_space<vmem_shared>> -> memref<104x64xf32, #tpu.memory_space<vmem_shared>>
      %dma_wait3A_98 = arith.constant 0 : i32
      %dma_wait3A_99 = tpu.memref_slice %arg17[%add3A_63, %dma_wait3A_98] : memref<10000x64xf32, #tpu.memory_space<vmem_shared>> -> memref<104x64xf32, #tpu.memory_space<vmem_shared>>
      tpu.wait_dma2 semaphore(%run_scoped3A : memref<!tpu.dma_semaphore, #tpu.memory_space<semaphore_mem>>) src(%arg16 : memref<104x64xf32, #tpu.memory_space<vmem>>) dst(%dma_wait3A_99 : memref<104x64xf32, #tpu.memory_space<vmem_shared>>)
      tpu.yield
    }) : () -> ()
    %add3A_64 = arith.constant 416 : i32
    %add3A_65 = arith.addi %mul3A_2, %add3A_64 : i32
    "tpu.region"() ({
      %run_scoped3A = tpu.sem_alloc : memref<!tpu.dma_semaphore, #tpu.memory_space<semaphore_mem>>
      %dma_start3A_93 = arith.constant 0 : i32
      %dma_start3A_94 = tpu.memref_slice %arg17[%add3A_65, %dma_start3A_93] : memref<10000x64xf32, #tpu.memory_space<vmem_shared>> -> memref<104x64xf32, #tpu.memory_space<vmem_shared>>
      %dma_start3A_95 = arith.constant 0 : i32
      %dma_start3A_96 = tpu.memref_slice %arg17[%add3A_65, %dma_start3A_95] : memref<10000x64xf32, #tpu.memory_space<vmem_shared>> -> memref<104x64xf32, #tpu.memory_space<vmem_shared>>
      tpu.enqueue_dma source(%arg16 : memref<104x64xf32, #tpu.memory_space<vmem>>) target(%dma_start3A_96 : memref<104x64xf32, #tpu.memory_space<vmem_shared>>) target_semaphore(%run_scoped3A : memref<!tpu.dma_semaphore, #tpu.memory_space<semaphore_mem>>)
      %dma_wait3A = arith.constant 0 : i32
      %dma_wait3A_97 = tpu.memref_slice %arg17[%add3A_65, %dma_wait3A] : memref<10000x64xf32, #tpu.memory_space<vmem_shared>> -> memref<104x64xf32, #tpu.memory_space<vmem_shared>>
      %dma_wait3A_98 = arith.constant 0 : i32
      %dma_wait3A_99 = tpu.memref_slice %arg17[%add3A_65, %dma_wait3A_98] : memref<10000x64xf32, #tpu.memory_space<vmem_shared>> -> memref<104x64xf32, #tpu.memory_space<vmem_shared>>
      tpu.wait_dma2 semaphore(%run_scoped3A : memref<!tpu.dma_semaphore, #tpu.memory_space<semaphore_mem>>) src(%arg16 : memref<104x64xf32, #tpu.memory_space<vmem>>) dst(%dma_wait3A_99 : memref<104x64xf32, #tpu.memory_space<vmem_shared>>)
      tpu.yield
    }) : () -> ()
    %add3A_66 = arith.constant 520 : i32
    %add3A_67 = arith.addi %mul3A_2, %add3A_66 : i32
    "tpu.region"() ({
      %run_scoped3A = tpu.sem_alloc : memref<!tpu.dma_semaphore, #tpu.memory_space<semaphore_mem>>
      %dma_start3A_93 = arith.constant 0 : i32
      %dma_start3A_94 = tpu.memref_slice %arg17[%add3A_67, %dma_start3A_93] : memref<10000x64xf32, #tpu.memory_space<vmem_shared>> -> memref<104x64xf32, #tpu.memory_space<vmem_shared>>
      %dma_start3A_95 = arith.constant 0 : i32
      %dma_start3A_96 = tpu.memref_slice %arg17[%add3A_67, %dma_start3A_95] : memref<10000x64xf32, #tpu.memory_space<vmem_shared>> -> memref<104x64xf32, #tpu.memory_space<vmem_shared>>
      tpu.enqueue_dma source(%arg16 : memref<104x64xf32, #tpu.memory_space<vmem>>) target(%dma_start3A_96 : memref<104x64xf32, #tpu.memory_space<vmem_shared>>) target_semaphore(%run_scoped3A : memref<!tpu.dma_semaphore, #tpu.memory_space<semaphore_mem>>)
      %dma_wait3A = arith.constant 0 : i32
      %dma_wait3A_97 = tpu.memref_slice %arg17[%add3A_67, %dma_wait3A] : memref<10000x64xf32, #tpu.memory_space<vmem_shared>> -> memref<104x64xf32, #tpu.memory_space<vmem_shared>>
      %dma_wait3A_98 = arith.constant 0 : i32
      %dma_wait3A_99 = tpu.memref_slice %arg17[%add3A_67, %dma_wait3A_98] : memref<10000x64xf32, #tpu.memory_space<vmem_shared>> -> memref<104x64xf32, #tpu.memory_space<vmem_shared>>
      tpu.wait_dma2 semaphore(%run_scoped3A : memref<!tpu.dma_semaphore, #tpu.memory_space<semaphore_mem>>) src(%arg16 : memref<104x64xf32, #tpu.memory_space<vmem>>) dst(%dma_wait3A_99 : memref<104x64xf32, #tpu.memory_space<vmem_shared>>)
      tpu.yield
    }) : () -> ()
    %eq3A_68 = arith.constant 15 : i32
    %eq3A_69 = arith.cmpi eq, %arg1, %eq3A_68 : i32
    %convert_element_type3A_70 = arith.extui %eq3A_69 : i1 to i32
    %cond3A_71 = arith.constant 0 : i32
    %cond3A_72 = arith.cmpi ne, %convert_element_type3A_70, %cond3A_71 : i32
    scf.if %cond3A_72 {
      "tpu.region"() ({
        %run_scoped3A = tpu.sem_alloc : memref<!tpu.dma_semaphore, #tpu.memory_space<semaphore_mem>>
        %dma_start3A_93 = arith.constant 0 : i32
        %dma_start3A_94 = arith.constant 0 : i32
        %dma_start3A_95 = tpu.memref_slice %arg16[%dma_start3A_93, %dma_start3A_94] : memref<104x64xf32, #tpu.memory_space<vmem>> -> memref<16x64xf32, #tpu.memory_space<vmem>>
        %dma_start3A_96 = arith.constant 9984 : i32
        %dma_start3A_97 = arith.constant 0 : i32
        %dma_start3A_98 = tpu.memref_slice %arg17[%dma_start3A_96, %dma_start3A_97] : memref<10000x64xf32, #tpu.memory_space<vmem_shared>> -> memref<16x64xf32, #tpu.memory_space<vmem_shared>>
        %dma_start3A_99 = arith.constant 9984 : i32
        %dma_start3A_100 = arith.constant 0 : i32
        %dma_start3A_101 = tpu.memref_slice %arg17[%dma_start3A_99, %dma_start3A_100] : memref<10000x64xf32, #tpu.memory_space<vmem_shared>> -> memref<16x64xf32, #tpu.memory_space<vmem_shared>>
        %dma_start3A_102 = arith.constant 0 : i32
        %dma_start3A_103 = arith.constant 0 : i32
        %dma_start3A_104 = tpu.memref_slice %arg16[%dma_start3A_102, %dma_start3A_103] : memref<104x64xf32, #tpu.memory_space<vmem>> -> memref<16x64xf32, #tpu.memory_space<vmem>>
        tpu.enqueue_dma source(%dma_start3A_104 : memref<16x64xf32, #tpu.memory_space<vmem>>) target(%dma_start3A_101 : memref<16x64xf32, #tpu.memory_space<vmem_shared>>) target_semaphore(%run_scoped3A : memref<!tpu.dma_semaphore, #tpu.memory_space<semaphore_mem>>)
        %dma_wait3A = arith.constant 0 : i32
        %dma_wait3A_105 = arith.constant 0 : i32
        %dma_wait3A_106 = tpu.memref_slice %arg16[%dma_wait3A, %dma_wait3A_105] : memref<104x64xf32, #tpu.memory_space<vmem>> -> memref<16x64xf32, #tpu.memory_space<vmem>>
        %dma_wait3A_107 = arith.constant 9984 : i32
        %dma_wait3A_108 = arith.constant 0 : i32
        %dma_wait3A_109 = tpu.memref_slice %arg17[%dma_wait3A_107, %dma_wait3A_108] : memref<10000x64xf32, #tpu.memory_space<vmem_shared>> -> memref<16x64xf32, #tpu.memory_space<vmem_shared>>
        %dma_wait3A_110 = arith.constant 9984 : i32
        %dma_wait3A_111 = arith.constant 0 : i32
        %dma_wait3A_112 = tpu.memref_slice %arg17[%dma_wait3A_110, %dma_wait3A_111] : memref<10000x64xf32, #tpu.memory_space<vmem_shared>> -> memref<16x64xf32, #tpu.memory_space<vmem_shared>>
        %dma_wait3A_113 = arith.constant 0 : i32
        %dma_wait3A_114 = arith.constant 0 : i32
        %dma_wait3A_115 = tpu.memref_slice %arg16[%dma_wait3A_113, %dma_wait3A_114] : memref<104x64xf32, #tpu.memory_space<vmem>> -> memref<16x64xf32, #tpu.memory_space<vmem>>
        tpu.wait_dma2 semaphore(%run_scoped3A : memref<!tpu.dma_semaphore, #tpu.memory_space<semaphore_mem>>) src(%dma_wait3A_115 : memref<16x64xf32, #tpu.memory_space<vmem>>) dst(%dma_wait3A_112 : memref<16x64xf32, #tpu.memory_space<vmem_shared>>)
        tpu.yield
      }) : () -> ()
    } else {
    }
    %barrier3A_73 = arith.constant 0 : index
    tpu.barrier barrier_id(%barrier3A_73)
    %dma_start3A_74 = arith.constant 0 : i32
    %dma_start3A_75 = arith.constant 0 : i32
    %dma_start3A_76 = tpu.memref_slice %arg12[%dma_start3A_74, %dma_start3A_75] : memref<250x40xi32, #tpu.memory_space<vmem>> -> memref<1x40xi32, #tpu.memory_space<vmem>>
    %dma_start3A_77 = tpu.memref_squeeze %dma_start3A_76 : memref<1x40xi32, #tpu.memory_space<vmem>> -> memref<40xi32, #tpu.memory_space<vmem>>
    %dma_start3A_78 = arith.constant 0 : i32
    %dma_start3A_79 = arith.constant 0 : i32
    %dma_start3A_80 = tpu.memref_slice %arg3[%dma_start3A_78, %dma_start3A_79] : memref<10000x64xf32, #tpu.memory_space<hbm>> -> memref<10000x64xf32, #tpu.memory_space<hbm>>
    tpu.enqueue_indirect_dma source(%dma_start3A_80 : memref<10000x64xf32, #tpu.memory_space<hbm>>) target(%arg14 : memref<40x64xf32, #tpu.memory_space<vmem>>) offsets(%dma_start3A_77 : memref<40xi32, #tpu.memory_space<vmem>>) semaphore(%arg18 : memref<!tpu.dma_semaphore, #tpu.memory_space<semaphore_mem>>)
    %scan3A_81 = arith.constant 0 : i32
    %scan3A_82 = arith.constant 0 : i32
    %scan3A_83 = arith.constant 125 : i32
    %scan3A_84 = arith.addi %scan3A_82, %scan3A_83 : i32
    %scan3A_85 = arith.constant 1 : i32
    scf.for %scan3A_93 = %scan3A_82 to %scan3A_84 step %scan3A_85  : i32 {
      %mul3A_94 = arith.constant 2 : i32
      %mul3A_95 = arith.muli %mul3A_94, %scan3A_93 : i32
      %add3A_96 = arith.constant 1 : i32
      %add3A_97 = arith.addi %mul3A_95, %add3A_96 : i32
      %dma_start3A_98 = arith.constant 0 : i32
      %dma_start3A_99 = tpu.memref_slice %arg12[%add3A_97, %dma_start3A_98] : memref<250x40xi32, #tpu.memory_space<vmem>> -> memref<1x40xi32, #tpu.memory_space<vmem>>
      %dma_start3A_100 = tpu.memref_squeeze %dma_start3A_99 : memref<1x40xi32, #tpu.memory_space<vmem>> -> memref<40xi32, #tpu.memory_space<vmem>>
      %dma_start3A_101 = arith.constant 0 : i32
      %dma_start3A_102 = arith.constant 0 : i32
      %dma_start3A_103 = tpu.memref_slice %arg3[%dma_start3A_101, %dma_start3A_102] : memref<10000x64xf32, #tpu.memory_space<hbm>> -> memref<10000x64xf32, #tpu.memory_space<hbm>>
      tpu.enqueue_indirect_dma source(%dma_start3A_103 : memref<10000x64xf32, #tpu.memory_space<hbm>>) target(%arg15 : memref<40x64xf32, #tpu.memory_space<vmem>>) offsets(%dma_start3A_100 : memref<40xi32, #tpu.memory_space<vmem>>) semaphore(%arg19 : memref<!tpu.dma_semaphore, #tpu.memory_space<semaphore_mem>>)
      %dma_wait3A = arith.constant 0 : i32
      %dma_wait3A_104 = arith.constant 0 : i32
      %dma_wait3A_105 = tpu.memref_slice %arg12[%dma_wait3A, %dma_wait3A_104] : memref<250x40xi32, #tpu.memory_space<vmem>> -> memref<1x40xi32, #tpu.memory_space<vmem>>
      %dma_wait3A_106 = tpu.memref_squeeze %dma_wait3A_105 : memref<1x40xi32, #tpu.memory_space<vmem>> -> memref<40xi32, #tpu.memory_space<vmem>>
      %dma_wait3A_107 = arith.constant 0 : i32
      %dma_wait3A_108 = arith.constant 0 : i32
      %dma_wait3A_109 = tpu.memref_slice %arg3[%dma_wait3A_107, %dma_wait3A_108] : memref<10000x64xf32, #tpu.memory_space<hbm>> -> memref<10000x64xf32, #tpu.memory_space<hbm>>
      tpu.wait_indirect_dma semaphore(%arg18 : memref<!tpu.dma_semaphore, #tpu.memory_space<semaphore_mem>>) src(%dma_wait3A_109 : memref<10000x64xf32, #tpu.memory_space<hbm>>) dst(%arg14 : memref<40x64xf32, #tpu.memory_space<vmem>>)
      "tpu.region"() ({
        %run_scoped3A = tpu.sem_alloc : memref<!tpu.dma_semaphore, #tpu.memory_space<semaphore_mem>>
        %dma_start3A_123 = arith.constant 0 : i32
        %dma_start3A_124 = tpu.memref_slice %arg13[%mul3A_95, %dma_start3A_123] : memref<250x40xi32, #tpu.memory_space<vmem>> -> memref<1x40xi32, #tpu.memory_space<vmem>>
        %dma_start3A_125 = tpu.memref_squeeze %dma_start3A_124 : memref<1x40xi32, #tpu.memory_space<vmem>> -> memref<40xi32, #tpu.memory_space<vmem>>
        %dma_start3A_126 = arith.constant 0 : i32
        %dma_start3A_127 = arith.constant 0 : i32
        %dma_start3A_128 = tpu.memref_slice %arg17[%dma_start3A_126, %dma_start3A_127] : memref<10000x64xf32, #tpu.memory_space<vmem_shared>> -> memref<10000x64xf32, #tpu.memory_space<vmem_shared>>
        tpu.enqueue_indirect_dma source(%arg14 : memref<40x64xf32, #tpu.memory_space<vmem>>) target(%dma_start3A_128 : memref<10000x64xf32, #tpu.memory_space<vmem_shared>>) offsets(%dma_start3A_125 : memref<40xi32, #tpu.memory_space<vmem>>) semaphore(%run_scoped3A : memref<!tpu.dma_semaphore, #tpu.memory_space<semaphore_mem>>) {add = true}
        %dma_wait3A_129 = arith.constant 0 : i32
        %dma_wait3A_130 = tpu.memref_slice %arg13[%mul3A_95, %dma_wait3A_129] : memref<250x40xi32, #tpu.memory_space<vmem>> -> memref<1x40xi32, #tpu.memory_space<vmem>>
        %dma_wait3A_131 = tpu.memref_squeeze %dma_wait3A_130 : memref<1x40xi32, #tpu.memory_space<vmem>> -> memref<40xi32, #tpu.memory_space<vmem>>
        %dma_wait3A_132 = arith.constant 0 : i32
        %dma_wait3A_133 = arith.constant 0 : i32
        %dma_wait3A_134 = tpu.memref_slice %arg17[%dma_wait3A_132, %dma_wait3A_133] : memref<10000x64xf32, #tpu.memory_space<vmem_shared>> -> memref<10000x64xf32, #tpu.memory_space<vmem_shared>>
        tpu.wait_indirect_dma semaphore(%run_scoped3A : memref<!tpu.dma_semaphore, #tpu.memory_space<semaphore_mem>>) src(%arg14 : memref<40x64xf32, #tpu.memory_space<vmem>>) dst(%dma_wait3A_134 : memref<10000x64xf32, #tpu.memory_space<vmem_shared>>)
        tpu.yield
      }) : () -> ()
      %add3A_110 = arith.constant 1 : i32
      %add3A_111 = arith.addi %add3A_97, %add3A_110 : i32
      %lt3A = arith.constant 250 : i32
      %lt3A_112 = arith.cmpi slt, %add3A_111, %lt3A : i32
      %convert_element_type3A_113 = arith.extui %lt3A_112 : i1 to i32
      %cond3A_114 = arith.constant 0 : i32
      %cond3A_115 = arith.cmpi ne, %convert_element_type3A_113, %cond3A_114 : i32
      scf.if %cond3A_115 {
        %add3A_123 = arith.constant 1 : i32
        %add3A_124 = arith.addi %add3A_97, %add3A_123 : i32
        %dma_start3A_125 = arith.constant 0 : i32
        %dma_start3A_126 = tpu.memref_slice %arg12[%add3A_124, %dma_start3A_125] : memref<250x40xi32, #tpu.memory_space<vmem>> -> memref<1x40xi32, #tpu.memory_space<vmem>>
        %dma_start3A_127 = tpu.memref_squeeze %dma_start3A_126 : memref<1x40xi32, #tpu.memory_space<vmem>> -> memref<40xi32, #tpu.memory_space<vmem>>
        %dma_start3A_128 = arith.constant 0 : i32
        %dma_start3A_129 = arith.constant 0 : i32
        %dma_start3A_130 = tpu.memref_slice %arg3[%dma_start3A_128, %dma_start3A_129] : memref<10000x64xf32, #tpu.memory_space<hbm>> -> memref<10000x64xf32, #tpu.memory_space<hbm>>
        tpu.enqueue_indirect_dma source(%dma_start3A_130 : memref<10000x64xf32, #tpu.memory_space<hbm>>) target(%arg14 : memref<40x64xf32, #tpu.memory_space<vmem>>) offsets(%dma_start3A_127 : memref<40xi32, #tpu.memory_space<vmem>>) semaphore(%arg18 : memref<!tpu.dma_semaphore, #tpu.memory_space<semaphore_mem>>)
      } else {
      }
      %dma_wait3A_116 = arith.constant 0 : i32
      %dma_wait3A_117 = arith.constant 0 : i32
      %dma_wait3A_118 = tpu.memref_slice %arg12[%dma_wait3A_116, %dma_wait3A_117] : memref<250x40xi32, #tpu.memory_space<vmem>> -> memref<1x40xi32, #tpu.memory_space<vmem>>
      %dma_wait3A_119 = tpu.memref_squeeze %dma_wait3A_118 : memref<1x40xi32, #tpu.memory_space<vmem>> -> memref<40xi32, #tpu.memory_space<vmem>>
      %dma_wait3A_120 = arith.constant 0 : i32
      %dma_wait3A_121 = arith.constant 0 : i32
      %dma_wait3A_122 = tpu.memref_slice %arg3[%dma_wait3A_120, %dma_wait3A_121] : memref<10000x64xf32, #tpu.memory_space<hbm>> -> memref<10000x64xf32, #tpu.memory_space<hbm>>
      tpu.wait_indirect_dma semaphore(%arg19 : memref<!tpu.dma_semaphore, #tpu.memory_space<semaphore_mem>>) src(%dma_wait3A_122 : memref<10000x64xf32, #tpu.memory_space<hbm>>) dst(%arg15 : memref<40x64xf32, #tpu.memory_space<vmem>>)
      "tpu.region"() ({
        %run_scoped3A = tpu.sem_alloc : memref<!tpu.dma_semaphore, #tpu.memory_space<semaphore_mem>>
        %dma_start3A_123 = arith.constant 0 : i32
        %dma_start3A_124 = tpu.memref_slice %arg13[%add3A_97, %dma_start3A_123] : memref<250x40xi32, #tpu.memory_space<vmem>> -> memref<1x40xi32, #tpu.memory_space<vmem>>
        %dma_start3A_125 = tpu.memref_squeeze %dma_start3A_124 : memref<1x40xi32, #tpu.memory_space<vmem>> -> memref<40xi32, #tpu.memory_space<vmem>>
        %dma_start3A_126 = arith.constant 0 : i32
        %dma_start3A_127 = arith.constant 0 : i32
        %dma_start3A_128 = tpu.memref_slice %arg17[%dma_start3A_126, %dma_start3A_127] : memref<10000x64xf32, #tpu.memory_space<vmem_shared>> -> memref<10000x64xf32, #tpu.memory_space<vmem_shared>>
        tpu.enqueue_indirect_dma source(%arg15 : memref<40x64xf32, #tpu.memory_space<vmem>>) target(%dma_start3A_128 : memref<10000x64xf32, #tpu.memory_space<vmem_shared>>) offsets(%dma_start3A_125 : memref<40xi32, #tpu.memory_space<vmem>>) semaphore(%run_scoped3A : memref<!tpu.dma_semaphore, #tpu.memory_space<semaphore_mem>>) {add = true}
        %dma_wait3A_129 = arith.constant 0 : i32
        %dma_wait3A_130 = tpu.memref_slice %arg13[%add3A_97, %dma_wait3A_129] : memref<250x40xi32, #tpu.memory_space<vmem>> -> memref<1x40xi32, #tpu.memory_space<vmem>>
        %dma_wait3A_131 = tpu.memref_squeeze %dma_wait3A_130 : memref<1x40xi32, #tpu.memory_space<vmem>> -> memref<40xi32, #tpu.memory_space<vmem>>
        %dma_wait3A_132 = arith.constant 0 : i32
        %dma_wait3A_133 = arith.constant 0 : i32
        %dma_wait3A_134 = tpu.memref_slice %arg17[%dma_wait3A_132, %dma_wait3A_133] : memref<10000x64xf32, #tpu.memory_space<vmem_shared>> -> memref<10000x64xf32, #tpu.memory_space<vmem_shared>>
        tpu.wait_indirect_dma semaphore(%run_scoped3A : memref<!tpu.dma_semaphore, #tpu.memory_space<semaphore_mem>>) src(%arg15 : memref<40x64xf32, #tpu.memory_space<vmem>>) dst(%dma_wait3A_134 : memref<10000x64xf32, #tpu.memory_space<vmem_shared>>)
        tpu.yield
      }) : () -> ()
    }
    %scan3A_86 = arith.constant 125 : i32
    %barrier3A_87 = arith.constant 0 : index
    tpu.barrier barrier_id(%barrier3A_87)
    "tpu.region"() ({
      %run_scoped3A = tpu.sem_alloc : memref<!tpu.dma_semaphore, #tpu.memory_space<semaphore_mem>>
      %dma_start3A_93 = arith.constant 0 : i32
      %dma_start3A_94 = tpu.memref_slice %arg10[%arg0, %mul3A_2, %dma_start3A_93] : memref<2x10000x64xf32, #tpu.memory_space<hbm>> -> memref<1x624x64xf32, #tpu.memory_space<hbm>>
      %dma_start3A_95 = tpu.memref_squeeze %dma_start3A_94 : memref<1x624x64xf32, #tpu.memory_space<hbm>> -> memref<624x64xf32, #tpu.memory_space<hbm>>
      %dma_start3A_96 = arith.constant 0 : i32
      %dma_start3A_97 = tpu.memref_slice %arg17[%mul3A_2, %dma_start3A_96] : memref<10000x64xf32, #tpu.memory_space<vmem_shared>> -> memref<624x64xf32, #tpu.memory_space<vmem_shared>>
      tpu.enqueue_dma source(%dma_start3A_97 : memref<624x64xf32, #tpu.memory_space<vmem_shared>>) target(%dma_start3A_95 : memref<624x64xf32, #tpu.memory_space<hbm>>) target_semaphore(%run_scoped3A : memref<!tpu.dma_semaphore, #tpu.memory_space<semaphore_mem>>)
      %dma_wait3A = arith.constant 0 : i32
      %dma_wait3A_98 = tpu.memref_slice %arg10[%arg0, %mul3A_2, %dma_wait3A] : memref<2x10000x64xf32, #tpu.memory_space<hbm>> -> memref<1x624x64xf32, #tpu.memory_space<hbm>>
      %dma_wait3A_99 = tpu.memref_squeeze %dma_wait3A_98 : memref<1x624x64xf32, #tpu.memory_space<hbm>> -> memref<624x64xf32, #tpu.memory_space<hbm>>
      %dma_wait3A_100 = arith.constant 0 : i32
      %dma_wait3A_101 = tpu.memref_slice %arg17[%mul3A_2, %dma_wait3A_100] : memref<10000x64xf32, #tpu.memory_space<vmem_shared>> -> memref<624x64xf32, #tpu.memory_space<vmem_shared>>
      tpu.wait_dma2 semaphore(%run_scoped3A : memref<!tpu.dma_semaphore, #tpu.memory_space<semaphore_mem>>) src(%dma_wait3A_101 : memref<624x64xf32, #tpu.memory_space<vmem_shared>>) dst(%dma_wait3A_99 : memref<624x64xf32, #tpu.memory_space<hbm>>)
      tpu.yield
    }) : () -> ()
    %eq3A_88 = arith.constant 15 : i32
    %eq3A_89 = arith.cmpi eq, %arg1, %eq3A_88 : i32
    %convert_element_type3A_90 = arith.extui %eq3A_89 : i1 to i32
    %cond3A_91 = arith.constant 0 : i32
    %cond3A_92 = arith.cmpi ne, %convert_element_type3A_90, %cond3A_91 : i32
    scf.if %cond3A_92 {
      "tpu.region"() ({
        %run_scoped3A = tpu.sem_alloc : memref<!tpu.dma_semaphore, #tpu.memory_space<semaphore_mem>>
        %dma_start3A_93 = arith.constant 9984 : i32
        %dma_start3A_94 = arith.constant 0 : i32
        %dma_start3A_95 = tpu.memref_slice %arg10[%arg0, %dma_start3A_93, %dma_start3A_94] : memref<2x10000x64xf32, #tpu.memory_space<hbm>> -> memref<1x16x64xf32, #tpu.memory_space<hbm>>
        %dma_start3A_96 = tpu.memref_squeeze %dma_start3A_95 : memref<1x16x64xf32, #tpu.memory_space<hbm>> -> memref<16x64xf32, #tpu.memory_space<hbm>>
        %dma_start3A_97 = arith.constant 9984 : i32
        %dma_start3A_98 = arith.constant 0 : i32
        %dma_start3A_99 = tpu.memref_slice %arg17[%dma_start3A_97, %dma_start3A_98] : memref<10000x64xf32, #tpu.memory_space<vmem_shared>> -> memref<16x64xf32, #tpu.memory_space<vmem_shared>>
        tpu.enqueue_dma source(%dma_start3A_99 : memref<16x64xf32, #tpu.memory_space<vmem_shared>>) target(%dma_start3A_96 : memref<16x64xf32, #tpu.memory_space<hbm>>) target_semaphore(%run_scoped3A : memref<!tpu.dma_semaphore, #tpu.memory_space<semaphore_mem>>)
        %dma_wait3A = arith.constant 9984 : i32
        %dma_wait3A_100 = arith.constant 0 : i32
        %dma_wait3A_101 = tpu.memref_slice %arg10[%arg0, %dma_wait3A, %dma_wait3A_100] : memref<2x10000x64xf32, #tpu.memory_space<hbm>> -> memref<1x16x64xf32, #tpu.memory_space<hbm>>
        %dma_wait3A_102 = tpu.memref_squeeze %dma_wait3A_101 : memref<1x16x64xf32, #tpu.memory_space<hbm>> -> memref<16x64xf32, #tpu.memory_space<hbm>>
        %dma_wait3A_103 = arith.constant 9984 : i32
        %dma_wait3A_104 = arith.constant 0 : i32
        %dma_wait3A_105 = tpu.memref_slice %arg17[%dma_wait3A_103, %dma_wait3A_104] : memref<10000x64xf32, #tpu.memory_space<vmem_shared>> -> memref<16x64xf32, #tpu.memory_space<vmem_shared>>
        tpu.wait_dma2 semaphore(%run_scoped3A : memref<!tpu.dma_semaphore, #tpu.memory_space<semaphore_mem>>) src(%dma_wait3A_105 : memref<16x64xf32, #tpu.memory_space<vmem_shared>>) dst(%dma_wait3A_102 : memref<16x64xf32, #tpu.memory_space<hbm>>)
        tpu.yield
      }) : () -> ()
    } else {
    }
    return
  }
}

#map = affine_map<(d0, d1) -> (0, 0)>
#map1 = affine_map<(d0, d1) -> (0, 0, 0)>
module attributes {stable_mosaic.version = 14 : i64} {
  func.func @_sc_body(%arg0: i32, %arg1: i32, %arg2: memref<10000x64xf32, #tpu.memory_space<hbm>>, %arg3: memref<10000x64xf32, #tpu.memory_space<hbm>>, %arg4: memref<32x250x40xi32, #tpu.memory_space<hbm>>, %arg5: memref<32x250x40xi32, #tpu.memory_space<hbm>>, %arg6: memref<104x64xf32, #tpu.memory_space<hbm>>, %arg7: memref<104x16xf32, #tpu.memory_space<hbm>>, %arg8: memref<40x16xf32, #tpu.memory_space<hbm>>, %arg9: memref<2x10000x64xf32, #tpu.memory_space<hbm>>, %arg10: memref<2x10000x64xf32, #tpu.memory_space<hbm>>, %arg11: memref<2x10000x16xf32, #tpu.memory_space<hbm>>, %arg12: memref<250x40xi32, #tpu.memory_space<vmem>>, %arg13: memref<250x40xi32, #tpu.memory_space<vmem>>, %arg14: memref<40x64xf32, #tpu.memory_space<vmem>>, %arg15: memref<40x64xf32, #tpu.memory_space<vmem>>, %arg16: memref<104x64xf32, #tpu.memory_space<vmem>>, %arg17: memref<10000x64xf32, #tpu.memory_space<vmem_shared>>, %arg18: memref<!tpu.dma_semaphore, #tpu.memory_space<semaphore_mem>>, %arg19: memref<!tpu.dma_semaphore, #tpu.memory_space<semaphore_mem>>, %arg20: memref<40x16xf32, #tpu.memory_space<vmem>>, %arg21: memref<104x16xf32, #tpu.memory_space<vmem>>, %arg22: memref<10000x16xf32, #tpu.memory_space<vmem_shared>>) attributes {dimension_semantics = [#tpu.dimension_semantics<core_parallel>, #tpu.dimension_semantics<subcore_parallel>], iteration_bounds = array<i64: 2, 16>, scalar_prefetch = 0 : i64, scratch_operands = 11 : i64, tpu.core_type = #tpu.core_type<sc_vector_subcore>, window_params = [{transform_indices = #map}, {transform_indices = #map}, {transform_indices = #map1}, {transform_indices = #map1}, {transform_indices = #map}, {transform_indices = #map}, {transform_indices = #map}, {transform_indices = #map1}, {transform_indices = #map1}, {transform_indices = #map1}]} {
    %mul3A = arith.constant 2 : i32
    %mul3A_0 = arith.muli %arg1, %mul3A : i32
    %add3A = arith.addi %mul3A_0, %arg0 : i32
    %mul3A_1 = arith.constant 624 : i32
    %mul3A_2 = arith.muli %arg1, %mul3A_1 : i32
    "tpu.region"() ({
      %run_scoped3A = tpu.sem_alloc : memref<!tpu.dma_semaphore, #tpu.memory_space<semaphore_mem>>
      tpu.enqueue_dma source(%arg6 : memref<104x64xf32, #tpu.memory_space<hbm>>) target(%arg16 : memref<104x64xf32, #tpu.memory_space<vmem>>) target_semaphore(%run_scoped3A : memref<!tpu.dma_semaphore, #tpu.memory_space<semaphore_mem>>)
      tpu.wait_dma2 semaphore(%run_scoped3A : memref<!tpu.dma_semaphore, #tpu.memory_space<semaphore_mem>>) src(%arg6 : memref<104x64xf32, #tpu.memory_space<hbm>>) dst(%arg16 : memref<104x64xf32, #tpu.memory_space<vmem>>)
      tpu.yield
    }) : () -> ()
    "tpu.region"() ({
      %run_scoped3A = tpu.sem_alloc : memref<!tpu.dma_semaphore, #tpu.memory_space<semaphore_mem>>
      tpu.enqueue_dma source(%arg7 : memref<104x16xf32, #tpu.memory_space<hbm>>) target(%arg21 : memref<104x16xf32, #tpu.memory_space<vmem>>) target_semaphore(%run_scoped3A : memref<!tpu.dma_semaphore, #tpu.memory_space<semaphore_mem>>)
      tpu.wait_dma2 semaphore(%run_scoped3A : memref<!tpu.dma_semaphore, #tpu.memory_space<semaphore_mem>>) src(%arg7 : memref<104x16xf32, #tpu.memory_space<hbm>>) dst(%arg21 : memref<104x16xf32, #tpu.memory_space<vmem>>)
      tpu.yield
    }) : () -> ()
    "tpu.region"() ({
      %run_scoped3A = tpu.sem_alloc : memref<!tpu.dma_semaphore, #tpu.memory_space<semaphore_mem>>
      tpu.enqueue_dma source(%arg8 : memref<40x16xf32, #tpu.memory_space<hbm>>) target(%arg20 : memref<40x16xf32, #tpu.memory_space<vmem>>) target_semaphore(%run_scoped3A : memref<!tpu.dma_semaphore, #tpu.memory_space<semaphore_mem>>)
      tpu.wait_dma2 semaphore(%run_scoped3A : memref<!tpu.dma_semaphore, #tpu.memory_space<semaphore_mem>>) src(%arg8 : memref<40x16xf32, #tpu.memory_space<hbm>>) dst(%arg20 : memref<40x16xf32, #tpu.memory_space<vmem>>)
      tpu.yield
    }) : () -> ()
    "tpu.region"() ({
      %run_scoped3A = tpu.sem_alloc : memref<!tpu.dma_semaphore, #tpu.memory_space<semaphore_mem>>
      %dma_start3A_93 = arith.constant 0 : i32
      %dma_start3A_94 = arith.constant 0 : i32
      %dma_start3A_95 = tpu.memref_slice %arg4[%add3A, %dma_start3A_93, %dma_start3A_94] : memref<32x250x40xi32, #tpu.memory_space<hbm>> -> memref<1x250x40xi32, #tpu.memory_space<hbm>>
      %dma_start3A_96 = tpu.memref_squeeze %dma_start3A_95 : memref<1x250x40xi32, #tpu.memory_space<hbm>> -> memref<250x40xi32, #tpu.memory_space<hbm>>
      %dma_start3A_97 = arith.constant 0 : i32
      %dma_start3A_98 = arith.constant 0 : i32
      %dma_start3A_99 = tpu.memref_slice %arg4[%add3A, %dma_start3A_97, %dma_start3A_98] : memref<32x250x40xi32, #tpu.memory_space<hbm>> -> memref<1x250x40xi32, #tpu.memory_space<hbm>>
      %dma_start3A_100 = tpu.memref_squeeze %dma_start3A_99 : memref<1x250x40xi32, #tpu.memory_space<hbm>> -> memref<250x40xi32, #tpu.memory_space<hbm>>
      tpu.enqueue_dma source(%dma_start3A_100 : memref<250x40xi32, #tpu.memory_space<hbm>>) target(%arg12 : memref<250x40xi32, #tpu.memory_space<vmem>>) target_semaphore(%run_scoped3A : memref<!tpu.dma_semaphore, #tpu.memory_space<semaphore_mem>>)
      %dma_wait3A = arith.constant 0 : i32
      %dma_wait3A_101 = arith.constant 0 : i32
      %dma_wait3A_102 = tpu.memref_slice %arg4[%add3A, %dma_wait3A, %dma_wait3A_101] : memref<32x250x40xi32, #tpu.memory_space<hbm>> -> memref<1x250x40xi32, #tpu.memory_space<hbm>>
      %dma_wait3A_103 = tpu.memref_squeeze %dma_wait3A_102 : memref<1x250x40xi32, #tpu.memory_space<hbm>> -> memref<250x40xi32, #tpu.memory_space<hbm>>
      %dma_wait3A_104 = arith.constant 0 : i32
      %dma_wait3A_105 = arith.constant 0 : i32
      %dma_wait3A_106 = tpu.memref_slice %arg4[%add3A, %dma_wait3A_104, %dma_wait3A_105] : memref<32x250x40xi32, #tpu.memory_space<hbm>> -> memref<1x250x40xi32, #tpu.memory_space<hbm>>
      %dma_wait3A_107 = tpu.memref_squeeze %dma_wait3A_106 : memref<1x250x40xi32, #tpu.memory_space<hbm>> -> memref<250x40xi32, #tpu.memory_space<hbm>>
      tpu.wait_dma2 semaphore(%run_scoped3A : memref<!tpu.dma_semaphore, #tpu.memory_space<semaphore_mem>>) src(%dma_wait3A_107 : memref<250x40xi32, #tpu.memory_space<hbm>>) dst(%arg12 : memref<250x40xi32, #tpu.memory_space<vmem>>)
      tpu.yield
    }) : () -> ()
    "tpu.region"() ({
      %run_scoped3A = tpu.sem_alloc : memref<!tpu.dma_semaphore, #tpu.memory_space<semaphore_mem>>
      %dma_start3A_93 = arith.constant 0 : i32
      %dma_start3A_94 = arith.constant 0 : i32
      %dma_start3A_95 = tpu.memref_slice %arg5[%add3A, %dma_start3A_93, %dma_start3A_94] : memref<32x250x40xi32, #tpu.memory_space<hbm>> -> memref<1x250x40xi32, #tpu.memory_space<hbm>>
      %dma_start3A_96 = tpu.memref_squeeze %dma_start3A_95 : memref<1x250x40xi32, #tpu.memory_space<hbm>> -> memref<250x40xi32, #tpu.memory_space<hbm>>
      %dma_start3A_97 = arith.constant 0 : i32
      %dma_start3A_98 = arith.constant 0 : i32
      %dma_start3A_99 = tpu.memref_slice %arg5[%add3A, %dma_start3A_97, %dma_start3A_98] : memref<32x250x40xi32, #tpu.memory_space<hbm>> -> memref<1x250x40xi32, #tpu.memory_space<hbm>>
      %dma_start3A_100 = tpu.memref_squeeze %dma_start3A_99 : memref<1x250x40xi32, #tpu.memory_space<hbm>> -> memref<250x40xi32, #tpu.memory_space<hbm>>
      tpu.enqueue_dma source(%dma_start3A_100 : memref<250x40xi32, #tpu.memory_space<hbm>>) target(%arg13 : memref<250x40xi32, #tpu.memory_space<vmem>>) target_semaphore(%run_scoped3A : memref<!tpu.dma_semaphore, #tpu.memory_space<semaphore_mem>>)
      %dma_wait3A = arith.constant 0 : i32
      %dma_wait3A_101 = arith.constant 0 : i32
      %dma_wait3A_102 = tpu.memref_slice %arg5[%add3A, %dma_wait3A, %dma_wait3A_101] : memref<32x250x40xi32, #tpu.memory_space<hbm>> -> memref<1x250x40xi32, #tpu.memory_space<hbm>>
      %dma_wait3A_103 = tpu.memref_squeeze %dma_wait3A_102 : memref<1x250x40xi32, #tpu.memory_space<hbm>> -> memref<250x40xi32, #tpu.memory_space<hbm>>
      %dma_wait3A_104 = arith.constant 0 : i32
      %dma_wait3A_105 = arith.constant 0 : i32
      %dma_wait3A_106 = tpu.memref_slice %arg5[%add3A, %dma_wait3A_104, %dma_wait3A_105] : memref<32x250x40xi32, #tpu.memory_space<hbm>> -> memref<1x250x40xi32, #tpu.memory_space<hbm>>
      %dma_wait3A_107 = tpu.memref_squeeze %dma_wait3A_106 : memref<1x250x40xi32, #tpu.memory_space<hbm>> -> memref<250x40xi32, #tpu.memory_space<hbm>>
      tpu.wait_dma2 semaphore(%run_scoped3A : memref<!tpu.dma_semaphore, #tpu.memory_space<semaphore_mem>>) src(%dma_wait3A_107 : memref<250x40xi32, #tpu.memory_space<hbm>>) dst(%arg13 : memref<250x40xi32, #tpu.memory_space<vmem>>)
      tpu.yield
    }) : () -> ()
    %add3A_3 = arith.constant 0 : i32
    %add3A_4 = arith.addi %mul3A_2, %add3A_3 : i32
    "tpu.region"() ({
      %run_scoped3A = tpu.sem_alloc : memref<!tpu.dma_semaphore, #tpu.memory_space<semaphore_mem>>
      %dma_start3A_93 = arith.constant 0 : i32
      %dma_start3A_94 = tpu.memref_slice %arg17[%add3A_4, %dma_start3A_93] : memref<10000x64xf32, #tpu.memory_space<vmem_shared>> -> memref<104x64xf32, #tpu.memory_space<vmem_shared>>
      %dma_start3A_95 = arith.constant 0 : i32
      %dma_start3A_96 = tpu.memref_slice %arg17[%add3A_4, %dma_start3A_95] : memref<10000x64xf32, #tpu.memory_space<vmem_shared>> -> memref<104x64xf32, #tpu.memory_space<vmem_shared>>
      tpu.enqueue_dma source(%arg16 : memref<104x64xf32, #tpu.memory_space<vmem>>) target(%dma_start3A_96 : memref<104x64xf32, #tpu.memory_space<vmem_shared>>) target_semaphore(%run_scoped3A : memref<!tpu.dma_semaphore, #tpu.memory_space<semaphore_mem>>)
      %dma_wait3A = arith.constant 0 : i32
      %dma_wait3A_97 = tpu.memref_slice %arg17[%add3A_4, %dma_wait3A] : memref<10000x64xf32, #tpu.memory_space<vmem_shared>> -> memref<104x64xf32, #tpu.memory_space<vmem_shared>>
      %dma_wait3A_98 = arith.constant 0 : i32
      %dma_wait3A_99 = tpu.memref_slice %arg17[%add3A_4, %dma_wait3A_98] : memref<10000x64xf32, #tpu.memory_space<vmem_shared>> -> memref<104x64xf32, #tpu.memory_space<vmem_shared>>
      tpu.wait_dma2 semaphore(%run_scoped3A : memref<!tpu.dma_semaphore, #tpu.memory_space<semaphore_mem>>) src(%arg16 : memref<104x64xf32, #tpu.memory_space<vmem>>) dst(%dma_wait3A_99 : memref<104x64xf32, #tpu.memory_space<vmem_shared>>)
      tpu.yield
    }) : () -> ()
    %add3A_5 = arith.constant 104 : i32
    %add3A_6 = arith.addi %mul3A_2, %add3A_5 : i32
    "tpu.region"() ({
      %run_scoped3A = tpu.sem_alloc : memref<!tpu.dma_semaphore, #tpu.memory_space<semaphore_mem>>
      %dma_start3A_93 = arith.constant 0 : i32
      %dma_start3A_94 = tpu.memref_slice %arg17[%add3A_6, %dma_start3A_93] : memref<10000x64xf32, #tpu.memory_space<vmem_shared>> -> memref<104x64xf32, #tpu.memory_space<vmem_shared>>
      %dma_start3A_95 = arith.constant 0 : i32
      %dma_start3A_96 = tpu.memref_slice %arg17[%add3A_6, %dma_start3A_95] : memref<10000x64xf32, #tpu.memory_space<vmem_shared>> -> memref<104x64xf32, #tpu.memory_space<vmem_shared>>
      tpu.enqueue_dma source(%arg16 : memref<104x64xf32, #tpu.memory_space<vmem>>) target(%dma_start3A_96 : memref<104x64xf32, #tpu.memory_space<vmem_shared>>) target_semaphore(%run_scoped3A : memref<!tpu.dma_semaphore, #tpu.memory_space<semaphore_mem>>)
      %dma_wait3A = arith.constant 0 : i32
      %dma_wait3A_97 = tpu.memref_slice %arg17[%add3A_6, %dma_wait3A] : memref<10000x64xf32, #tpu.memory_space<vmem_shared>> -> memref<104x64xf32, #tpu.memory_space<vmem_shared>>
      %dma_wait3A_98 = arith.constant 0 : i32
      %dma_wait3A_99 = tpu.memref_slice %arg17[%add3A_6, %dma_wait3A_98] : memref<10000x64xf32, #tpu.memory_space<vmem_shared>> -> memref<104x64xf32, #tpu.memory_space<vmem_shared>>
      tpu.wait_dma2 semaphore(%run_scoped3A : memref<!tpu.dma_semaphore, #tpu.memory_space<semaphore_mem>>) src(%arg16 : memref<104x64xf32, #tpu.memory_space<vmem>>) dst(%dma_wait3A_99 : memref<104x64xf32, #tpu.memory_space<vmem_shared>>)
      tpu.yield
    }) : () -> ()
    %add3A_7 = arith.constant 208 : i32
    %add3A_8 = arith.addi %mul3A_2, %add3A_7 : i32
    "tpu.region"() ({
      %run_scoped3A = tpu.sem_alloc : memref<!tpu.dma_semaphore, #tpu.memory_space<semaphore_mem>>
      %dma_start3A_93 = arith.constant 0 : i32
      %dma_start3A_94 = tpu.memref_slice %arg17[%add3A_8, %dma_start3A_93] : memref<10000x64xf32, #tpu.memory_space<vmem_shared>> -> memref<104x64xf32, #tpu.memory_space<vmem_shared>>
      %dma_start3A_95 = arith.constant 0 : i32
      %dma_start3A_96 = tpu.memref_slice %arg17[%add3A_8, %dma_start3A_95] : memref<10000x64xf32, #tpu.memory_space<vmem_shared>> -> memref<104x64xf32, #tpu.memory_space<vmem_shared>>
      tpu.enqueue_dma source(%arg16 : memref<104x64xf32, #tpu.memory_space<vmem>>) target(%dma_start3A_96 : memref<104x64xf32, #tpu.memory_space<vmem_shared>>) target_semaphore(%run_scoped3A : memref<!tpu.dma_semaphore, #tpu.memory_space<semaphore_mem>>)
      %dma_wait3A = arith.constant 0 : i32
      %dma_wait3A_97 = tpu.memref_slice %arg17[%add3A_8, %dma_wait3A] : memref<10000x64xf32, #tpu.memory_space<vmem_shared>> -> memref<104x64xf32, #tpu.memory_space<vmem_shared>>
      %dma_wait3A_98 = arith.constant 0 : i32
      %dma_wait3A_99 = tpu.memref_slice %arg17[%add3A_8, %dma_wait3A_98] : memref<10000x64xf32, #tpu.memory_space<vmem_shared>> -> memref<104x64xf32, #tpu.memory_space<vmem_shared>>
      tpu.wait_dma2 semaphore(%run_scoped3A : memref<!tpu.dma_semaphore, #tpu.memory_space<semaphore_mem>>) src(%arg16 : memref<104x64xf32, #tpu.memory_space<vmem>>) dst(%dma_wait3A_99 : memref<104x64xf32, #tpu.memory_space<vmem_shared>>)
      tpu.yield
    }) : () -> ()
    %add3A_9 = arith.constant 312 : i32
    %add3A_10 = arith.addi %mul3A_2, %add3A_9 : i32
    "tpu.region"() ({
      %run_scoped3A = tpu.sem_alloc : memref<!tpu.dma_semaphore, #tpu.memory_space<semaphore_mem>>
      %dma_start3A_93 = arith.constant 0 : i32
      %dma_start3A_94 = tpu.memref_slice %arg17[%add3A_10, %dma_start3A_93] : memref<10000x64xf32, #tpu.memory_space<vmem_shared>> -> memref<104x64xf32, #tpu.memory_space<vmem_shared>>
      %dma_start3A_95 = arith.constant 0 : i32
      %dma_start3A_96 = tpu.memref_slice %arg17[%add3A_10, %dma_start3A_95] : memref<10000x64xf32, #tpu.memory_space<vmem_shared>> -> memref<104x64xf32, #tpu.memory_space<vmem_shared>>
      tpu.enqueue_dma source(%arg16 : memref<104x64xf32, #tpu.memory_space<vmem>>) target(%dma_start3A_96 : memref<104x64xf32, #tpu.memory_space<vmem_shared>>) target_semaphore(%run_scoped3A : memref<!tpu.dma_semaphore, #tpu.memory_space<semaphore_mem>>)
      %dma_wait3A = arith.constant 0 : i32
      %dma_wait3A_97 = tpu.memref_slice %arg17[%add3A_10, %dma_wait3A] : memref<10000x64xf32, #tpu.memory_space<vmem_shared>> -> memref<104x64xf32, #tpu.memory_space<vmem_shared>>
      %dma_wait3A_98 = arith.constant 0 : i32
      %dma_wait3A_99 = tpu.memref_slice %arg17[%add3A_10, %dma_wait3A_98] : memref<10000x64xf32, #tpu.memory_space<vmem_shared>> -> memref<104x64xf32, #tpu.memory_space<vmem_shared>>
      tpu.wait_dma2 semaphore(%run_scoped3A : memref<!tpu.dma_semaphore, #tpu.memory_space<semaphore_mem>>) src(%arg16 : memref<104x64xf32, #tpu.memory_space<vmem>>) dst(%dma_wait3A_99 : memref<104x64xf32, #tpu.memory_space<vmem_shared>>)
      tpu.yield
    }) : () -> ()
    %add3A_11 = arith.constant 416 : i32
    %add3A_12 = arith.addi %mul3A_2, %add3A_11 : i32
    "tpu.region"() ({
      %run_scoped3A = tpu.sem_alloc : memref<!tpu.dma_semaphore, #tpu.memory_space<semaphore_mem>>
      %dma_start3A_93 = arith.constant 0 : i32
      %dma_start3A_94 = tpu.memref_slice %arg17[%add3A_12, %dma_start3A_93] : memref<10000x64xf32, #tpu.memory_space<vmem_shared>> -> memref<104x64xf32, #tpu.memory_space<vmem_shared>>
      %dma_start3A_95 = arith.constant 0 : i32
      %dma_start3A_96 = tpu.memref_slice %arg17[%add3A_12, %dma_start3A_95] : memref<10000x64xf32, #tpu.memory_space<vmem_shared>> -> memref<104x64xf32, #tpu.memory_space<vmem_shared>>
      tpu.enqueue_dma source(%arg16 : memref<104x64xf32, #tpu.memory_space<vmem>>) target(%dma_start3A_96 : memref<104x64xf32, #tpu.memory_space<vmem_shared>>) target_semaphore(%run_scoped3A : memref<!tpu.dma_semaphore, #tpu.memory_space<semaphore_mem>>)
      %dma_wait3A = arith.constant 0 : i32
      %dma_wait3A_97 = tpu.memref_slice %arg17[%add3A_12, %dma_wait3A] : memref<10000x64xf32, #tpu.memory_space<vmem_shared>> -> memref<104x64xf32, #tpu.memory_space<vmem_shared>>
      %dma_wait3A_98 = arith.constant 0 : i32
      %dma_wait3A_99 = tpu.memref_slice %arg17[%add3A_12, %dma_wait3A_98] : memref<10000x64xf32, #tpu.memory_space<vmem_shared>> -> memref<104x64xf32, #tpu.memory_space<vmem_shared>>
      tpu.wait_dma2 semaphore(%run_scoped3A : memref<!tpu.dma_semaphore, #tpu.memory_space<semaphore_mem>>) src(%arg16 : memref<104x64xf32, #tpu.memory_space<vmem>>) dst(%dma_wait3A_99 : memref<104x64xf32, #tpu.memory_space<vmem_shared>>)
      tpu.yield
    }) : () -> ()
    %add3A_13 = arith.constant 520 : i32
    %add3A_14 = arith.addi %mul3A_2, %add3A_13 : i32
    "tpu.region"() ({
      %run_scoped3A = tpu.sem_alloc : memref<!tpu.dma_semaphore, #tpu.memory_space<semaphore_mem>>
      %dma_start3A_93 = arith.constant 0 : i32
      %dma_start3A_94 = tpu.memref_slice %arg17[%add3A_14, %dma_start3A_93] : memref<10000x64xf32, #tpu.memory_space<vmem_shared>> -> memref<104x64xf32, #tpu.memory_space<vmem_shared>>
      %dma_start3A_95 = arith.constant 0 : i32
      %dma_start3A_96 = tpu.memref_slice %arg17[%add3A_14, %dma_start3A_95] : memref<10000x64xf32, #tpu.memory_space<vmem_shared>> -> memref<104x64xf32, #tpu.memory_space<vmem_shared>>
      tpu.enqueue_dma source(%arg16 : memref<104x64xf32, #tpu.memory_space<vmem>>) target(%dma_start3A_96 : memref<104x64xf32, #tpu.memory_space<vmem_shared>>) target_semaphore(%run_scoped3A : memref<!tpu.dma_semaphore, #tpu.memory_space<semaphore_mem>>)
      %dma_wait3A = arith.constant 0 : i32
      %dma_wait3A_97 = tpu.memref_slice %arg17[%add3A_14, %dma_wait3A] : memref<10000x64xf32, #tpu.memory_space<vmem_shared>> -> memref<104x64xf32, #tpu.memory_space<vmem_shared>>
      %dma_wait3A_98 = arith.constant 0 : i32
      %dma_wait3A_99 = tpu.memref_slice %arg17[%add3A_14, %dma_wait3A_98] : memref<10000x64xf32, #tpu.memory_space<vmem_shared>> -> memref<104x64xf32, #tpu.memory_space<vmem_shared>>
      tpu.wait_dma2 semaphore(%run_scoped3A : memref<!tpu.dma_semaphore, #tpu.memory_space<semaphore_mem>>) src(%arg16 : memref<104x64xf32, #tpu.memory_space<vmem>>) dst(%dma_wait3A_99 : memref<104x64xf32, #tpu.memory_space<vmem_shared>>)
      tpu.yield
    }) : () -> ()
    %eq3A = arith.constant 15 : i32
    %eq3A_15 = arith.cmpi eq, %arg1, %eq3A : i32
    %convert_element_type3A = arith.extui %eq3A_15 : i1 to i32
    %cond3A = arith.constant 0 : i32
    %cond3A_16 = arith.cmpi ne, %convert_element_type3A, %cond3A : i32
    scf.if %cond3A_16 {
      "tpu.region"() ({
        %run_scoped3A = tpu.sem_alloc : memref<!tpu.dma_semaphore, #tpu.memory_space<semaphore_mem>>
        %dma_start3A_93 = arith.constant 0 : i32
        %dma_start3A_94 = arith.constant 0 : i32
        %dma_start3A_95 = tpu.memref_slice %arg16[%dma_start3A_93, %dma_start3A_94] : memref<104x64xf32, #tpu.memory_space<vmem>> -> memref<16x64xf32, #tpu.memory_space<vmem>>
        %dma_start3A_96 = arith.constant 9984 : i32
        %dma_start3A_97 = arith.constant 0 : i32
        %dma_start3A_98 = tpu.memref_slice %arg17[%dma_start3A_96, %dma_start3A_97] : memref<10000x64xf32, #tpu.memory_space<vmem_shared>> -> memref<16x64xf32, #tpu.memory_space<vmem_shared>>
        %dma_start3A_99 = arith.constant 9984 : i32
        %dma_start3A_100 = arith.constant 0 : i32
        %dma_start3A_101 = tpu.memref_slice %arg17[%dma_start3A_99, %dma_start3A_100] : memref<10000x64xf32, #tpu.memory_space<vmem_shared>> -> memref<16x64xf32, #tpu.memory_space<vmem_shared>>
        %dma_start3A_102 = arith.constant 0 : i32
        %dma_start3A_103 = arith.constant 0 : i32
        %dma_start3A_104 = tpu.memref_slice %arg16[%dma_start3A_102, %dma_start3A_103] : memref<104x64xf32, #tpu.memory_space<vmem>> -> memref<16x64xf32, #tpu.memory_space<vmem>>
        tpu.enqueue_dma source(%dma_start3A_104 : memref<16x64xf32, #tpu.memory_space<vmem>>) target(%dma_start3A_101 : memref<16x64xf32, #tpu.memory_space<vmem_shared>>) target_semaphore(%run_scoped3A : memref<!tpu.dma_semaphore, #tpu.memory_space<semaphore_mem>>)
        %dma_wait3A = arith.constant 0 : i32
        %dma_wait3A_105 = arith.constant 0 : i32
        %dma_wait3A_106 = tpu.memref_slice %arg16[%dma_wait3A, %dma_wait3A_105] : memref<104x64xf32, #tpu.memory_space<vmem>> -> memref<16x64xf32, #tpu.memory_space<vmem>>
        %dma_wait3A_107 = arith.constant 9984 : i32
        %dma_wait3A_108 = arith.constant 0 : i32
        %dma_wait3A_109 = tpu.memref_slice %arg17[%dma_wait3A_107, %dma_wait3A_108] : memref<10000x64xf32, #tpu.memory_space<vmem_shared>> -> memref<16x64xf32, #tpu.memory_space<vmem_shared>>
        %dma_wait3A_110 = arith.constant 9984 : i32
        %dma_wait3A_111 = arith.constant 0 : i32
        %dma_wait3A_112 = tpu.memref_slice %arg17[%dma_wait3A_110, %dma_wait3A_111] : memref<10000x64xf32, #tpu.memory_space<vmem_shared>> -> memref<16x64xf32, #tpu.memory_space<vmem_shared>>
        %dma_wait3A_113 = arith.constant 0 : i32
        %dma_wait3A_114 = arith.constant 0 : i32
        %dma_wait3A_115 = tpu.memref_slice %arg16[%dma_wait3A_113, %dma_wait3A_114] : memref<104x64xf32, #tpu.memory_space<vmem>> -> memref<16x64xf32, #tpu.memory_space<vmem>>
        tpu.wait_dma2 semaphore(%run_scoped3A : memref<!tpu.dma_semaphore, #tpu.memory_space<semaphore_mem>>) src(%dma_wait3A_115 : memref<16x64xf32, #tpu.memory_space<vmem>>) dst(%dma_wait3A_112 : memref<16x64xf32, #tpu.memory_space<vmem_shared>>)
        tpu.yield
      }) : () -> ()
    } else {
    }
    %add3A_17 = arith.constant 0 : i32
    %add3A_18 = arith.addi %mul3A_2, %add3A_17 : i32
    "tpu.region"() ({
      %run_scoped3A = tpu.sem_alloc : memref<!tpu.dma_semaphore, #tpu.memory_space<semaphore_mem>>
      %dma_start3A_93 = arith.constant 0 : i32
      %dma_start3A_94 = tpu.memref_slice %arg22[%add3A_18, %dma_start3A_93] : memref<10000x16xf32, #tpu.memory_space<vmem_shared>> -> memref<104x16xf32, #tpu.memory_space<vmem_shared>>
      %dma_start3A_95 = arith.constant 0 : i32
      %dma_start3A_96 = tpu.memref_slice %arg22[%add3A_18, %dma_start3A_95] : memref<10000x16xf32, #tpu.memory_space<vmem_shared>> -> memref<104x16xf32, #tpu.memory_space<vmem_shared>>
      tpu.enqueue_dma source(%arg21 : memref<104x16xf32, #tpu.memory_space<vmem>>) target(%dma_start3A_96 : memref<104x16xf32, #tpu.memory_space<vmem_shared>>) target_semaphore(%run_scoped3A : memref<!tpu.dma_semaphore, #tpu.memory_space<semaphore_mem>>)
      %dma_wait3A = arith.constant 0 : i32
      %dma_wait3A_97 = tpu.memref_slice %arg22[%add3A_18, %dma_wait3A] : memref<10000x16xf32, #tpu.memory_space<vmem_shared>> -> memref<104x16xf32, #tpu.memory_space<vmem_shared>>
      %dma_wait3A_98 = arith.constant 0 : i32
      %dma_wait3A_99 = tpu.memref_slice %arg22[%add3A_18, %dma_wait3A_98] : memref<10000x16xf32, #tpu.memory_space<vmem_shared>> -> memref<104x16xf32, #tpu.memory_space<vmem_shared>>
      tpu.wait_dma2 semaphore(%run_scoped3A : memref<!tpu.dma_semaphore, #tpu.memory_space<semaphore_mem>>) src(%arg21 : memref<104x16xf32, #tpu.memory_space<vmem>>) dst(%dma_wait3A_99 : memref<104x16xf32, #tpu.memory_space<vmem_shared>>)
      tpu.yield
    }) : () -> ()
    %add3A_19 = arith.constant 104 : i32
    %add3A_20 = arith.addi %mul3A_2, %add3A_19 : i32
    "tpu.region"() ({
      %run_scoped3A = tpu.sem_alloc : memref<!tpu.dma_semaphore, #tpu.memory_space<semaphore_mem>>
      %dma_start3A_93 = arith.constant 0 : i32
      %dma_start3A_94 = tpu.memref_slice %arg22[%add3A_20, %dma_start3A_93] : memref<10000x16xf32, #tpu.memory_space<vmem_shared>> -> memref<104x16xf32, #tpu.memory_space<vmem_shared>>
      %dma_start3A_95 = arith.constant 0 : i32
      %dma_start3A_96 = tpu.memref_slice %arg22[%add3A_20, %dma_start3A_95] : memref<10000x16xf32, #tpu.memory_space<vmem_shared>> -> memref<104x16xf32, #tpu.memory_space<vmem_shared>>
      tpu.enqueue_dma source(%arg21 : memref<104x16xf32, #tpu.memory_space<vmem>>) target(%dma_start3A_96 : memref<104x16xf32, #tpu.memory_space<vmem_shared>>) target_semaphore(%run_scoped3A : memref<!tpu.dma_semaphore, #tpu.memory_space<semaphore_mem>>)
      %dma_wait3A = arith.constant 0 : i32
      %dma_wait3A_97 = tpu.memref_slice %arg22[%add3A_20, %dma_wait3A] : memref<10000x16xf32, #tpu.memory_space<vmem_shared>> -> memref<104x16xf32, #tpu.memory_space<vmem_shared>>
      %dma_wait3A_98 = arith.constant 0 : i32
      %dma_wait3A_99 = tpu.memref_slice %arg22[%add3A_20, %dma_wait3A_98] : memref<10000x16xf32, #tpu.memory_space<vmem_shared>> -> memref<104x16xf32, #tpu.memory_space<vmem_shared>>
      tpu.wait_dma2 semaphore(%run_scoped3A : memref<!tpu.dma_semaphore, #tpu.memory_space<semaphore_mem>>) src(%arg21 : memref<104x16xf32, #tpu.memory_space<vmem>>) dst(%dma_wait3A_99 : memref<104x16xf32, #tpu.memory_space<vmem_shared>>)
      tpu.yield
    }) : () -> ()
    %add3A_21 = arith.constant 208 : i32
    %add3A_22 = arith.addi %mul3A_2, %add3A_21 : i32
    "tpu.region"() ({
      %run_scoped3A = tpu.sem_alloc : memref<!tpu.dma_semaphore, #tpu.memory_space<semaphore_mem>>
      %dma_start3A_93 = arith.constant 0 : i32
      %dma_start3A_94 = tpu.memref_slice %arg22[%add3A_22, %dma_start3A_93] : memref<10000x16xf32, #tpu.memory_space<vmem_shared>> -> memref<104x16xf32, #tpu.memory_space<vmem_shared>>
      %dma_start3A_95 = arith.constant 0 : i32
      %dma_start3A_96 = tpu.memref_slice %arg22[%add3A_22, %dma_start3A_95] : memref<10000x16xf32, #tpu.memory_space<vmem_shared>> -> memref<104x16xf32, #tpu.memory_space<vmem_shared>>
      tpu.enqueue_dma source(%arg21 : memref<104x16xf32, #tpu.memory_space<vmem>>) target(%dma_start3A_96 : memref<104x16xf32, #tpu.memory_space<vmem_shared>>) target_semaphore(%run_scoped3A : memref<!tpu.dma_semaphore, #tpu.memory_space<semaphore_mem>>)
      %dma_wait3A = arith.constant 0 : i32
      %dma_wait3A_97 = tpu.memref_slice %arg22[%add3A_22, %dma_wait3A] : memref<10000x16xf32, #tpu.memory_space<vmem_shared>> -> memref<104x16xf32, #tpu.memory_space<vmem_shared>>
      %dma_wait3A_98 = arith.constant 0 : i32
      %dma_wait3A_99 = tpu.memref_slice %arg22[%add3A_22, %dma_wait3A_98] : memref<10000x16xf32, #tpu.memory_space<vmem_shared>> -> memref<104x16xf32, #tpu.memory_space<vmem_shared>>
      tpu.wait_dma2 semaphore(%run_scoped3A : memref<!tpu.dma_semaphore, #tpu.memory_space<semaphore_mem>>) src(%arg21 : memref<104x16xf32, #tpu.memory_space<vmem>>) dst(%dma_wait3A_99 : memref<104x16xf32, #tpu.memory_space<vmem_shared>>)
      tpu.yield
    }) : () -> ()
    %add3A_23 = arith.constant 312 : i32
    %add3A_24 = arith.addi %mul3A_2, %add3A_23 : i32
    "tpu.region"() ({
      %run_scoped3A = tpu.sem_alloc : memref<!tpu.dma_semaphore, #tpu.memory_space<semaphore_mem>>
      %dma_start3A_93 = arith.constant 0 : i32
      %dma_start3A_94 = tpu.memref_slice %arg22[%add3A_24, %dma_start3A_93] : memref<10000x16xf32, #tpu.memory_space<vmem_shared>> -> memref<104x16xf32, #tpu.memory_space<vmem_shared>>
      %dma_start3A_95 = arith.constant 0 : i32
      %dma_start3A_96 = tpu.memref_slice %arg22[%add3A_24, %dma_start3A_95] : memref<10000x16xf32, #tpu.memory_space<vmem_shared>> -> memref<104x16xf32, #tpu.memory_space<vmem_shared>>
      tpu.enqueue_dma source(%arg21 : memref<104x16xf32, #tpu.memory_space<vmem>>) target(%dma_start3A_96 : memref<104x16xf32, #tpu.memory_space<vmem_shared>>) target_semaphore(%run_scoped3A : memref<!tpu.dma_semaphore, #tpu.memory_space<semaphore_mem>>)
      %dma_wait3A = arith.constant 0 : i32
      %dma_wait3A_97 = tpu.memref_slice %arg22[%add3A_24, %dma_wait3A] : memref<10000x16xf32, #tpu.memory_space<vmem_shared>> -> memref<104x16xf32, #tpu.memory_space<vmem_shared>>
      %dma_wait3A_98 = arith.constant 0 : i32
      %dma_wait3A_99 = tpu.memref_slice %arg22[%add3A_24, %dma_wait3A_98] : memref<10000x16xf32, #tpu.memory_space<vmem_shared>> -> memref<104x16xf32, #tpu.memory_space<vmem_shared>>
      tpu.wait_dma2 semaphore(%run_scoped3A : memref<!tpu.dma_semaphore, #tpu.memory_space<semaphore_mem>>) src(%arg21 : memref<104x16xf32, #tpu.memory_space<vmem>>) dst(%dma_wait3A_99 : memref<104x16xf32, #tpu.memory_space<vmem_shared>>)
      tpu.yield
    }) : () -> ()
    %add3A_25 = arith.constant 416 : i32
    %add3A_26 = arith.addi %mul3A_2, %add3A_25 : i32
    "tpu.region"() ({
      %run_scoped3A = tpu.sem_alloc : memref<!tpu.dma_semaphore, #tpu.memory_space<semaphore_mem>>
      %dma_start3A_93 = arith.constant 0 : i32
      %dma_start3A_94 = tpu.memref_slice %arg22[%add3A_26, %dma_start3A_93] : memref<10000x16xf32, #tpu.memory_space<vmem_shared>> -> memref<104x16xf32, #tpu.memory_space<vmem_shared>>
      %dma_start3A_95 = arith.constant 0 : i32
      %dma_start3A_96 = tpu.memref_slice %arg22[%add3A_26, %dma_start3A_95] : memref<10000x16xf32, #tpu.memory_space<vmem_shared>> -> memref<104x16xf32, #tpu.memory_space<vmem_shared>>
      tpu.enqueue_dma source(%arg21 : memref<104x16xf32, #tpu.memory_space<vmem>>) target(%dma_start3A_96 : memref<104x16xf32, #tpu.memory_space<vmem_shared>>) target_semaphore(%run_scoped3A : memref<!tpu.dma_semaphore, #tpu.memory_space<semaphore_mem>>)
      %dma_wait3A = arith.constant 0 : i32
      %dma_wait3A_97 = tpu.memref_slice %arg22[%add3A_26, %dma_wait3A] : memref<10000x16xf32, #tpu.memory_space<vmem_shared>> -> memref<104x16xf32, #tpu.memory_space<vmem_shared>>
      %dma_wait3A_98 = arith.constant 0 : i32
      %dma_wait3A_99 = tpu.memref_slice %arg22[%add3A_26, %dma_wait3A_98] : memref<10000x16xf32, #tpu.memory_space<vmem_shared>> -> memref<104x16xf32, #tpu.memory_space<vmem_shared>>
      tpu.wait_dma2 semaphore(%run_scoped3A : memref<!tpu.dma_semaphore, #tpu.memory_space<semaphore_mem>>) src(%arg21 : memref<104x16xf32, #tpu.memory_space<vmem>>) dst(%dma_wait3A_99 : memref<104x16xf32, #tpu.memory_space<vmem_shared>>)
      tpu.yield
    }) : () -> ()
    %add3A_27 = arith.constant 520 : i32
    %add3A_28 = arith.addi %mul3A_2, %add3A_27 : i32
    "tpu.region"() ({
      %run_scoped3A = tpu.sem_alloc : memref<!tpu.dma_semaphore, #tpu.memory_space<semaphore_mem>>
      %dma_start3A_93 = arith.constant 0 : i32
      %dma_start3A_94 = tpu.memref_slice %arg22[%add3A_28, %dma_start3A_93] : memref<10000x16xf32, #tpu.memory_space<vmem_shared>> -> memref<104x16xf32, #tpu.memory_space<vmem_shared>>
      %dma_start3A_95 = arith.constant 0 : i32
      %dma_start3A_96 = tpu.memref_slice %arg22[%add3A_28, %dma_start3A_95] : memref<10000x16xf32, #tpu.memory_space<vmem_shared>> -> memref<104x16xf32, #tpu.memory_space<vmem_shared>>
      tpu.enqueue_dma source(%arg21 : memref<104x16xf32, #tpu.memory_space<vmem>>) target(%dma_start3A_96 : memref<104x16xf32, #tpu.memory_space<vmem_shared>>) target_semaphore(%run_scoped3A : memref<!tpu.dma_semaphore, #tpu.memory_space<semaphore_mem>>)
      %dma_wait3A = arith.constant 0 : i32
      %dma_wait3A_97 = tpu.memref_slice %arg22[%add3A_28, %dma_wait3A] : memref<10000x16xf32, #tpu.memory_space<vmem_shared>> -> memref<104x16xf32, #tpu.memory_space<vmem_shared>>
      %dma_wait3A_98 = arith.constant 0 : i32
      %dma_wait3A_99 = tpu.memref_slice %arg22[%add3A_28, %dma_wait3A_98] : memref<10000x16xf32, #tpu.memory_space<vmem_shared>> -> memref<104x16xf32, #tpu.memory_space<vmem_shared>>
      tpu.wait_dma2 semaphore(%run_scoped3A : memref<!tpu.dma_semaphore, #tpu.memory_space<semaphore_mem>>) src(%arg21 : memref<104x16xf32, #tpu.memory_space<vmem>>) dst(%dma_wait3A_99 : memref<104x16xf32, #tpu.memory_space<vmem_shared>>)
      tpu.yield
    }) : () -> ()
    %eq3A_29 = arith.constant 15 : i32
    %eq3A_30 = arith.cmpi eq, %arg1, %eq3A_29 : i32
    %convert_element_type3A_31 = arith.extui %eq3A_30 : i1 to i32
    %cond3A_32 = arith.constant 0 : i32
    %cond3A_33 = arith.cmpi ne, %convert_element_type3A_31, %cond3A_32 : i32
    scf.if %cond3A_33 {
      "tpu.region"() ({
        %run_scoped3A = tpu.sem_alloc : memref<!tpu.dma_semaphore, #tpu.memory_space<semaphore_mem>>
        %dma_start3A_93 = arith.constant 0 : i32
        %dma_start3A_94 = arith.constant 0 : i32
        %dma_start3A_95 = tpu.memref_slice %arg21[%dma_start3A_93, %dma_start3A_94] : memref<104x16xf32, #tpu.memory_space<vmem>> -> memref<16x16xf32, #tpu.memory_space<vmem>>
        %dma_start3A_96 = arith.constant 9984 : i32
        %dma_start3A_97 = arith.constant 0 : i32
        %dma_start3A_98 = tpu.memref_slice %arg22[%dma_start3A_96, %dma_start3A_97] : memref<10000x16xf32, #tpu.memory_space<vmem_shared>> -> memref<16x16xf32, #tpu.memory_space<vmem_shared>>
        %dma_start3A_99 = arith.constant 9984 : i32
        %dma_start3A_100 = arith.constant 0 : i32
        %dma_start3A_101 = tpu.memref_slice %arg22[%dma_start3A_99, %dma_start3A_100] : memref<10000x16xf32, #tpu.memory_space<vmem_shared>> -> memref<16x16xf32, #tpu.memory_space<vmem_shared>>
        %dma_start3A_102 = arith.constant 0 : i32
        %dma_start3A_103 = arith.constant 0 : i32
        %dma_start3A_104 = tpu.memref_slice %arg21[%dma_start3A_102, %dma_start3A_103] : memref<104x16xf32, #tpu.memory_space<vmem>> -> memref<16x16xf32, #tpu.memory_space<vmem>>
        tpu.enqueue_dma source(%dma_start3A_104 : memref<16x16xf32, #tpu.memory_space<vmem>>) target(%dma_start3A_101 : memref<16x16xf32, #tpu.memory_space<vmem_shared>>) target_semaphore(%run_scoped3A : memref<!tpu.dma_semaphore, #tpu.memory_space<semaphore_mem>>)
        %dma_wait3A = arith.constant 0 : i32
        %dma_wait3A_105 = arith.constant 0 : i32
        %dma_wait3A_106 = tpu.memref_slice %arg21[%dma_wait3A, %dma_wait3A_105] : memref<104x16xf32, #tpu.memory_space<vmem>> -> memref<16x16xf32, #tpu.memory_space<vmem>>
        %dma_wait3A_107 = arith.constant 9984 : i32
        %dma_wait3A_108 = arith.constant 0 : i32
        %dma_wait3A_109 = tpu.memref_slice %arg22[%dma_wait3A_107, %dma_wait3A_108] : memref<10000x16xf32, #tpu.memory_space<vmem_shared>> -> memref<16x16xf32, #tpu.memory_space<vmem_shared>>
        %dma_wait3A_110 = arith.constant 9984 : i32
        %dma_wait3A_111 = arith.constant 0 : i32
        %dma_wait3A_112 = tpu.memref_slice %arg22[%dma_wait3A_110, %dma_wait3A_111] : memref<10000x16xf32, #tpu.memory_space<vmem_shared>> -> memref<16x16xf32, #tpu.memory_space<vmem_shared>>
        %dma_wait3A_113 = arith.constant 0 : i32
        %dma_wait3A_114 = arith.constant 0 : i32
        %dma_wait3A_115 = tpu.memref_slice %arg21[%dma_wait3A_113, %dma_wait3A_114] : memref<104x16xf32, #tpu.memory_space<vmem>> -> memref<16x16xf32, #tpu.memory_space<vmem>>
        tpu.wait_dma2 semaphore(%run_scoped3A : memref<!tpu.dma_semaphore, #tpu.memory_space<semaphore_mem>>) src(%dma_wait3A_115 : memref<16x16xf32, #tpu.memory_space<vmem>>) dst(%dma_wait3A_112 : memref<16x16xf32, #tpu.memory_space<vmem_shared>>)
        tpu.yield
      }) : () -> ()
    } else {
    }
    %barrier3A = arith.constant 0 : index
    tpu.barrier barrier_id(%barrier3A)
    %dma_start3A = arith.constant 0 : i32
    %dma_start3A_34 = arith.constant 0 : i32
    %dma_start3A_35 = tpu.memref_slice %arg12[%dma_start3A, %dma_start3A_34] : memref<250x40xi32, #tpu.memory_space<vmem>> -> memref<1x40xi32, #tpu.memory_space<vmem>>
    %dma_start3A_36 = tpu.memref_squeeze %dma_start3A_35 : memref<1x40xi32, #tpu.memory_space<vmem>> -> memref<40xi32, #tpu.memory_space<vmem>>
    %dma_start3A_37 = arith.constant 0 : i32
    %dma_start3A_38 = arith.constant 0 : i32
    %dma_start3A_39 = tpu.memref_slice %arg2[%dma_start3A_37, %dma_start3A_38] : memref<10000x64xf32, #tpu.memory_space<hbm>> -> memref<10000x64xf32, #tpu.memory_space<hbm>>
    tpu.enqueue_indirect_dma source(%dma_start3A_39 : memref<10000x64xf32, #tpu.memory_space<hbm>>) target(%arg14 : memref<40x64xf32, #tpu.memory_space<vmem>>) offsets(%dma_start3A_36 : memref<40xi32, #tpu.memory_space<vmem>>) semaphore(%arg18 : memref<!tpu.dma_semaphore, #tpu.memory_space<semaphore_mem>>)
    %scan3A = arith.constant 0 : i32
    %scan3A_40 = arith.constant 0 : i32
    %scan3A_41 = arith.constant 125 : i32
    %scan3A_42 = arith.addi %scan3A_40, %scan3A_41 : i32
    %scan3A_43 = arith.constant 1 : i32
    scf.for %scan3A_93 = %scan3A_40 to %scan3A_42 step %scan3A_43  : i32 {
      %mul3A_94 = arith.constant 2 : i32
      %mul3A_95 = arith.muli %mul3A_94, %scan3A_93 : i32
      %add3A_96 = arith.constant 1 : i32
      %add3A_97 = arith.addi %mul3A_95, %add3A_96 : i32
      %dma_start3A_98 = arith.constant 0 : i32
      %dma_start3A_99 = tpu.memref_slice %arg12[%add3A_97, %dma_start3A_98] : memref<250x40xi32, #tpu.memory_space<vmem>> -> memref<1x40xi32, #tpu.memory_space<vmem>>
      %dma_start3A_100 = tpu.memref_squeeze %dma_start3A_99 : memref<1x40xi32, #tpu.memory_space<vmem>> -> memref<40xi32, #tpu.memory_space<vmem>>
      %dma_start3A_101 = arith.constant 0 : i32
      %dma_start3A_102 = arith.constant 0 : i32
      %dma_start3A_103 = tpu.memref_slice %arg2[%dma_start3A_101, %dma_start3A_102] : memref<10000x64xf32, #tpu.memory_space<hbm>> -> memref<10000x64xf32, #tpu.memory_space<hbm>>
      tpu.enqueue_indirect_dma source(%dma_start3A_103 : memref<10000x64xf32, #tpu.memory_space<hbm>>) target(%arg15 : memref<40x64xf32, #tpu.memory_space<vmem>>) offsets(%dma_start3A_100 : memref<40xi32, #tpu.memory_space<vmem>>) semaphore(%arg19 : memref<!tpu.dma_semaphore, #tpu.memory_space<semaphore_mem>>)
      %dma_wait3A = arith.constant 0 : i32
      %dma_wait3A_104 = arith.constant 0 : i32
      %dma_wait3A_105 = tpu.memref_slice %arg12[%dma_wait3A, %dma_wait3A_104] : memref<250x40xi32, #tpu.memory_space<vmem>> -> memref<1x40xi32, #tpu.memory_space<vmem>>
      %dma_wait3A_106 = tpu.memref_squeeze %dma_wait3A_105 : memref<1x40xi32, #tpu.memory_space<vmem>> -> memref<40xi32, #tpu.memory_space<vmem>>
      %dma_wait3A_107 = arith.constant 0 : i32
      %dma_wait3A_108 = arith.constant 0 : i32
      %dma_wait3A_109 = tpu.memref_slice %arg2[%dma_wait3A_107, %dma_wait3A_108] : memref<10000x64xf32, #tpu.memory_space<hbm>> -> memref<10000x64xf32, #tpu.memory_space<hbm>>
      tpu.wait_indirect_dma semaphore(%arg18 : memref<!tpu.dma_semaphore, #tpu.memory_space<semaphore_mem>>) src(%dma_wait3A_109 : memref<10000x64xf32, #tpu.memory_space<hbm>>) dst(%arg14 : memref<40x64xf32, #tpu.memory_space<vmem>>)
      "tpu.region"() ({
        %run_scoped3A = tpu.sem_alloc : memref<!tpu.dma_semaphore, #tpu.memory_space<semaphore_mem>>
        %dma_start3A_123 = arith.constant 0 : i32
        %dma_start3A_124 = tpu.memref_slice %arg13[%mul3A_95, %dma_start3A_123] : memref<250x40xi32, #tpu.memory_space<vmem>> -> memref<1x40xi32, #tpu.memory_space<vmem>>
        %dma_start3A_125 = tpu.memref_squeeze %dma_start3A_124 : memref<1x40xi32, #tpu.memory_space<vmem>> -> memref<40xi32, #tpu.memory_space<vmem>>
        %dma_start3A_126 = arith.constant 0 : i32
        %dma_start3A_127 = arith.constant 0 : i32
        %dma_start3A_128 = tpu.memref_slice %arg17[%dma_start3A_126, %dma_start3A_127] : memref<10000x64xf32, #tpu.memory_space<vmem_shared>> -> memref<10000x64xf32, #tpu.memory_space<vmem_shared>>
        tpu.enqueue_indirect_dma source(%arg14 : memref<40x64xf32, #tpu.memory_space<vmem>>) target(%dma_start3A_128 : memref<10000x64xf32, #tpu.memory_space<vmem_shared>>) offsets(%dma_start3A_125 : memref<40xi32, #tpu.memory_space<vmem>>) semaphore(%run_scoped3A : memref<!tpu.dma_semaphore, #tpu.memory_space<semaphore_mem>>) {add = true}
        %dma_wait3A_129 = arith.constant 0 : i32
        %dma_wait3A_130 = tpu.memref_slice %arg13[%mul3A_95, %dma_wait3A_129] : memref<250x40xi32, #tpu.memory_space<vmem>> -> memref<1x40xi32, #tpu.memory_space<vmem>>
        %dma_wait3A_131 = tpu.memref_squeeze %dma_wait3A_130 : memref<1x40xi32, #tpu.memory_space<vmem>> -> memref<40xi32, #tpu.memory_space<vmem>>
        %dma_wait3A_132 = arith.constant 0 : i32
        %dma_wait3A_133 = arith.constant 0 : i32
        %dma_wait3A_134 = tpu.memref_slice %arg17[%dma_wait3A_132, %dma_wait3A_133] : memref<10000x64xf32, #tpu.memory_space<vmem_shared>> -> memref<10000x64xf32, #tpu.memory_space<vmem_shared>>
        tpu.wait_indirect_dma semaphore(%run_scoped3A : memref<!tpu.dma_semaphore, #tpu.memory_space<semaphore_mem>>) src(%arg14 : memref<40x64xf32, #tpu.memory_space<vmem>>) dst(%dma_wait3A_134 : memref<10000x64xf32, #tpu.memory_space<vmem_shared>>)
        tpu.yield
      }) : () -> ()
      "tpu.region"() ({
        %run_scoped3A = tpu.sem_alloc : memref<!tpu.dma_semaphore, #tpu.memory_space<semaphore_mem>>
        %dma_start3A_123 = arith.constant 0 : i32
        %dma_start3A_124 = tpu.memref_slice %arg13[%mul3A_95, %dma_start3A_123] : memref<250x40xi32, #tpu.memory_space<vmem>> -> memref<1x40xi32, #tpu.memory_space<vmem>>
        %dma_start3A_125 = tpu.memref_squeeze %dma_start3A_124 : memref<1x40xi32, #tpu.memory_space<vmem>> -> memref<40xi32, #tpu.memory_space<vmem>>
        %dma_start3A_126 = arith.constant 0 : i32
        %dma_start3A_127 = arith.constant 0 : i32
        %dma_start3A_128 = tpu.memref_slice %arg22[%dma_start3A_126, %dma_start3A_127] : memref<10000x16xf32, #tpu.memory_space<vmem_shared>> -> memref<10000x16xf32, #tpu.memory_space<vmem_shared>>
        tpu.enqueue_indirect_dma source(%arg20 : memref<40x16xf32, #tpu.memory_space<vmem>>) target(%dma_start3A_128 : memref<10000x16xf32, #tpu.memory_space<vmem_shared>>) offsets(%dma_start3A_125 : memref<40xi32, #tpu.memory_space<vmem>>) semaphore(%run_scoped3A : memref<!tpu.dma_semaphore, #tpu.memory_space<semaphore_mem>>) {add = true}
        %dma_wait3A_129 = arith.constant 0 : i32
        %dma_wait3A_130 = tpu.memref_slice %arg13[%mul3A_95, %dma_wait3A_129] : memref<250x40xi32, #tpu.memory_space<vmem>> -> memref<1x40xi32, #tpu.memory_space<vmem>>
        %dma_wait3A_131 = tpu.memref_squeeze %dma_wait3A_130 : memref<1x40xi32, #tpu.memory_space<vmem>> -> memref<40xi32, #tpu.memory_space<vmem>>
        %dma_wait3A_132 = arith.constant 0 : i32
        %dma_wait3A_133 = arith.constant 0 : i32
        %dma_wait3A_134 = tpu.memref_slice %arg22[%dma_wait3A_132, %dma_wait3A_133] : memref<10000x16xf32, #tpu.memory_space<vmem_shared>> -> memref<10000x16xf32, #tpu.memory_space<vmem_shared>>
        tpu.wait_indirect_dma semaphore(%run_scoped3A : memref<!tpu.dma_semaphore, #tpu.memory_space<semaphore_mem>>) src(%arg20 : memref<40x16xf32, #tpu.memory_space<vmem>>) dst(%dma_wait3A_134 : memref<10000x16xf32, #tpu.memory_space<vmem_shared>>)
        tpu.yield
      }) : () -> ()
      %add3A_110 = arith.constant 1 : i32
      %add3A_111 = arith.addi %add3A_97, %add3A_110 : i32
      %lt3A = arith.constant 250 : i32
      %lt3A_112 = arith.cmpi slt, %add3A_111, %lt3A : i32
      %convert_element_type3A_113 = arith.extui %lt3A_112 : i1 to i32
      %cond3A_114 = arith.constant 0 : i32
      %cond3A_115 = arith.cmpi ne, %convert_element_type3A_113, %cond3A_114 : i32
      scf.if %cond3A_115 {
        %add3A_123 = arith.constant 1 : i32
        %add3A_124 = arith.addi %add3A_97, %add3A_123 : i32
        %dma_start3A_125 = arith.constant 0 : i32
        %dma_start3A_126 = tpu.memref_slice %arg12[%add3A_124, %dma_start3A_125] : memref<250x40xi32, #tpu.memory_space<vmem>> -> memref<1x40xi32, #tpu.memory_space<vmem>>
        %dma_start3A_127 = tpu.memref_squeeze %dma_start3A_126 : memref<1x40xi32, #tpu.memory_space<vmem>> -> memref<40xi32, #tpu.memory_space<vmem>>
        %dma_start3A_128 = arith.constant 0 : i32
        %dma_start3A_129 = arith.constant 0 : i32
        %dma_start3A_130 = tpu.memref_slice %arg2[%dma_start3A_128, %dma_start3A_129] : memref<10000x64xf32, #tpu.memory_space<hbm>> -> memref<10000x64xf32, #tpu.memory_space<hbm>>
        tpu.enqueue_indirect_dma source(%dma_start3A_130 : memref<10000x64xf32, #tpu.memory_space<hbm>>) target(%arg14 : memref<40x64xf32, #tpu.memory_space<vmem>>) offsets(%dma_start3A_127 : memref<40xi32, #tpu.memory_space<vmem>>) semaphore(%arg18 : memref<!tpu.dma_semaphore, #tpu.memory_space<semaphore_mem>>)
      } else {
      }
      %dma_wait3A_116 = arith.constant 0 : i32
      %dma_wait3A_117 = arith.constant 0 : i32
      %dma_wait3A_118 = tpu.memref_slice %arg12[%dma_wait3A_116, %dma_wait3A_117] : memref<250x40xi32, #tpu.memory_space<vmem>> -> memref<1x40xi32, #tpu.memory_space<vmem>>
      %dma_wait3A_119 = tpu.memref_squeeze %dma_wait3A_118 : memref<1x40xi32, #tpu.memory_space<vmem>> -> memref<40xi32, #tpu.memory_space<vmem>>
      %dma_wait3A_120 = arith.constant 0 : i32
      %dma_wait3A_121 = arith.constant 0 : i32
      %dma_wait3A_122 = tpu.memref_slice %arg2[%dma_wait3A_120, %dma_wait3A_121] : memref<10000x64xf32, #tpu.memory_space<hbm>> -> memref<10000x64xf32, #tpu.memory_space<hbm>>
      tpu.wait_indirect_dma semaphore(%arg19 : memref<!tpu.dma_semaphore, #tpu.memory_space<semaphore_mem>>) src(%dma_wait3A_122 : memref<10000x64xf32, #tpu.memory_space<hbm>>) dst(%arg15 : memref<40x64xf32, #tpu.memory_space<vmem>>)
      "tpu.region"() ({
        %run_scoped3A = tpu.sem_alloc : memref<!tpu.dma_semaphore, #tpu.memory_space<semaphore_mem>>
        %dma_start3A_123 = arith.constant 0 : i32
        %dma_start3A_124 = tpu.memref_slice %arg13[%add3A_97, %dma_start3A_123] : memref<250x40xi32, #tpu.memory_space<vmem>> -> memref<1x40xi32, #tpu.memory_space<vmem>>
        %dma_start3A_125 = tpu.memref_squeeze %dma_start3A_124 : memref<1x40xi32, #tpu.memory_space<vmem>> -> memref<40xi32, #tpu.memory_space<vmem>>
        %dma_start3A_126 = arith.constant 0 : i32
        %dma_start3A_127 = arith.constant 0 : i32
        %dma_start3A_128 = tpu.memref_slice %arg17[%dma_start3A_126, %dma_start3A_127] : memref<10000x64xf32, #tpu.memory_space<vmem_shared>> -> memref<10000x64xf32, #tpu.memory_space<vmem_shared>>
        tpu.enqueue_indirect_dma source(%arg15 : memref<40x64xf32, #tpu.memory_space<vmem>>) target(%dma_start3A_128 : memref<10000x64xf32, #tpu.memory_space<vmem_shared>>) offsets(%dma_start3A_125 : memref<40xi32, #tpu.memory_space<vmem>>) semaphore(%run_scoped3A : memref<!tpu.dma_semaphore, #tpu.memory_space<semaphore_mem>>) {add = true}
        %dma_wait3A_129 = arith.constant 0 : i32
        %dma_wait3A_130 = tpu.memref_slice %arg13[%add3A_97, %dma_wait3A_129] : memref<250x40xi32, #tpu.memory_space<vmem>> -> memref<1x40xi32, #tpu.memory_space<vmem>>
        %dma_wait3A_131 = tpu.memref_squeeze %dma_wait3A_130 : memref<1x40xi32, #tpu.memory_space<vmem>> -> memref<40xi32, #tpu.memory_space<vmem>>
        %dma_wait3A_132 = arith.constant 0 : i32
        %dma_wait3A_133 = arith.constant 0 : i32
        %dma_wait3A_134 = tpu.memref_slice %arg17[%dma_wait3A_132, %dma_wait3A_133] : memref<10000x64xf32, #tpu.memory_space<vmem_shared>> -> memref<10000x64xf32, #tpu.memory_space<vmem_shared>>
        tpu.wait_indirect_dma semaphore(%run_scoped3A : memref<!tpu.dma_semaphore, #tpu.memory_space<semaphore_mem>>) src(%arg15 : memref<40x64xf32, #tpu.memory_space<vmem>>) dst(%dma_wait3A_134 : memref<10000x64xf32, #tpu.memory_space<vmem_shared>>)
        tpu.yield
      }) : () -> ()
      "tpu.region"() ({
        %run_scoped3A = tpu.sem_alloc : memref<!tpu.dma_semaphore, #tpu.memory_space<semaphore_mem>>
        %dma_start3A_123 = arith.constant 0 : i32
        %dma_start3A_124 = tpu.memref_slice %arg13[%add3A_97, %dma_start3A_123] : memref<250x40xi32, #tpu.memory_space<vmem>> -> memref<1x40xi32, #tpu.memory_space<vmem>>
        %dma_start3A_125 = tpu.memref_squeeze %dma_start3A_124 : memref<1x40xi32, #tpu.memory_space<vmem>> -> memref<40xi32, #tpu.memory_space<vmem>>
        %dma_start3A_126 = arith.constant 0 : i32
        %dma_start3A_127 = arith.constant 0 : i32
        %dma_start3A_128 = tpu.memref_slice %arg22[%dma_start3A_126, %dma_start3A_127] : memref<10000x16xf32, #tpu.memory_space<vmem_shared>> -> memref<10000x16xf32, #tpu.memory_space<vmem_shared>>
        tpu.enqueue_indirect_dma source(%arg20 : memref<40x16xf32, #tpu.memory_space<vmem>>) target(%dma_start3A_128 : memref<10000x16xf32, #tpu.memory_space<vmem_shared>>) offsets(%dma_start3A_125 : memref<40xi32, #tpu.memory_space<vmem>>) semaphore(%run_scoped3A : memref<!tpu.dma_semaphore, #tpu.memory_space<semaphore_mem>>) {add = true}
        %dma_wait3A_129 = arith.constant 0 : i32
        %dma_wait3A_130 = tpu.memref_slice %arg13[%add3A_97, %dma_wait3A_129] : memref<250x40xi32, #tpu.memory_space<vmem>> -> memref<1x40xi32, #tpu.memory_space<vmem>>
        %dma_wait3A_131 = tpu.memref_squeeze %dma_wait3A_130 : memref<1x40xi32, #tpu.memory_space<vmem>> -> memref<40xi32, #tpu.memory_space<vmem>>
        %dma_wait3A_132 = arith.constant 0 : i32
        %dma_wait3A_133 = arith.constant 0 : i32
        %dma_wait3A_134 = tpu.memref_slice %arg22[%dma_wait3A_132, %dma_wait3A_133] : memref<10000x16xf32, #tpu.memory_space<vmem_shared>> -> memref<10000x16xf32, #tpu.memory_space<vmem_shared>>
        tpu.wait_indirect_dma semaphore(%run_scoped3A : memref<!tpu.dma_semaphore, #tpu.memory_space<semaphore_mem>>) src(%arg20 : memref<40x16xf32, #tpu.memory_space<vmem>>) dst(%dma_wait3A_134 : memref<10000x16xf32, #tpu.memory_space<vmem_shared>>)
        tpu.yield
      }) : () -> ()
    }
    %scan3A_44 = arith.constant 125 : i32
    %barrier3A_45 = arith.constant 0 : index
    tpu.barrier barrier_id(%barrier3A_45)
    "tpu.region"() ({
      %run_scoped3A = tpu.sem_alloc : memref<!tpu.dma_semaphore, #tpu.memory_space<semaphore_mem>>
      %dma_start3A_93 = arith.constant 0 : i32
      %dma_start3A_94 = tpu.memref_slice %arg9[%arg0, %mul3A_2, %dma_start3A_93] : memref<2x10000x64xf32, #tpu.memory_space<hbm>> -> memref<1x624x64xf32, #tpu.memory_space<hbm>>
      %dma_start3A_95 = tpu.memref_squeeze %dma_start3A_94 : memref<1x624x64xf32, #tpu.memory_space<hbm>> -> memref<624x64xf32, #tpu.memory_space<hbm>>
      %dma_start3A_96 = arith.constant 0 : i32
      %dma_start3A_97 = tpu.memref_slice %arg17[%mul3A_2, %dma_start3A_96] : memref<10000x64xf32, #tpu.memory_space<vmem_shared>> -> memref<624x64xf32, #tpu.memory_space<vmem_shared>>
      tpu.enqueue_dma source(%dma_start3A_97 : memref<624x64xf32, #tpu.memory_space<vmem_shared>>) target(%dma_start3A_95 : memref<624x64xf32, #tpu.memory_space<hbm>>) target_semaphore(%run_scoped3A : memref<!tpu.dma_semaphore, #tpu.memory_space<semaphore_mem>>)
      %dma_wait3A = arith.constant 0 : i32
      %dma_wait3A_98 = tpu.memref_slice %arg9[%arg0, %mul3A_2, %dma_wait3A] : memref<2x10000x64xf32, #tpu.memory_space<hbm>> -> memref<1x624x64xf32, #tpu.memory_space<hbm>>
      %dma_wait3A_99 = tpu.memref_squeeze %dma_wait3A_98 : memref<1x624x64xf32, #tpu.memory_space<hbm>> -> memref<624x64xf32, #tpu.memory_space<hbm>>
      %dma_wait3A_100 = arith.constant 0 : i32
      %dma_wait3A_101 = tpu.memref_slice %arg17[%mul3A_2, %dma_wait3A_100] : memref<10000x64xf32, #tpu.memory_space<vmem_shared>> -> memref<624x64xf32, #tpu.memory_space<vmem_shared>>
      tpu.wait_dma2 semaphore(%run_scoped3A : memref<!tpu.dma_semaphore, #tpu.memory_space<semaphore_mem>>) src(%dma_wait3A_101 : memref<624x64xf32, #tpu.memory_space<vmem_shared>>) dst(%dma_wait3A_99 : memref<624x64xf32, #tpu.memory_space<hbm>>)
      tpu.yield
    }) : () -> ()
    %eq3A_46 = arith.constant 15 : i32
    %eq3A_47 = arith.cmpi eq, %arg1, %eq3A_46 : i32
    %convert_element_type3A_48 = arith.extui %eq3A_47 : i1 to i32
    %cond3A_49 = arith.constant 0 : i32
    %cond3A_50 = arith.cmpi ne, %convert_element_type3A_48, %cond3A_49 : i32
    scf.if %cond3A_50 {
      "tpu.region"() ({
        %run_scoped3A = tpu.sem_alloc : memref<!tpu.dma_semaphore, #tpu.memory_space<semaphore_mem>>
        %dma_start3A_93 = arith.constant 9984 : i32
        %dma_start3A_94 = arith.constant 0 : i32
        %dma_start3A_95 = tpu.memref_slice %arg9[%arg0, %dma_start3A_93, %dma_start3A_94] : memref<2x10000x64xf32, #tpu.memory_space<hbm>> -> memref<1x16x64xf32, #tpu.memory_space<hbm>>
        %dma_start3A_96 = tpu.memref_squeeze %dma_start3A_95 : memref<1x16x64xf32, #tpu.memory_space<hbm>> -> memref<16x64xf32, #tpu.memory_space<hbm>>
        %dma_start3A_97 = arith.constant 9984 : i32
        %dma_start3A_98 = arith.constant 0 : i32
        %dma_start3A_99 = tpu.memref_slice %arg17[%dma_start3A_97, %dma_start3A_98] : memref<10000x64xf32, #tpu.memory_space<vmem_shared>> -> memref<16x64xf32, #tpu.memory_space<vmem_shared>>
        tpu.enqueue_dma source(%dma_start3A_99 : memref<16x64xf32, #tpu.memory_space<vmem_shared>>) target(%dma_start3A_96 : memref<16x64xf32, #tpu.memory_space<hbm>>) target_semaphore(%run_scoped3A : memref<!tpu.dma_semaphore, #tpu.memory_space<semaphore_mem>>)
        %dma_wait3A = arith.constant 9984 : i32
        %dma_wait3A_100 = arith.constant 0 : i32
        %dma_wait3A_101 = tpu.memref_slice %arg9[%arg0, %dma_wait3A, %dma_wait3A_100] : memref<2x10000x64xf32, #tpu.memory_space<hbm>> -> memref<1x16x64xf32, #tpu.memory_space<hbm>>
        %dma_wait3A_102 = tpu.memref_squeeze %dma_wait3A_101 : memref<1x16x64xf32, #tpu.memory_space<hbm>> -> memref<16x64xf32, #tpu.memory_space<hbm>>
        %dma_wait3A_103 = arith.constant 9984 : i32
        %dma_wait3A_104 = arith.constant 0 : i32
        %dma_wait3A_105 = tpu.memref_slice %arg17[%dma_wait3A_103, %dma_wait3A_104] : memref<10000x64xf32, #tpu.memory_space<vmem_shared>> -> memref<16x64xf32, #tpu.memory_space<vmem_shared>>
        tpu.wait_dma2 semaphore(%run_scoped3A : memref<!tpu.dma_semaphore, #tpu.memory_space<semaphore_mem>>) src(%dma_wait3A_105 : memref<16x64xf32, #tpu.memory_space<vmem_shared>>) dst(%dma_wait3A_102 : memref<16x64xf32, #tpu.memory_space<hbm>>)
        tpu.yield
      }) : () -> ()
    } else {
    }
    "tpu.region"() ({
      %run_scoped3A = tpu.sem_alloc : memref<!tpu.dma_semaphore, #tpu.memory_space<semaphore_mem>>
      %dma_start3A_93 = arith.constant 0 : i32
      %dma_start3A_94 = tpu.memref_slice %arg11[%arg0, %mul3A_2, %dma_start3A_93] : memref<2x10000x16xf32, #tpu.memory_space<hbm>> -> memref<1x624x16xf32, #tpu.memory_space<hbm>>
      %dma_start3A_95 = tpu.memref_squeeze %dma_start3A_94 : memref<1x624x16xf32, #tpu.memory_space<hbm>> -> memref<624x16xf32, #tpu.memory_space<hbm>>
      %dma_start3A_96 = arith.constant 0 : i32
      %dma_start3A_97 = tpu.memref_slice %arg22[%mul3A_2, %dma_start3A_96] : memref<10000x16xf32, #tpu.memory_space<vmem_shared>> -> memref<624x16xf32, #tpu.memory_space<vmem_shared>>
      tpu.enqueue_dma source(%dma_start3A_97 : memref<624x16xf32, #tpu.memory_space<vmem_shared>>) target(%dma_start3A_95 : memref<624x16xf32, #tpu.memory_space<hbm>>) target_semaphore(%run_scoped3A : memref<!tpu.dma_semaphore, #tpu.memory_space<semaphore_mem>>)
      %dma_wait3A = arith.constant 0 : i32
      %dma_wait3A_98 = tpu.memref_slice %arg11[%arg0, %mul3A_2, %dma_wait3A] : memref<2x10000x16xf32, #tpu.memory_space<hbm>> -> memref<1x624x16xf32, #tpu.memory_space<hbm>>
      %dma_wait3A_99 = tpu.memref_squeeze %dma_wait3A_98 : memref<1x624x16xf32, #tpu.memory_space<hbm>> -> memref<624x16xf32, #tpu.memory_space<hbm>>
      %dma_wait3A_100 = arith.constant 0 : i32
      %dma_wait3A_101 = tpu.memref_slice %arg22[%mul3A_2, %dma_wait3A_100] : memref<10000x16xf32, #tpu.memory_space<vmem_shared>> -> memref<624x16xf32, #tpu.memory_space<vmem_shared>>
      tpu.wait_dma2 semaphore(%run_scoped3A : memref<!tpu.dma_semaphore, #tpu.memory_space<semaphore_mem>>) src(%dma_wait3A_101 : memref<624x16xf32, #tpu.memory_space<vmem_shared>>) dst(%dma_wait3A_99 : memref<624x16xf32, #tpu.memory_space<hbm>>)
      tpu.yield
    }) : () -> ()
    %eq3A_51 = arith.constant 15 : i32
    %eq3A_52 = arith.cmpi eq, %arg1, %eq3A_51 : i32
    %convert_element_type3A_53 = arith.extui %eq3A_52 : i1 to i32
    %cond3A_54 = arith.constant 0 : i32
    %cond3A_55 = arith.cmpi ne, %convert_element_type3A_53, %cond3A_54 : i32
    scf.if %cond3A_55 {
      "tpu.region"() ({
        %run_scoped3A = tpu.sem_alloc : memref<!tpu.dma_semaphore, #tpu.memory_space<semaphore_mem>>
        %dma_start3A_93 = arith.constant 9984 : i32
        %dma_start3A_94 = arith.constant 0 : i32
        %dma_start3A_95 = tpu.memref_slice %arg11[%arg0, %dma_start3A_93, %dma_start3A_94] : memref<2x10000x16xf32, #tpu.memory_space<hbm>> -> memref<1x16x16xf32, #tpu.memory_space<hbm>>
        %dma_start3A_96 = tpu.memref_squeeze %dma_start3A_95 : memref<1x16x16xf32, #tpu.memory_space<hbm>> -> memref<16x16xf32, #tpu.memory_space<hbm>>
        %dma_start3A_97 = arith.constant 9984 : i32
        %dma_start3A_98 = arith.constant 0 : i32
        %dma_start3A_99 = tpu.memref_slice %arg22[%dma_start3A_97, %dma_start3A_98] : memref<10000x16xf32, #tpu.memory_space<vmem_shared>> -> memref<16x16xf32, #tpu.memory_space<vmem_shared>>
        tpu.enqueue_dma source(%dma_start3A_99 : memref<16x16xf32, #tpu.memory_space<vmem_shared>>) target(%dma_start3A_96 : memref<16x16xf32, #tpu.memory_space<hbm>>) target_semaphore(%run_scoped3A : memref<!tpu.dma_semaphore, #tpu.memory_space<semaphore_mem>>)
        %dma_wait3A = arith.constant 9984 : i32
        %dma_wait3A_100 = arith.constant 0 : i32
        %dma_wait3A_101 = tpu.memref_slice %arg11[%arg0, %dma_wait3A, %dma_wait3A_100] : memref<2x10000x16xf32, #tpu.memory_space<hbm>> -> memref<1x16x16xf32, #tpu.memory_space<hbm>>
        %dma_wait3A_102 = tpu.memref_squeeze %dma_wait3A_101 : memref<1x16x16xf32, #tpu.memory_space<hbm>> -> memref<16x16xf32, #tpu.memory_space<hbm>>
        %dma_wait3A_103 = arith.constant 9984 : i32
        %dma_wait3A_104 = arith.constant 0 : i32
        %dma_wait3A_105 = tpu.memref_slice %arg22[%dma_wait3A_103, %dma_wait3A_104] : memref<10000x16xf32, #tpu.memory_space<vmem_shared>> -> memref<16x16xf32, #tpu.memory_space<vmem_shared>>
        tpu.wait_dma2 semaphore(%run_scoped3A : memref<!tpu.dma_semaphore, #tpu.memory_space<semaphore_mem>>) src(%dma_wait3A_105 : memref<16x16xf32, #tpu.memory_space<vmem_shared>>) dst(%dma_wait3A_102 : memref<16x16xf32, #tpu.memory_space<hbm>>)
        tpu.yield
      }) : () -> ()
    } else {
    }
    %add3A_56 = arith.constant 0 : i32
    %add3A_57 = arith.addi %mul3A_2, %add3A_56 : i32
    "tpu.region"() ({
      %run_scoped3A = tpu.sem_alloc : memref<!tpu.dma_semaphore, #tpu.memory_space<semaphore_mem>>
      %dma_start3A_93 = arith.constant 0 : i32
      %dma_start3A_94 = tpu.memref_slice %arg17[%add3A_57, %dma_start3A_93] : memref<10000x64xf32, #tpu.memory_space<vmem_shared>> -> memref<104x64xf32, #tpu.memory_space<vmem_shared>>
      %dma_start3A_95 = arith.constant 0 : i32
      %dma_start3A_96 = tpu.memref_slice %arg17[%add3A_57, %dma_start3A_95] : memref<10000x64xf32, #tpu.memory_space<vmem_shared>> -> memref<104x64xf32, #tpu.memory_space<vmem_shared>>
      tpu.enqueue_dma source(%arg16 : memref<104x64xf32, #tpu.memory_space<vmem>>) target(%dma_start3A_96 : memref<104x64xf32, #tpu.memory_space<vmem_shared>>) target_semaphore(%run_scoped3A : memref<!tpu.dma_semaphore, #tpu.memory_space<semaphore_mem>>)
      %dma_wait3A = arith.constant 0 : i32
      %dma_wait3A_97 = tpu.memref_slice %arg17[%add3A_57, %dma_wait3A] : memref<10000x64xf32, #tpu.memory_space<vmem_shared>> -> memref<104x64xf32, #tpu.memory_space<vmem_shared>>
      %dma_wait3A_98 = arith.constant 0 : i32
      %dma_wait3A_99 = tpu.memref_slice %arg17[%add3A_57, %dma_wait3A_98] : memref<10000x64xf32, #tpu.memory_space<vmem_shared>> -> memref<104x64xf32, #tpu.memory_space<vmem_shared>>
      tpu.wait_dma2 semaphore(%run_scoped3A : memref<!tpu.dma_semaphore, #tpu.memory_space<semaphore_mem>>) src(%arg16 : memref<104x64xf32, #tpu.memory_space<vmem>>) dst(%dma_wait3A_99 : memref<104x64xf32, #tpu.memory_space<vmem_shared>>)
      tpu.yield
    }) : () -> ()
    %add3A_58 = arith.constant 104 : i32
    %add3A_59 = arith.addi %mul3A_2, %add3A_58 : i32
    "tpu.region"() ({
      %run_scoped3A = tpu.sem_alloc : memref<!tpu.dma_semaphore, #tpu.memory_space<semaphore_mem>>
      %dma_start3A_93 = arith.constant 0 : i32
      %dma_start3A_94 = tpu.memref_slice %arg17[%add3A_59, %dma_start3A_93] : memref<10000x64xf32, #tpu.memory_space<vmem_shared>> -> memref<104x64xf32, #tpu.memory_space<vmem_shared>>
      %dma_start3A_95 = arith.constant 0 : i32
      %dma_start3A_96 = tpu.memref_slice %arg17[%add3A_59, %dma_start3A_95] : memref<10000x64xf32, #tpu.memory_space<vmem_shared>> -> memref<104x64xf32, #tpu.memory_space<vmem_shared>>
      tpu.enqueue_dma source(%arg16 : memref<104x64xf32, #tpu.memory_space<vmem>>) target(%dma_start3A_96 : memref<104x64xf32, #tpu.memory_space<vmem_shared>>) target_semaphore(%run_scoped3A : memref<!tpu.dma_semaphore, #tpu.memory_space<semaphore_mem>>)
      %dma_wait3A = arith.constant 0 : i32
      %dma_wait3A_97 = tpu.memref_slice %arg17[%add3A_59, %dma_wait3A] : memref<10000x64xf32, #tpu.memory_space<vmem_shared>> -> memref<104x64xf32, #tpu.memory_space<vmem_shared>>
      %dma_wait3A_98 = arith.constant 0 : i32
      %dma_wait3A_99 = tpu.memref_slice %arg17[%add3A_59, %dma_wait3A_98] : memref<10000x64xf32, #tpu.memory_space<vmem_shared>> -> memref<104x64xf32, #tpu.memory_space<vmem_shared>>
      tpu.wait_dma2 semaphore(%run_scoped3A : memref<!tpu.dma_semaphore, #tpu.memory_space<semaphore_mem>>) src(%arg16 : memref<104x64xf32, #tpu.memory_space<vmem>>) dst(%dma_wait3A_99 : memref<104x64xf32, #tpu.memory_space<vmem_shared>>)
      tpu.yield
    }) : () -> ()
    %add3A_60 = arith.constant 208 : i32
    %add3A_61 = arith.addi %mul3A_2, %add3A_60 : i32
    "tpu.region"() ({
      %run_scoped3A = tpu.sem_alloc : memref<!tpu.dma_semaphore, #tpu.memory_space<semaphore_mem>>
      %dma_start3A_93 = arith.constant 0 : i32
      %dma_start3A_94 = tpu.memref_slice %arg17[%add3A_61, %dma_start3A_93] : memref<10000x64xf32, #tpu.memory_space<vmem_shared>> -> memref<104x64xf32, #tpu.memory_space<vmem_shared>>
      %dma_start3A_95 = arith.constant 0 : i32
      %dma_start3A_96 = tpu.memref_slice %arg17[%add3A_61, %dma_start3A_95] : memref<10000x64xf32, #tpu.memory_space<vmem_shared>> -> memref<104x64xf32, #tpu.memory_space<vmem_shared>>
      tpu.enqueue_dma source(%arg16 : memref<104x64xf32, #tpu.memory_space<vmem>>) target(%dma_start3A_96 : memref<104x64xf32, #tpu.memory_space<vmem_shared>>) target_semaphore(%run_scoped3A : memref<!tpu.dma_semaphore, #tpu.memory_space<semaphore_mem>>)
      %dma_wait3A = arith.constant 0 : i32
      %dma_wait3A_97 = tpu.memref_slice %arg17[%add3A_61, %dma_wait3A] : memref<10000x64xf32, #tpu.memory_space<vmem_shared>> -> memref<104x64xf32, #tpu.memory_space<vmem_shared>>
      %dma_wait3A_98 = arith.constant 0 : i32
      %dma_wait3A_99 = tpu.memref_slice %arg17[%add3A_61, %dma_wait3A_98] : memref<10000x64xf32, #tpu.memory_space<vmem_shared>> -> memref<104x64xf32, #tpu.memory_space<vmem_shared>>
      tpu.wait_dma2 semaphore(%run_scoped3A : memref<!tpu.dma_semaphore, #tpu.memory_space<semaphore_mem>>) src(%arg16 : memref<104x64xf32, #tpu.memory_space<vmem>>) dst(%dma_wait3A_99 : memref<104x64xf32, #tpu.memory_space<vmem_shared>>)
      tpu.yield
    }) : () -> ()
    %add3A_62 = arith.constant 312 : i32
    %add3A_63 = arith.addi %mul3A_2, %add3A_62 : i32
    "tpu.region"() ({
      %run_scoped3A = tpu.sem_alloc : memref<!tpu.dma_semaphore, #tpu.memory_space<semaphore_mem>>
      %dma_start3A_93 = arith.constant 0 : i32
      %dma_start3A_94 = tpu.memref_slice %arg17[%add3A_63, %dma_start3A_93] : memref<10000x64xf32, #tpu.memory_space<vmem_shared>> -> memref<104x64xf32, #tpu.memory_space<vmem_shared>>
      %dma_start3A_95 = arith.constant 0 : i32
      %dma_start3A_96 = tpu.memref_slice %arg17[%add3A_63, %dma_start3A_95] : memref<10000x64xf32, #tpu.memory_space<vmem_shared>> -> memref<104x64xf32, #tpu.memory_space<vmem_shared>>
      tpu.enqueue_dma source(%arg16 : memref<104x64xf32, #tpu.memory_space<vmem>>) target(%dma_start3A_96 : memref<104x64xf32, #tpu.memory_space<vmem_shared>>) target_semaphore(%run_scoped3A : memref<!tpu.dma_semaphore, #tpu.memory_space<semaphore_mem>>)
      %dma_wait3A = arith.constant 0 : i32
      %dma_wait3A_97 = tpu.memref_slice %arg17[%add3A_63, %dma_wait3A] : memref<10000x64xf32, #tpu.memory_space<vmem_shared>> -> memref<104x64xf32, #tpu.memory_space<vmem_shared>>
      %dma_wait3A_98 = arith.constant 0 : i32
      %dma_wait3A_99 = tpu.memref_slice %arg17[%add3A_63, %dma_wait3A_98] : memref<10000x64xf32, #tpu.memory_space<vmem_shared>> -> memref<104x64xf32, #tpu.memory_space<vmem_shared>>
      tpu.wait_dma2 semaphore(%run_scoped3A : memref<!tpu.dma_semaphore, #tpu.memory_space<semaphore_mem>>) src(%arg16 : memref<104x64xf32, #tpu.memory_space<vmem>>) dst(%dma_wait3A_99 : memref<104x64xf32, #tpu.memory_space<vmem_shared>>)
      tpu.yield
    }) : () -> ()
    %add3A_64 = arith.constant 416 : i32
    %add3A_65 = arith.addi %mul3A_2, %add3A_64 : i32
    "tpu.region"() ({
      %run_scoped3A = tpu.sem_alloc : memref<!tpu.dma_semaphore, #tpu.memory_space<semaphore_mem>>
      %dma_start3A_93 = arith.constant 0 : i32
      %dma_start3A_94 = tpu.memref_slice %arg17[%add3A_65, %dma_start3A_93] : memref<10000x64xf32, #tpu.memory_space<vmem_shared>> -> memref<104x64xf32, #tpu.memory_space<vmem_shared>>
      %dma_start3A_95 = arith.constant 0 : i32
      %dma_start3A_96 = tpu.memref_slice %arg17[%add3A_65, %dma_start3A_95] : memref<10000x64xf32, #tpu.memory_space<vmem_shared>> -> memref<104x64xf32, #tpu.memory_space<vmem_shared>>
      tpu.enqueue_dma source(%arg16 : memref<104x64xf32, #tpu.memory_space<vmem>>) target(%dma_start3A_96 : memref<104x64xf32, #tpu.memory_space<vmem_shared>>) target_semaphore(%run_scoped3A : memref<!tpu.dma_semaphore, #tpu.memory_space<semaphore_mem>>)
      %dma_wait3A = arith.constant 0 : i32
      %dma_wait3A_97 = tpu.memref_slice %arg17[%add3A_65, %dma_wait3A] : memref<10000x64xf32, #tpu.memory_space<vmem_shared>> -> memref<104x64xf32, #tpu.memory_space<vmem_shared>>
      %dma_wait3A_98 = arith.constant 0 : i32
      %dma_wait3A_99 = tpu.memref_slice %arg17[%add3A_65, %dma_wait3A_98] : memref<10000x64xf32, #tpu.memory_space<vmem_shared>> -> memref<104x64xf32, #tpu.memory_space<vmem_shared>>
      tpu.wait_dma2 semaphore(%run_scoped3A : memref<!tpu.dma_semaphore, #tpu.memory_space<semaphore_mem>>) src(%arg16 : memref<104x64xf32, #tpu.memory_space<vmem>>) dst(%dma_wait3A_99 : memref<104x64xf32, #tpu.memory_space<vmem_shared>>)
      tpu.yield
    }) : () -> ()
    %add3A_66 = arith.constant 520 : i32
    %add3A_67 = arith.addi %mul3A_2, %add3A_66 : i32
    "tpu.region"() ({
      %run_scoped3A = tpu.sem_alloc : memref<!tpu.dma_semaphore, #tpu.memory_space<semaphore_mem>>
      %dma_start3A_93 = arith.constant 0 : i32
      %dma_start3A_94 = tpu.memref_slice %arg17[%add3A_67, %dma_start3A_93] : memref<10000x64xf32, #tpu.memory_space<vmem_shared>> -> memref<104x64xf32, #tpu.memory_space<vmem_shared>>
      %dma_start3A_95 = arith.constant 0 : i32
      %dma_start3A_96 = tpu.memref_slice %arg17[%add3A_67, %dma_start3A_95] : memref<10000x64xf32, #tpu.memory_space<vmem_shared>> -> memref<104x64xf32, #tpu.memory_space<vmem_shared>>
      tpu.enqueue_dma source(%arg16 : memref<104x64xf32, #tpu.memory_space<vmem>>) target(%dma_start3A_96 : memref<104x64xf32, #tpu.memory_space<vmem_shared>>) target_semaphore(%run_scoped3A : memref<!tpu.dma_semaphore, #tpu.memory_space<semaphore_mem>>)
      %dma_wait3A = arith.constant 0 : i32
      %dma_wait3A_97 = tpu.memref_slice %arg17[%add3A_67, %dma_wait3A] : memref<10000x64xf32, #tpu.memory_space<vmem_shared>> -> memref<104x64xf32, #tpu.memory_space<vmem_shared>>
      %dma_wait3A_98 = arith.constant 0 : i32
      %dma_wait3A_99 = tpu.memref_slice %arg17[%add3A_67, %dma_wait3A_98] : memref<10000x64xf32, #tpu.memory_space<vmem_shared>> -> memref<104x64xf32, #tpu.memory_space<vmem_shared>>
      tpu.wait_dma2 semaphore(%run_scoped3A : memref<!tpu.dma_semaphore, #tpu.memory_space<semaphore_mem>>) src(%arg16 : memref<104x64xf32, #tpu.memory_space<vmem>>) dst(%dma_wait3A_99 : memref<104x64xf32, #tpu.memory_space<vmem_shared>>)
      tpu.yield
    }) : () -> ()
    %eq3A_68 = arith.constant 15 : i32
    %eq3A_69 = arith.cmpi eq, %arg1, %eq3A_68 : i32
    %convert_element_type3A_70 = arith.extui %eq3A_69 : i1 to i32
    %cond3A_71 = arith.constant 0 : i32
    %cond3A_72 = arith.cmpi ne, %convert_element_type3A_70, %cond3A_71 : i32
    scf.if %cond3A_72 {
      "tpu.region"() ({
        %run_scoped3A = tpu.sem_alloc : memref<!tpu.dma_semaphore, #tpu.memory_space<semaphore_mem>>
        %dma_start3A_93 = arith.constant 0 : i32
        %dma_start3A_94 = arith.constant 0 : i32
        %dma_start3A_95 = tpu.memref_slice %arg16[%dma_start3A_93, %dma_start3A_94] : memref<104x64xf32, #tpu.memory_space<vmem>> -> memref<16x64xf32, #tpu.memory_space<vmem>>
        %dma_start3A_96 = arith.constant 9984 : i32
        %dma_start3A_97 = arith.constant 0 : i32
        %dma_start3A_98 = tpu.memref_slice %arg17[%dma_start3A_96, %dma_start3A_97] : memref<10000x64xf32, #tpu.memory_space<vmem_shared>> -> memref<16x64xf32, #tpu.memory_space<vmem_shared>>
        %dma_start3A_99 = arith.constant 9984 : i32
        %dma_start3A_100 = arith.constant 0 : i32
        %dma_start3A_101 = tpu.memref_slice %arg17[%dma_start3A_99, %dma_start3A_100] : memref<10000x64xf32, #tpu.memory_space<vmem_shared>> -> memref<16x64xf32, #tpu.memory_space<vmem_shared>>
        %dma_start3A_102 = arith.constant 0 : i32
        %dma_start3A_103 = arith.constant 0 : i32
        %dma_start3A_104 = tpu.memref_slice %arg16[%dma_start3A_102, %dma_start3A_103] : memref<104x64xf32, #tpu.memory_space<vmem>> -> memref<16x64xf32, #tpu.memory_space<vmem>>
        tpu.enqueue_dma source(%dma_start3A_104 : memref<16x64xf32, #tpu.memory_space<vmem>>) target(%dma_start3A_101 : memref<16x64xf32, #tpu.memory_space<vmem_shared>>) target_semaphore(%run_scoped3A : memref<!tpu.dma_semaphore, #tpu.memory_space<semaphore_mem>>)
        %dma_wait3A = arith.constant 0 : i32
        %dma_wait3A_105 = arith.constant 0 : i32
        %dma_wait3A_106 = tpu.memref_slice %arg16[%dma_wait3A, %dma_wait3A_105] : memref<104x64xf32, #tpu.memory_space<vmem>> -> memref<16x64xf32, #tpu.memory_space<vmem>>
        %dma_wait3A_107 = arith.constant 9984 : i32
        %dma_wait3A_108 = arith.constant 0 : i32
        %dma_wait3A_109 = tpu.memref_slice %arg17[%dma_wait3A_107, %dma_wait3A_108] : memref<10000x64xf32, #tpu.memory_space<vmem_shared>> -> memref<16x64xf32, #tpu.memory_space<vmem_shared>>
        %dma_wait3A_110 = arith.constant 9984 : i32
        %dma_wait3A_111 = arith.constant 0 : i32
        %dma_wait3A_112 = tpu.memref_slice %arg17[%dma_wait3A_110, %dma_wait3A_111] : memref<10000x64xf32, #tpu.memory_space<vmem_shared>> -> memref<16x64xf32, #tpu.memory_space<vmem_shared>>
        %dma_wait3A_113 = arith.constant 0 : i32
        %dma_wait3A_114 = arith.constant 0 : i32
        %dma_wait3A_115 = tpu.memref_slice %arg16[%dma_wait3A_113, %dma_wait3A_114] : memref<104x64xf32, #tpu.memory_space<vmem>> -> memref<16x64xf32, #tpu.memory_space<vmem>>
        tpu.wait_dma2 semaphore(%run_scoped3A : memref<!tpu.dma_semaphore, #tpu.memory_space<semaphore_mem>>) src(%dma_wait3A_115 : memref<16x64xf32, #tpu.memory_space<vmem>>) dst(%dma_wait3A_112 : memref<16x64xf32, #tpu.memory_space<vmem_shared>>)
        tpu.yield
      }) : () -> ()
    } else {
    }
    %barrier3A_73 = arith.constant 0 : index
    tpu.barrier barrier_id(%barrier3A_73)
    %dma_start3A_74 = arith.constant 0 : i32
    %dma_start3A_75 = arith.constant 0 : i32
    %dma_start3A_76 = tpu.memref_slice %arg12[%dma_start3A_74, %dma_start3A_75] : memref<250x40xi32, #tpu.memory_space<vmem>> -> memref<1x40xi32, #tpu.memory_space<vmem>>
    %dma_start3A_77 = tpu.memref_squeeze %dma_start3A_76 : memref<1x40xi32, #tpu.memory_space<vmem>> -> memref<40xi32, #tpu.memory_space<vmem>>
    %dma_start3A_78 = arith.constant 0 : i32
    %dma_start3A_79 = arith.constant 0 : i32
    %dma_start3A_80 = tpu.memref_slice %arg3[%dma_start3A_78, %dma_start3A_79] : memref<10000x64xf32, #tpu.memory_space<hbm>> -> memref<10000x64xf32, #tpu.memory_space<hbm>>
    tpu.enqueue_indirect_dma source(%dma_start3A_80 : memref<10000x64xf32, #tpu.memory_space<hbm>>) target(%arg14 : memref<40x64xf32, #tpu.memory_space<vmem>>) offsets(%dma_start3A_77 : memref<40xi32, #tpu.memory_space<vmem>>) semaphore(%arg18 : memref<!tpu.dma_semaphore, #tpu.memory_space<semaphore_mem>>)
    %scan3A_81 = arith.constant 0 : i32
    %scan3A_82 = arith.constant 0 : i32
    %scan3A_83 = arith.constant 125 : i32
    %scan3A_84 = arith.addi %scan3A_82, %scan3A_83 : i32
    %scan3A_85 = arith.constant 1 : i32
    scf.for %scan3A_93 = %scan3A_82 to %scan3A_84 step %scan3A_85  : i32 {
      %mul3A_94 = arith.constant 2 : i32
      %mul3A_95 = arith.muli %mul3A_94, %scan3A_93 : i32
      %add3A_96 = arith.constant 1 : i32
      %add3A_97 = arith.addi %mul3A_95, %add3A_96 : i32
      %dma_start3A_98 = arith.constant 0 : i32
      %dma_start3A_99 = tpu.memref_slice %arg12[%add3A_97, %dma_start3A_98] : memref<250x40xi32, #tpu.memory_space<vmem>> -> memref<1x40xi32, #tpu.memory_space<vmem>>
      %dma_start3A_100 = tpu.memref_squeeze %dma_start3A_99 : memref<1x40xi32, #tpu.memory_space<vmem>> -> memref<40xi32, #tpu.memory_space<vmem>>
      %dma_start3A_101 = arith.constant 0 : i32
      %dma_start3A_102 = arith.constant 0 : i32
      %dma_start3A_103 = tpu.memref_slice %arg3[%dma_start3A_101, %dma_start3A_102] : memref<10000x64xf32, #tpu.memory_space<hbm>> -> memref<10000x64xf32, #tpu.memory_space<hbm>>
      tpu.enqueue_indirect_dma source(%dma_start3A_103 : memref<10000x64xf32, #tpu.memory_space<hbm>>) target(%arg15 : memref<40x64xf32, #tpu.memory_space<vmem>>) offsets(%dma_start3A_100 : memref<40xi32, #tpu.memory_space<vmem>>) semaphore(%arg19 : memref<!tpu.dma_semaphore, #tpu.memory_space<semaphore_mem>>)
      %dma_wait3A = arith.constant 0 : i32
      %dma_wait3A_104 = arith.constant 0 : i32
      %dma_wait3A_105 = tpu.memref_slice %arg12[%dma_wait3A, %dma_wait3A_104] : memref<250x40xi32, #tpu.memory_space<vmem>> -> memref<1x40xi32, #tpu.memory_space<vmem>>
      %dma_wait3A_106 = tpu.memref_squeeze %dma_wait3A_105 : memref<1x40xi32, #tpu.memory_space<vmem>> -> memref<40xi32, #tpu.memory_space<vmem>>
      %dma_wait3A_107 = arith.constant 0 : i32
      %dma_wait3A_108 = arith.constant 0 : i32
      %dma_wait3A_109 = tpu.memref_slice %arg3[%dma_wait3A_107, %dma_wait3A_108] : memref<10000x64xf32, #tpu.memory_space<hbm>> -> memref<10000x64xf32, #tpu.memory_space<hbm>>
      tpu.wait_indirect_dma semaphore(%arg18 : memref<!tpu.dma_semaphore, #tpu.memory_space<semaphore_mem>>) src(%dma_wait3A_109 : memref<10000x64xf32, #tpu.memory_space<hbm>>) dst(%arg14 : memref<40x64xf32, #tpu.memory_space<vmem>>)
      "tpu.region"() ({
        %run_scoped3A = tpu.sem_alloc : memref<!tpu.dma_semaphore, #tpu.memory_space<semaphore_mem>>
        %dma_start3A_123 = arith.constant 0 : i32
        %dma_start3A_124 = tpu.memref_slice %arg13[%mul3A_95, %dma_start3A_123] : memref<250x40xi32, #tpu.memory_space<vmem>> -> memref<1x40xi32, #tpu.memory_space<vmem>>
        %dma_start3A_125 = tpu.memref_squeeze %dma_start3A_124 : memref<1x40xi32, #tpu.memory_space<vmem>> -> memref<40xi32, #tpu.memory_space<vmem>>
        %dma_start3A_126 = arith.constant 0 : i32
        %dma_start3A_127 = arith.constant 0 : i32
        %dma_start3A_128 = tpu.memref_slice %arg17[%dma_start3A_126, %dma_start3A_127] : memref<10000x64xf32, #tpu.memory_space<vmem_shared>> -> memref<10000x64xf32, #tpu.memory_space<vmem_shared>>
        tpu.enqueue_indirect_dma source(%arg14 : memref<40x64xf32, #tpu.memory_space<vmem>>) target(%dma_start3A_128 : memref<10000x64xf32, #tpu.memory_space<vmem_shared>>) offsets(%dma_start3A_125 : memref<40xi32, #tpu.memory_space<vmem>>) semaphore(%run_scoped3A : memref<!tpu.dma_semaphore, #tpu.memory_space<semaphore_mem>>) {add = true}
        %dma_wait3A_129 = arith.constant 0 : i32
        %dma_wait3A_130 = tpu.memref_slice %arg13[%mul3A_95, %dma_wait3A_129] : memref<250x40xi32, #tpu.memory_space<vmem>> -> memref<1x40xi32, #tpu.memory_space<vmem>>
        %dma_wait3A_131 = tpu.memref_squeeze %dma_wait3A_130 : memref<1x40xi32, #tpu.memory_space<vmem>> -> memref<40xi32, #tpu.memory_space<vmem>>
        %dma_wait3A_132 = arith.constant 0 : i32
        %dma_wait3A_133 = arith.constant 0 : i32
        %dma_wait3A_134 = tpu.memref_slice %arg17[%dma_wait3A_132, %dma_wait3A_133] : memref<10000x64xf32, #tpu.memory_space<vmem_shared>> -> memref<10000x64xf32, #tpu.memory_space<vmem_shared>>
        tpu.wait_indirect_dma semaphore(%run_scoped3A : memref<!tpu.dma_semaphore, #tpu.memory_space<semaphore_mem>>) src(%arg14 : memref<40x64xf32, #tpu.memory_space<vmem>>) dst(%dma_wait3A_134 : memref<10000x64xf32, #tpu.memory_space<vmem_shared>>)
        tpu.yield
      }) : () -> ()
      %add3A_110 = arith.constant 1 : i32
      %add3A_111 = arith.addi %add3A_97, %add3A_110 : i32
      %lt3A = arith.constant 250 : i32
      %lt3A_112 = arith.cmpi slt, %add3A_111, %lt3A : i32
      %convert_element_type3A_113 = arith.extui %lt3A_112 : i1 to i32
      %cond3A_114 = arith.constant 0 : i32
      %cond3A_115 = arith.cmpi ne, %convert_element_type3A_113, %cond3A_114 : i32
      scf.if %cond3A_115 {
        %add3A_123 = arith.constant 1 : i32
        %add3A_124 = arith.addi %add3A_97, %add3A_123 : i32
        %dma_start3A_125 = arith.constant 0 : i32
        %dma_start3A_126 = tpu.memref_slice %arg12[%add3A_124, %dma_start3A_125] : memref<250x40xi32, #tpu.memory_space<vmem>> -> memref<1x40xi32, #tpu.memory_space<vmem>>
        %dma_start3A_127 = tpu.memref_squeeze %dma_start3A_126 : memref<1x40xi32, #tpu.memory_space<vmem>> -> memref<40xi32, #tpu.memory_space<vmem>>
        %dma_start3A_128 = arith.constant 0 : i32
        %dma_start3A_129 = arith.constant 0 : i32
        %dma_start3A_130 = tpu.memref_slice %arg3[%dma_start3A_128, %dma_start3A_129] : memref<10000x64xf32, #tpu.memory_space<hbm>> -> memref<10000x64xf32, #tpu.memory_space<hbm>>
        tpu.enqueue_indirect_dma source(%dma_start3A_130 : memref<10000x64xf32, #tpu.memory_space<hbm>>) target(%arg14 : memref<40x64xf32, #tpu.memory_space<vmem>>) offsets(%dma_start3A_127 : memref<40xi32, #tpu.memory_space<vmem>>) semaphore(%arg18 : memref<!tpu.dma_semaphore, #tpu.memory_space<semaphore_mem>>)
      } else {
      }
      %dma_wait3A_116 = arith.constant 0 : i32
      %dma_wait3A_117 = arith.constant 0 : i32
      %dma_wait3A_118 = tpu.memref_slice %arg12[%dma_wait3A_116, %dma_wait3A_117] : memref<250x40xi32, #tpu.memory_space<vmem>> -> memref<1x40xi32, #tpu.memory_space<vmem>>
      %dma_wait3A_119 = tpu.memref_squeeze %dma_wait3A_118 : memref<1x40xi32, #tpu.memory_space<vmem>> -> memref<40xi32, #tpu.memory_space<vmem>>
      %dma_wait3A_120 = arith.constant 0 : i32
      %dma_wait3A_121 = arith.constant 0 : i32
      %dma_wait3A_122 = tpu.memref_slice %arg3[%dma_wait3A_120, %dma_wait3A_121] : memref<10000x64xf32, #tpu.memory_space<hbm>> -> memref<10000x64xf32, #tpu.memory_space<hbm>>
      tpu.wait_indirect_dma semaphore(%arg19 : memref<!tpu.dma_semaphore, #tpu.memory_space<semaphore_mem>>) src(%dma_wait3A_122 : memref<10000x64xf32, #tpu.memory_space<hbm>>) dst(%arg15 : memref<40x64xf32, #tpu.memory_space<vmem>>)
      "tpu.region"() ({
        %run_scoped3A = tpu.sem_alloc : memref<!tpu.dma_semaphore, #tpu.memory_space<semaphore_mem>>
        %dma_start3A_123 = arith.constant 0 : i32
        %dma_start3A_124 = tpu.memref_slice %arg13[%add3A_97, %dma_start3A_123] : memref<250x40xi32, #tpu.memory_space<vmem>> -> memref<1x40xi32, #tpu.memory_space<vmem>>
        %dma_start3A_125 = tpu.memref_squeeze %dma_start3A_124 : memref<1x40xi32, #tpu.memory_space<vmem>> -> memref<40xi32, #tpu.memory_space<vmem>>
        %dma_start3A_126 = arith.constant 0 : i32
        %dma_start3A_127 = arith.constant 0 : i32
        %dma_start3A_128 = tpu.memref_slice %arg17[%dma_start3A_126, %dma_start3A_127] : memref<10000x64xf32, #tpu.memory_space<vmem_shared>> -> memref<10000x64xf32, #tpu.memory_space<vmem_shared>>
        tpu.enqueue_indirect_dma source(%arg15 : memref<40x64xf32, #tpu.memory_space<vmem>>) target(%dma_start3A_128 : memref<10000x64xf32, #tpu.memory_space<vmem_shared>>) offsets(%dma_start3A_125 : memref<40xi32, #tpu.memory_space<vmem>>) semaphore(%run_scoped3A : memref<!tpu.dma_semaphore, #tpu.memory_space<semaphore_mem>>) {add = true}
        %dma_wait3A_129 = arith.constant 0 : i32
        %dma_wait3A_130 = tpu.memref_slice %arg13[%add3A_97, %dma_wait3A_129] : memref<250x40xi32, #tpu.memory_space<vmem>> -> memref<1x40xi32, #tpu.memory_space<vmem>>
        %dma_wait3A_131 = tpu.memref_squeeze %dma_wait3A_130 : memref<1x40xi32, #tpu.memory_space<vmem>> -> memref<40xi32, #tpu.memory_space<vmem>>
        %dma_wait3A_132 = arith.constant 0 : i32
        %dma_wait3A_133 = arith.constant 0 : i32
        %dma_wait3A_134 = tpu.memref_slice %arg17[%dma_wait3A_132, %dma_wait3A_133] : memref<10000x64xf32, #tpu.memory_space<vmem_shared>> -> memref<10000x64xf32, #tpu.memory_space<vmem_shared>>
        tpu.wait_indirect_dma semaphore(%run_scoped3A : memref<!tpu.dma_semaphore, #tpu.memory_space<semaphore_mem>>) src(%arg15 : memref<40x64xf32, #tpu.memory_space<vmem>>) dst(%dma_wait3A_134 : memref<10000x64xf32, #tpu.memory_space<vmem_shared>>)
        tpu.yield
      }) : () -> ()
    }
    %scan3A_86 = arith.constant 125 : i32
    %barrier3A_87 = arith.constant 0 : index
    tpu.barrier barrier_id(%barrier3A_87)
    "tpu.region"() ({
      %run_scoped3A = tpu.sem_alloc : memref<!tpu.dma_semaphore, #tpu.memory_space<semaphore_mem>>
      %dma_start3A_93 = arith.constant 0 : i32
      %dma_start3A_94 = tpu.memref_slice %arg10[%arg0, %mul3A_2, %dma_start3A_93] : memref<2x10000x64xf32, #tpu.memory_space<hbm>> -> memref<1x624x64xf32, #tpu.memory_space<hbm>>
      %dma_start3A_95 = tpu.memref_squeeze %dma_start3A_94 : memref<1x624x64xf32, #tpu.memory_space<hbm>> -> memref<624x64xf32, #tpu.memory_space<hbm>>
      %dma_start3A_96 = arith.constant 0 : i32
      %dma_start3A_97 = tpu.memref_slice %arg17[%mul3A_2, %dma_start3A_96] : memref<10000x64xf32, #tpu.memory_space<vmem_shared>> -> memref<624x64xf32, #tpu.memory_space<vmem_shared>>
      tpu.enqueue_dma source(%dma_start3A_97 : memref<624x64xf32, #tpu.memory_space<vmem_shared>>) target(%dma_start3A_95 : memref<624x64xf32, #tpu.memory_space<hbm>>) target_semaphore(%run_scoped3A : memref<!tpu.dma_semaphore, #tpu.memory_space<semaphore_mem>>)
      %dma_wait3A = arith.constant 0 : i32
      %dma_wait3A_98 = tpu.memref_slice %arg10[%arg0, %mul3A_2, %dma_wait3A] : memref<2x10000x64xf32, #tpu.memory_space<hbm>> -> memref<1x624x64xf32, #tpu.memory_space<hbm>>
      %dma_wait3A_99 = tpu.memref_squeeze %dma_wait3A_98 : memref<1x624x64xf32, #tpu.memory_space<hbm>> -> memref<624x64xf32, #tpu.memory_space<hbm>>
      %dma_wait3A_100 = arith.constant 0 : i32
      %dma_wait3A_101 = tpu.memref_slice %arg17[%mul3A_2, %dma_wait3A_100] : memref<10000x64xf32, #tpu.memory_space<vmem_shared>> -> memref<624x64xf32, #tpu.memory_space<vmem_shared>>
      tpu.wait_dma2 semaphore(%run_scoped3A : memref<!tpu.dma_semaphore, #tpu.memory_space<semaphore_mem>>) src(%dma_wait3A_101 : memref<624x64xf32, #tpu.memory_space<vmem_shared>>) dst(%dma_wait3A_99 : memref<624x64xf32, #tpu.memory_space<hbm>>)
      tpu.yield
    }) : () -> ()
    %eq3A_88 = arith.constant 15 : i32
    %eq3A_89 = arith.cmpi eq, %arg1, %eq3A_88 : i32
    %convert_element_type3A_90 = arith.extui %eq3A_89 : i1 to i32
    %cond3A_91 = arith.constant 0 : i32
    %cond3A_92 = arith.cmpi ne, %convert_element_type3A_90, %cond3A_91 : i32
    scf.if %cond3A_92 {
      "tpu.region"() ({
        %run_scoped3A = tpu.sem_alloc : memref<!tpu.dma_semaphore, #tpu.memory_space<semaphore_mem>>
        %dma_start3A_93 = arith.constant 9984 : i32
        %dma_start3A_94 = arith.constant 0 : i32
        %dma_start3A_95 = tpu.memref_slice %arg10[%arg0, %dma_start3A_93, %dma_start3A_94] : memref<2x10000x64xf32, #tpu.memory_space<hbm>> -> memref<1x16x64xf32, #tpu.memory_space<hbm>>
        %dma_start3A_96 = tpu.memref_squeeze %dma_start3A_95 : memref<1x16x64xf32, #tpu.memory_space<hbm>> -> memref<16x64xf32, #tpu.memory_space<hbm>>
        %dma_start3A_97 = arith.constant 9984 : i32
        %dma_start3A_98 = arith.constant 0 : i32
        %dma_start3A_99 = tpu.memref_slice %arg17[%dma_start3A_97, %dma_start3A_98] : memref<10000x64xf32, #tpu.memory_space<vmem_shared>> -> memref<16x64xf32, #tpu.memory_space<vmem_shared>>
        tpu.enqueue_dma source(%dma_start3A_99 : memref<16x64xf32, #tpu.memory_space<vmem_shared>>) target(%dma_start3A_96 : memref<16x64xf32, #tpu.memory_space<hbm>>) target_semaphore(%run_scoped3A : memref<!tpu.dma_semaphore, #tpu.memory_space<semaphore_mem>>)
        %dma_wait3A = arith.constant 9984 : i32
        %dma_wait3A_100 = arith.constant 0 : i32
        %dma_wait3A_101 = tpu.memref_slice %arg10[%arg0, %dma_wait3A, %dma_wait3A_100] : memref<2x10000x64xf32, #tpu.memory_space<hbm>> -> memref<1x16x64xf32, #tpu.memory_space<hbm>>
        %dma_wait3A_102 = tpu.memref_squeeze %dma_wait3A_101 : memref<1x16x64xf32, #tpu.memory_space<hbm>> -> memref<16x64xf32, #tpu.memory_space<hbm>>
        %dma_wait3A_103 = arith.constant 9984 : i32
        %dma_wait3A_104 = arith.constant 0 : i32
        %dma_wait3A_105 = tpu.memref_slice %arg17[%dma_wait3A_103, %dma_wait3A_104] : memref<10000x64xf32, #tpu.memory_space<vmem_shared>> -> memref<16x64xf32, #tpu.memory_space<vmem_shared>>
        tpu.wait_dma2 semaphore(%run_scoped3A : memref<!tpu.dma_semaphore, #tpu.memory_space<semaphore_mem>>) src(%dma_wait3A_105 : memref<16x64xf32, #tpu.memory_space<vmem_shared>>) dst(%dma_wait3A_102 : memref<16x64xf32, #tpu.memory_space<hbm>>)
        tpu.yield
      }) : () -> ()
    } else {
    }
    return
  }
}

module attributes {stable_mosaic.version = 14 : i64} {
  func.func @_emb_body(%arg0: i32, %arg1: memref<2000x128xf32, #tpu.memory_space<vmem>>, %arg2: memref<128x128xf32, #tpu.memory_space<vmem>>, %arg3: memref<1x128xf32, #tpu.memory_space<vmem>>, %arg4: memref<2000x64xf32, #tpu.memory_space<vmem>>, %arg5: memref<2000x64xf32, #tpu.memory_space<vmem>>) attributes {dimension_semantics = [#tpu.dimension_semantics<arbitrary>], iteration_bounds = array<i64: 5>, scalar_prefetch = 0 : i64, scratch_operands = 0 : i64, tpu.core_type = #tpu.core_type<tc>, window_params = [{transform_indices = @transform_0, window_bounds = array<i64: 2000, 128>}, {pipeline_mode = #tpu.pipeline_mode<synchronous>, transform_indices = @transform_1, window_bounds = array<i64: 128, 128>}, {pipeline_mode = #tpu.pipeline_mode<synchronous>, transform_indices = @transform_2, window_bounds = array<i64: 1, 128>}, {transform_indices = @transform_3, window_bounds = array<i64: 2000, 64>}, {transform_indices = @transform_4, window_bounds = array<i64: 2000, 64>}]} {
    %get3A = arith.constant 0 : index
    %get3A_0 = arith.constant 0 : index
    %get3A_1 = vector.load %arg1[%get3A, %get3A_0] : memref<2000x128xf32, #tpu.memory_space<vmem>>, vector<2000x128xf32>
    %get3A_2 = arith.constant 0 : index
    %get3A_3 = arith.constant 0 : index
    %get3A_4 = vector.load %arg2[%get3A_2, %get3A_3] : memref<128x128xf32, #tpu.memory_space<vmem>>, vector<128x128xf32>
    %dot_general3A = arith.constant dense<0.000000e+00> : vector<2000x128xf32>
    %dot_general3A_5 = tpu.matmul %get3A_1, %get3A_4, %dot_general3A {dimension_numbers = #tpu.dot_dimension_numbers<[1], [0], [0], [1], [0, 0, 1, 1], [], []>, transpose_lhs_hint = false} : vector<2000x128xf32>, vector<128x128xf32>, vector<2000x128xf32> -> vector<2000x128xf32>
    %get3A_6 = arith.constant 0 : index
    %get3A_7 = arith.constant 0 : index
    %get3A_8 = vector.load %arg3[%get3A_6, %get3A_7] : memref<1x128xf32, #tpu.memory_space<vmem>>, vector<1x128xf32>
    %add3A = vector.broadcast %get3A_8 : vector<1x128xf32> to vector<2000x128xf32>
    %add3A_9 = arith.addf %dot_general3A_5, %add3A : vector<2000x128xf32>
    %slice3A = vector.extract_strided_slice %add3A_9 {offsets = [0, 0], sizes = [2000, 64], strides = [1, 1]} : vector<2000x128xf32> to vector<2000x64xf32>
    %swap3A = arith.constant 0 : index
    %swap3A_10 = arith.constant 0 : index
    %swap3A_11 = vector.load %arg4[%swap3A, %swap3A_10] : memref<2000x64xf32, #tpu.memory_space<vmem>>, vector<2000x64xf32>
    tpu.vector_store %arg4[%swap3A, %swap3A_10], %slice3A {strides = array<i32>} : memref<2000x64xf32, #tpu.memory_space<vmem>>, vector<2000x64xf32>,
    %slice3A_12 = vector.extract_strided_slice %add3A_9 {offsets = [0, 64], sizes = [2000, 64], strides = [1, 1]} : vector<2000x128xf32> to vector<2000x64xf32>
    %swap3A_13 = arith.constant 0 : index
    %swap3A_14 = arith.constant 0 : index
    %swap3A_15 = vector.load %arg5[%swap3A_13, %swap3A_14] : memref<2000x64xf32, #tpu.memory_space<vmem>>, vector<2000x64xf32>
    tpu.vector_store %arg5[%swap3A_13, %swap3A_14], %slice3A_12 {strides = array<i32>} : memref<2000x64xf32, #tpu.memory_space<vmem>>, vector<2000x64xf32>,
    return
  }
  func.func @transform_0(%arg0: i32) -> (i32, i32) {
    %c0_i32 = arith.constant 0 : i32
    %c0_i32_0 = arith.constant 0 : i32
    return %arg0, %c0_i32 : i32, i32
  }
  func.func @transform_1(%arg0: i32) -> (i32, i32) {
    %c0_i32 = arith.constant 0 : i32
    %c0_i32_0 = arith.constant 0 : i32
    %c0_i32_1 = arith.constant 0 : i32
    return %c0_i32, %c0_i32_0 : i32, i32
  }
  func.func @transform_2(%arg0: i32) -> (i32, i32) {
    %c0_i32 = arith.constant 0 : i32
    %c0_i32_0 = arith.constant 0 : i32
    %c0_i32_1 = arith.constant 0 : i32
    return %c0_i32, %c0_i32_0 : i32, i32
  }
  func.func @transform_3(%arg0: i32) -> (i32, i32) {
    %c0_i32 = arith.constant 0 : i32
    %c0_i32_0 = arith.constant 0 : i32
    return %arg0, %c0_i32 : i32, i32
  }
  func.func @transform_4(%arg0: i32) -> (i32, i32) {
    %c0_i32 = arith.constant 0 : i32
    %c0_i32_0 = arith.constant 0 : i32
    return %arg0, %c0_i32 : i32, i32
  }
}

module attributes {stable_mosaic.version = 14 : i64} {
  func.func @_sage_body(%arg0: i32, %arg1: memref<2000x64xf32, #tpu.memory_space<vmem>>, %arg2: memref<2000x64xf32, #tpu.memory_space<vmem>>, %arg3: memref<2x2000x64xf32, #tpu.memory_space<vmem>>, %arg4: memref<2x2000x64xf32, #tpu.memory_space<vmem>>, %arg5: memref<2x2000x16xf32, #tpu.memory_space<vmem>>, %arg6: memref<128x128xf32, #tpu.memory_space<vmem>>, %arg7: memref<128x128xf32, #tpu.memory_space<vmem>>, %arg8: memref<1x128xf32, #tpu.memory_space<vmem>>, %arg9: memref<2000x64xf32, #tpu.memory_space<vmem>>, %arg10: memref<2000x64xf32, #tpu.memory_space<vmem>>) attributes {dimension_semantics = [#tpu.dimension_semantics<arbitrary>], iteration_bounds = array<i64: 5>, scalar_prefetch = 0 : i64, scratch_operands = 0 : i64, tpu.core_type = #tpu.core_type<tc>, window_params = [{transform_indices = @transform_0, window_bounds = array<i64: 2000, 64>}, {transform_indices = @transform_1, window_bounds = array<i64: 2000, 64>}, {transform_indices = @transform_2, window_bounds = array<i64: 2, 2000, 64>}, {transform_indices = @transform_3, window_bounds = array<i64: 2, 2000, 64>}, {transform_indices = @transform_4, window_bounds = array<i64: 2, 2000, 16>}, {pipeline_mode = #tpu.pipeline_mode<synchronous>, transform_indices = @transform_5, window_bounds = array<i64: 128, 128>}, {pipeline_mode = #tpu.pipeline_mode<synchronous>, transform_indices = @transform_6, window_bounds = array<i64: 128, 128>}, {pipeline_mode = #tpu.pipeline_mode<synchronous>, transform_indices = @transform_7, window_bounds = array<i64: 1, 128>}, {transform_indices = @transform_8, window_bounds = array<i64: 2000, 64>}, {transform_indices = @transform_9, window_bounds = array<i64: 2000, 64>}]} {
    %get3A = arith.constant 0 : index
    %get3A_0 = arith.constant 0 : index
    %get3A_1 = vector.load %arg1[%get3A, %get3A_0] : memref<2000x64xf32, #tpu.memory_space<vmem>>, vector<2000x64xf32>
    %get3A_2 = arith.constant 0 : index
    %get3A_3 = arith.constant 0 : index
    %get3A_4 = vector.load %arg2[%get3A_2, %get3A_3] : memref<2000x64xf32, #tpu.memory_space<vmem>>, vector<2000x64xf32>
    %get3A_5 = arith.constant 0 : index
    %get3A_6 = arith.constant 0 : index
    %get3A_7 = arith.constant 0 : index
    %get3A_8 = vector.load %arg5[%get3A_5, %get3A_6, %get3A_7] : memref<2x2000x16xf32, #tpu.memory_space<vmem>>, vector<1x2000x1xf32>
    %get3A_9 = vector.shape_cast %get3A_8 : vector<1x2000x1xf32> to vector<2000x1xf32>
    %get3A_10 = arith.constant 1 : index
    %get3A_11 = arith.constant 0 : index
    %get3A_12 = arith.constant 0 : index
    %get3A_13 = vector.load %arg5[%get3A_10, %get3A_11, %get3A_12] : memref<2x2000x16xf32, #tpu.memory_space<vmem>>, vector<1x2000x1xf32>
    %get3A_14 = vector.shape_cast %get3A_13 : vector<1x2000x1xf32> to vector<2000x1xf32>
    %add3A = arith.addf %get3A_9, %get3A_14 : vector<2000x1xf32>
    %max3A = arith.constant 1.000000e+00 : f32
    %max3A_15 = vector.broadcast %max3A : f32 to vector<2000x1xf32>
    %max3A_16 = arith.maximumf %add3A, %max3A_15 : vector<2000x1xf32>
    %div3A = arith.constant 1.000000e+00 : f32
    %div3A_17 = vector.broadcast %div3A : f32 to vector<2000x1xf32>
    %div3A_18 = arith.divf %div3A_17, %max3A_16 : vector<2000x1xf32>
    %get3A_19 = arith.constant 0 : index
    %get3A_20 = arith.constant 0 : index
    %get3A_21 = arith.constant 0 : index
    %get3A_22 = vector.load %arg3[%get3A_19, %get3A_20, %get3A_21] : memref<2x2000x64xf32, #tpu.memory_space<vmem>>, vector<1x2000x64xf32>
    %get3A_23 = vector.shape_cast %get3A_22 : vector<1x2000x64xf32> to vector<2000x64xf32>
    %get3A_24 = arith.constant 1 : index
    %get3A_25 = arith.constant 0 : index
    %get3A_26 = arith.constant 0 : index
    %get3A_27 = vector.load %arg3[%get3A_24, %get3A_25, %get3A_26] : memref<2x2000x64xf32, #tpu.memory_space<vmem>>, vector<1x2000x64xf32>
    %get3A_28 = vector.shape_cast %get3A_27 : vector<1x2000x64xf32> to vector<2000x64xf32>
    %add3A_29 = arith.addf %get3A_23, %get3A_28 : vector<2000x64xf32>
    %mul3A = vector.broadcast %div3A_18 : vector<2000x1xf32> to vector<2000x64xf32>
    %mul3A_30 = arith.mulf %add3A_29, %mul3A : vector<2000x64xf32>
    %get3A_31 = arith.constant 0 : index
    %get3A_32 = arith.constant 0 : index
    %get3A_33 = arith.constant 0 : index
    %get3A_34 = vector.load %arg4[%get3A_31, %get3A_32, %get3A_33] : memref<2x2000x64xf32, #tpu.memory_space<vmem>>, vector<1x2000x64xf32>
    %get3A_35 = vector.shape_cast %get3A_34 : vector<1x2000x64xf32> to vector<2000x64xf32>
    %get3A_36 = arith.constant 1 : index
    %get3A_37 = arith.constant 0 : index
    %get3A_38 = arith.constant 0 : index
    %get3A_39 = vector.load %arg4[%get3A_36, %get3A_37, %get3A_38] : memref<2x2000x64xf32, #tpu.memory_space<vmem>>, vector<1x2000x64xf32>
    %get3A_40 = vector.shape_cast %get3A_39 : vector<1x2000x64xf32> to vector<2000x64xf32>
    %add3A_41 = arith.addf %get3A_35, %get3A_40 : vector<2000x64xf32>
    %mul3A_42 = vector.broadcast %div3A_18 : vector<2000x1xf32> to vector<2000x64xf32>
    %mul3A_43 = arith.mulf %add3A_41, %mul3A_42 : vector<2000x64xf32>
    %get3A_44 = arith.constant 0 : index
    %get3A_45 = arith.constant 0 : index
    %get3A_46 = vector.load %arg6[%get3A_44, %get3A_45] : memref<128x128xf32, #tpu.memory_space<vmem>>, vector<64x128xf32>
    %dot_general3A = arith.constant dense<0.000000e+00> : vector<2000x128xf32>
    %dot_general3A_47 = tpu.matmul %get3A_1, %get3A_46, %dot_general3A {dimension_numbers = #tpu.dot_dimension_numbers<[1], [0], [0], [1], [0, 0, 1, 1], [], []>, transpose_lhs_hint = false} : vector<2000x64xf32>, vector<64x128xf32>, vector<2000x128xf32> -> vector<2000x128xf32>
    %get3A_48 = arith.constant 64 : index
    %get3A_49 = arith.constant 0 : index
    %get3A_50 = vector.load %arg6[%get3A_48, %get3A_49] : memref<128x128xf32, #tpu.memory_space<vmem>>, vector<64x128xf32>
    %dot_general3A_51 = arith.constant dense<0.000000e+00> : vector<2000x128xf32>
    %dot_general3A_52 = tpu.matmul %get3A_4, %get3A_50, %dot_general3A_51 {dimension_numbers = #tpu.dot_dimension_numbers<[1], [0], [0], [1], [0, 0, 1, 1], [], []>, transpose_lhs_hint = false} : vector<2000x64xf32>, vector<64x128xf32>, vector<2000x128xf32> -> vector<2000x128xf32>
    %add3A_53 = arith.addf %dot_general3A_47, %dot_general3A_52 : vector<2000x128xf32>
    %get3A_54 = arith.constant 0 : index
    %get3A_55 = arith.constant 0 : index
    %get3A_56 = vector.load %arg7[%get3A_54, %get3A_55] : memref<128x128xf32, #tpu.memory_space<vmem>>, vector<64x128xf32>
    %dot_general3A_57 = arith.constant dense<0.000000e+00> : vector<2000x128xf32>
    %dot_general3A_58 = tpu.matmul %mul3A_30, %get3A_56, %dot_general3A_57 {dimension_numbers = #tpu.dot_dimension_numbers<[1], [0], [0], [1], [0, 0, 1, 1], [], []>, transpose_lhs_hint = false} : vector<2000x64xf32>, vector<64x128xf32>, vector<2000x128xf32> -> vector<2000x128xf32>
    %add3A_59 = arith.addf %add3A_53, %dot_general3A_58 : vector<2000x128xf32>
    %get3A_60 = arith.constant 64 : index
    %get3A_61 = arith.constant 0 : index
    %get3A_62 = vector.load %arg7[%get3A_60, %get3A_61] : memref<128x128xf32, #tpu.memory_space<vmem>>, vector<64x128xf32>
    %dot_general3A_63 = arith.constant dense<0.000000e+00> : vector<2000x128xf32>
    %dot_general3A_64 = tpu.matmul %mul3A_43, %get3A_62, %dot_general3A_63 {dimension_numbers = #tpu.dot_dimension_numbers<[1], [0], [0], [1], [0, 0, 1, 1], [], []>, transpose_lhs_hint = false} : vector<2000x64xf32>, vector<64x128xf32>, vector<2000x128xf32> -> vector<2000x128xf32>
    %add3A_65 = arith.addf %add3A_59, %dot_general3A_64 : vector<2000x128xf32>
    %get3A_66 = arith.constant 0 : index
    %get3A_67 = arith.constant 0 : index
    %get3A_68 = vector.load %arg8[%get3A_66, %get3A_67] : memref<1x128xf32, #tpu.memory_space<vmem>>, vector<1x128xf32>
    %add3A_69 = vector.broadcast %get3A_68 : vector<1x128xf32> to vector<2000x128xf32>
    %add3A_70 = arith.addf %add3A_65, %add3A_69 : vector<2000x128xf32>
    %mul3A_71 = arith.mulf %add3A_70, %add3A_70 : vector<2000x128xf32>
    %reduce_sum3A = arith.constant dense<0.000000e+00> : vector<2000xf32>
    %reduce_sum3A_72 = vector.multi_reduction <add>, %mul3A_71, %reduce_sum3A [1] : vector<2000x128xf32> to vector<2000xf32>
    %broadcast_in_dim3A = vector.shape_cast %reduce_sum3A_72 : vector<2000xf32> to vector<2000x1xf32>
    %sqrt3A = math.sqrt %broadcast_in_dim3A : vector<2000x1xf32>
    %max3A_73 = arith.constant 9.99999996E-13 : f32
    %max3A_74 = vector.broadcast %max3A_73 : f32 to vector<2000x1xf32>
    %max3A_75 = arith.maximumf %sqrt3A, %max3A_74 : vector<2000x1xf32>
    %div3A_76 = vector.broadcast %max3A_75 : vector<2000x1xf32> to vector<2000x128xf32>
    %div3A_77 = arith.divf %add3A_70, %div3A_76 : vector<2000x128xf32>
    %max3A_78 = arith.constant 0.000000e+00 : f32
    %max3A_79 = vector.broadcast %max3A_78 : f32 to vector<2000x128xf32>
    %max3A_80 = arith.maximumf %div3A_77, %max3A_79 : vector<2000x128xf32>
    %slice3A = vector.extract_strided_slice %max3A_80 {offsets = [0, 0], sizes = [2000, 64], strides = [1, 1]} : vector<2000x128xf32> to vector<2000x64xf32>
    %add3A_81 = arith.addf %get3A_1, %slice3A : vector<2000x64xf32>
    %swap3A = arith.constant 0 : index
    %swap3A_82 = arith.constant 0 : index
    %swap3A_83 = vector.load %arg9[%swap3A, %swap3A_82] : memref<2000x64xf32, #tpu.memory_space<vmem>>, vector<2000x64xf32>
    tpu.vector_store %arg9[%swap3A, %swap3A_82], %add3A_81 {strides = array<i32>} : memref<2000x64xf32, #tpu.memory_space<vmem>>, vector<2000x64xf32>,
    %slice3A_84 = vector.extract_strided_slice %max3A_80 {offsets = [0, 64], sizes = [2000, 64], strides = [1, 1]} : vector<2000x128xf32> to vector<2000x64xf32>
    %add3A_85 = arith.addf %get3A_4, %slice3A_84 : vector<2000x64xf32>
    %swap3A_86 = arith.constant 0 : index
    %swap3A_87 = arith.constant 0 : index
    %swap3A_88 = vector.load %arg10[%swap3A_86, %swap3A_87] : memref<2000x64xf32, #tpu.memory_space<vmem>>, vector<2000x64xf32>
    tpu.vector_store %arg10[%swap3A_86, %swap3A_87], %add3A_85 {strides = array<i32>} : memref<2000x64xf32, #tpu.memory_space<vmem>>, vector<2000x64xf32>,
    return
  }
  func.func @transform_0(%arg0: i32) -> (i32, i32) {
    %c0_i32 = arith.constant 0 : i32
    %c0_i32_0 = arith.constant 0 : i32
    return %arg0, %c0_i32 : i32, i32
  }
  func.func @transform_1(%arg0: i32) -> (i32, i32) {
    %c0_i32 = arith.constant 0 : i32
    %c0_i32_0 = arith.constant 0 : i32
    return %arg0, %c0_i32 : i32, i32
  }
  func.func @transform_2(%arg0: i32) -> (i32, i32, i32) {
    %c0_i32 = arith.constant 0 : i32
    %c0_i32_0 = arith.constant 0 : i32
    %c0_i32_1 = arith.constant 0 : i32
    return %c0_i32, %arg0, %c0_i32_0 : i32, i32, i32
  }
  func.func @transform_3(%arg0: i32) -> (i32, i32, i32) {
    %c0_i32 = arith.constant 0 : i32
    %c0_i32_0 = arith.constant 0 : i32
    %c0_i32_1 = arith.constant 0 : i32
    return %c0_i32, %arg0, %c0_i32_0 : i32, i32, i32
  }
  func.func @transform_4(%arg0: i32) -> (i32, i32, i32) {
    %c0_i32 = arith.constant 0 : i32
    %c0_i32_0 = arith.constant 0 : i32
    %c0_i32_1 = arith.constant 0 : i32
    return %c0_i32, %arg0, %c0_i32_0 : i32, i32, i32
  }
  func.func @transform_5(%arg0: i32) -> (i32, i32) {
    %c0_i32 = arith.constant 0 : i32
    %c0_i32_0 = arith.constant 0 : i32
    %c0_i32_1 = arith.constant 0 : i32
    return %c0_i32, %c0_i32_0 : i32, i32
  }
  func.func @transform_6(%arg0: i32) -> (i32, i32) {
    %c0_i32 = arith.constant 0 : i32
    %c0_i32_0 = arith.constant 0 : i32
    %c0_i32_1 = arith.constant 0 : i32
    return %c0_i32, %c0_i32_0 : i32, i32
  }
  func.func @transform_7(%arg0: i32) -> (i32, i32) {
    %c0_i32 = arith.constant 0 : i32
    %c0_i32_0 = arith.constant 0 : i32
    %c0_i32_1 = arith.constant 0 : i32
    return %c0_i32, %c0_i32_0 : i32, i32
  }
  func.func @transform_8(%arg0: i32) -> (i32, i32) {
    %c0_i32 = arith.constant 0 : i32
    %c0_i32_0 = arith.constant 0 : i32
    return %arg0, %c0_i32 : i32, i32
  }
  func.func @transform_9(%arg0: i32) -> (i32, i32) {
    %c0_i32 = arith.constant 0 : i32
    %c0_i32_0 = arith.constant 0 : i32
    return %arg0, %c0_i32 : i32, i32
  }
}

module attributes {stable_mosaic.version = 14 : i64} {
  func.func @_head_body(%arg0: i32, %arg1: memref<2000x64xf32, #tpu.memory_space<vmem>>, %arg2: memref<2000x64xf32, #tpu.memory_space<vmem>>, %arg3: memref<1x1x2000xi32, #tpu.memory_space<vmem>>, %arg4: memref<5x128xf32, #tpu.memory_space<vmem>>, %arg5: memref<5x128xf32, #tpu.memory_space<vmem>>, %arg6: memref<10x1xf32, #tpu.memory_space<vmem>>, %arg7: memref<64x1xf32, #tpu.memory_space<vmem>>, %arg8: memref<64x128xf32, #tpu.memory_space<vmem>>, %arg9: memref<64x1xf32, #tpu.memory_space<vmem>>) attributes {dimension_semantics = [#tpu.dimension_semantics<arbitrary>], iteration_bounds = array<i64: 5>, scalar_prefetch = 0 : i64, scratch_operands = 2 : i64, tpu.core_type = #tpu.core_type<tc>, window_params = [{transform_indices = @transform_0, window_bounds = array<i64: 2000, 64>}, {transform_indices = @transform_1, window_bounds = array<i64: 2000, 64>}, {transform_indices = @transform_2, window_bounds = array<i64: 1, 1, 2000>}, {pipeline_mode = #tpu.pipeline_mode<synchronous>, transform_indices = @transform_3, window_bounds = array<i64: 5, 128>}, {pipeline_mode = #tpu.pipeline_mode<synchronous>, transform_indices = @transform_4, window_bounds = array<i64: 5, 128>}, {pipeline_mode = #tpu.pipeline_mode<synchronous>, transform_indices = @transform_5, window_bounds = array<i64: 10, 1>}, {pipeline_mode = #tpu.pipeline_mode<synchronous>, transform_indices = @transform_6, window_bounds = array<i64: 64, 1>}]} {
    %eq3A = arith.constant 0 : i32
    %eq3A_0 = arith.cmpi eq, %arg0, %eq3A : i32
    %convert_element_type3A = arith.extui %eq3A_0 : i1 to i32
    %cond3A = arith.constant 0 : i32
    %cond3A_1 = arith.cmpi ne, %convert_element_type3A, %cond3A : i32
    scf.if %cond3A_1 {
      %broadcast_in_dim3A_35 = arith.constant 0.000000e+00 : f32
      %broadcast_in_dim3A_36 = vector.broadcast %broadcast_in_dim3A_35 : f32 to vector<64x128xf32>
      %swap3A_37 = arith.constant 0 : index
      %swap3A_38 = arith.constant 0 : index
      %swap3A_39 = vector.load %arg8[%swap3A_37, %swap3A_38] : memref<64x128xf32, #tpu.memory_space<vmem>>, vector<64x128xf32>
      tpu.vector_store %arg8[%swap3A_37, %swap3A_38], %broadcast_in_dim3A_36 {strides = array<i32>} : memref<64x128xf32, #tpu.memory_space<vmem>>, vector<64x128xf32>,
      %broadcast_in_dim3A_40 = arith.constant 0.000000e+00 : f32
      %broadcast_in_dim3A_41 = vector.broadcast %broadcast_in_dim3A_40 : f32 to vector<64x1xf32>
      %swap3A_42 = arith.constant 0 : index
      %swap3A_43 = arith.constant 0 : index
      %swap3A_44 = vector.load %arg9[%swap3A_42, %swap3A_43] : memref<64x1xf32, #tpu.memory_space<vmem>>, vector<64x1xf32>
      tpu.vector_store %arg9[%swap3A_42, %swap3A_43], %broadcast_in_dim3A_41 {strides = array<i32>} : memref<64x1xf32, #tpu.memory_space<vmem>>, vector<64x1xf32>,
    } else {
    }
    %get3A = arith.constant 0 : index
    %get3A_2 = arith.constant 0 : index
    %get3A_3 = vector.load %arg1[%get3A, %get3A_2] : memref<2000x64xf32, #tpu.memory_space<vmem>>, vector<2000x64xf32>
    %get3A_4 = arith.constant 0 : index
    %get3A_5 = arith.constant 0 : index
    %get3A_6 = vector.load %arg2[%get3A_4, %get3A_5] : memref<2000x64xf32, #tpu.memory_space<vmem>>, vector<2000x64xf32>
    %concatenate3A = tpu.concatenate %get3A_3, %get3A_6 in 1 : vector<2000x64xf32>, vector<2000x64xf32> -> vector<2000x128xf32>
    %get3A_7 = arith.constant 0 : index
    %get3A_8 = arith.constant 0 : index
    %get3A_9 = arith.constant 0 : index
    %get3A_10 = vector.load %arg3[%get3A_7, %get3A_8, %get3A_9] : memref<1x1x2000xi32, #tpu.memory_space<vmem>>, vector<1x1x2000xi32>
    %get3A_11 = vector.shape_cast %get3A_10 : vector<1x1x2000xi32> to vector<1x2000xi32>
    %iota3A = tpu.iota {dimensions = array<i32: 0>} : vector<64x2000xi32>
    %eq3A_12 = vector.broadcast %get3A_11 : vector<1x2000xi32> to vector<64x2000xi32>
    %eq3A_13 = arith.cmpi eq, %iota3A, %eq3A_12 : vector<64x2000xi32>
    %convert_element_type3A_14 = arith.extui %eq3A_13 : vector<64x2000xi1> to vector<64x2000xi32>
    %convert_element_type3A_15 = arith.sitofp %convert_element_type3A_14 : vector<64x2000xi32> to vector<64x2000xf32>
    %get3A_16 = arith.constant 0 : index
    %get3A_17 = arith.constant 0 : index
    %get3A_18 = vector.load %arg8[%get3A_16, %get3A_17] : memref<64x128xf32, #tpu.memory_space<vmem>>, vector<64x128xf32>
    %dot_general3A = arith.constant dense<0.000000e+00> : vector<64x128xf32>
    %dot_general3A_19 = tpu.matmul %convert_element_type3A_15, %concatenate3A, %dot_general3A {dimension_numbers = #tpu.dot_dimension_numbers<[1], [0], [0], [1], [0, 0, 1, 1], [], []>, transpose_lhs_hint = false} : vector<64x2000xf32>, vector<2000x128xf32>, vector<64x128xf32> -> vector<64x128xf32>
    %add3A = arith.addf %get3A_18, %dot_general3A_19 : vector<64x128xf32>
    %swap3A = arith.constant 0 : index
    %swap3A_20 = arith.constant 0 : index
    %swap3A_21 = vector.load %arg8[%swap3A, %swap3A_20] : memref<64x128xf32, #tpu.memory_space<vmem>>, vector<64x128xf32>
    tpu.vector_store %arg8[%swap3A, %swap3A_20], %add3A {strides = array<i32>} : memref<64x128xf32, #tpu.memory_space<vmem>>, vector<64x128xf32>,
    %get3A_22 = arith.constant 0 : index
    %get3A_23 = arith.constant 0 : index
    %get3A_24 = vector.load %arg9[%get3A_22, %get3A_23] : memref<64x1xf32, #tpu.memory_space<vmem>>, vector<64x1xf32>
    %reduce_sum3A = arith.constant dense<0.000000e+00> : vector<64xf32>
    %reduce_sum3A_25 = vector.multi_reduction <add>, %convert_element_type3A_15, %reduce_sum3A [1] : vector<64x2000xf32> to vector<64xf32>
    %broadcast_in_dim3A = vector.shape_cast %reduce_sum3A_25 : vector<64xf32> to vector<64x1xf32>
    %add3A_26 = arith.addf %get3A_24, %broadcast_in_dim3A : vector<64x1xf32>
    %swap3A_27 = arith.constant 0 : index
    %swap3A_28 = arith.constant 0 : index
    %swap3A_29 = vector.load %arg9[%swap3A_27, %swap3A_28] : memref<64x1xf32, #tpu.memory_space<vmem>>, vector<64x1xf32>
    tpu.vector_store %arg9[%swap3A_27, %swap3A_28], %add3A_26 {strides = array<i32>} : memref<64x1xf32, #tpu.memory_space<vmem>>, vector<64x1xf32>,
    %eq3A_30 = arith.constant 4 : i32
    %eq3A_31 = arith.cmpi eq, %arg0, %eq3A_30 : i32
    %convert_element_type3A_32 = arith.extui %eq3A_31 : i1 to i32
    %cond3A_33 = arith.constant 0 : i32
    %cond3A_34 = arith.cmpi ne, %convert_element_type3A_32, %cond3A_33 : i32
    scf.if %cond3A_34 {
      %get3A_35 = arith.constant 0 : index
      %get3A_36 = arith.constant 0 : index
      %get3A_37 = vector.load %arg8[%get3A_35, %get3A_36] : memref<64x128xf32, #tpu.memory_space<vmem>>, vector<64x128xf32>
      %get3A_38 = arith.constant 0 : index
      %get3A_39 = arith.constant 0 : index
      %get3A_40 = vector.load %arg9[%get3A_38, %get3A_39] : memref<64x1xf32, #tpu.memory_space<vmem>>, vector<64x1xf32>
      %max3A = arith.constant 1.000000e+00 : f32
      %max3A_41 = vector.broadcast %max3A : f32 to vector<64x1xf32>
      %max3A_42 = arith.maximumf %get3A_40, %max3A_41 : vector<64x1xf32>
      %div3A = vector.broadcast %max3A_42 : vector<64x1xf32> to vector<64x128xf32>
      %div3A_43 = arith.divf %get3A_37, %div3A : vector<64x128xf32>
      %get3A_44 = arith.constant 0 : index
      %get3A_45 = arith.constant 0 : index
      %get3A_46 = vector.load %arg4[%get3A_44, %get3A_45] : memref<5x128xf32, #tpu.memory_space<vmem>>, vector<5x128xf32>
      %broadcast_in_dim3A_47 = vector.shape_cast %div3A_43 : vector<64x128xf32> to vector<64x1x128xf32>
      %broadcast_in_dim3A_48 = vector.shape_cast %get3A_46 : vector<5x128xf32> to vector<1x5x128xf32>
      %sub3A = vector.broadcast %broadcast_in_dim3A_47 : vector<64x1x128xf32> to vector<64x5x128xf32>
      %sub3A_49 = vector.broadcast %broadcast_in_dim3A_48 : vector<1x5x128xf32> to vector<64x5x128xf32>
      %sub3A_50 = arith.subf %sub3A, %sub3A_49 : vector<64x5x128xf32>
      %mul3A = arith.mulf %sub3A_50, %sub3A_50 : vector<64x5x128xf32>
      %reduce_sum3A_51 = arith.constant dense<0.000000e+00> : vector<64x5xf32>
      %reduce_sum3A_52 = vector.multi_reduction <add>, %mul3A, %reduce_sum3A_51 [2] : vector<64x5x128xf32> to vector<64x5xf32>
      %add3A_53 = arith.constant 1.000000e+00 : f32
      %add3A_54 = vector.broadcast %add3A_53 : f32 to vector<64x5xf32>
      %add3A_55 = arith.addf %reduce_sum3A_52, %add3A_54 : vector<64x5xf32>
      %add3A_56 = arith.constant 9.99999996E-13 : f32
      %add3A_57 = vector.broadcast %add3A_56 : f32 to vector<64x5xf32>
      %add3A_58 = arith.addf %reduce_sum3A_52, %add3A_57 : vector<64x5xf32>
      %div3A_59 = arith.divf %add3A_55, %add3A_58 : vector<64x5xf32>
      %log3A = math.log %div3A_59 : vector<64x5xf32>
      %get3A_60 = arith.constant 0 : index
      %get3A_61 = arith.constant 0 : index
      %get3A_62 = vector.load %arg5[%get3A_60, %get3A_61] : memref<5x128xf32, #tpu.memory_space<vmem>>, vector<5x128xf32>
      %broadcast_in_dim3A_63 = vector.shape_cast %div3A_43 : vector<64x128xf32> to vector<64x1x128xf32>
      %broadcast_in_dim3A_64 = vector.shape_cast %get3A_62 : vector<5x128xf32> to vector<1x5x128xf32>
      %sub3A_65 = vector.broadcast %broadcast_in_dim3A_63 : vector<64x1x128xf32> to vector<64x5x128xf32>
      %sub3A_66 = vector.broadcast %broadcast_in_dim3A_64 : vector<1x5x128xf32> to vector<64x5x128xf32>
      %sub3A_67 = arith.subf %sub3A_65, %sub3A_66 : vector<64x5x128xf32>
      %mul3A_68 = arith.mulf %sub3A_67, %sub3A_67 : vector<64x5x128xf32>
      %reduce_sum3A_69 = arith.constant dense<0.000000e+00> : vector<64x5xf32>
      %reduce_sum3A_70 = vector.multi_reduction <add>, %mul3A_68, %reduce_sum3A_69 [2] : vector<64x5x128xf32> to vector<64x5xf32>
      %add3A_71 = arith.constant 1.000000e+00 : f32
      %add3A_72 = vector.broadcast %add3A_71 : f32 to vector<64x5xf32>
      %add3A_73 = arith.addf %reduce_sum3A_70, %add3A_72 : vector<64x5xf32>
      %add3A_74 = arith.constant 9.99999996E-13 : f32
      %add3A_75 = vector.broadcast %add3A_74 : f32 to vector<64x5xf32>
      %add3A_76 = arith.addf %reduce_sum3A_70, %add3A_75 : vector<64x5xf32>
      %div3A_77 = arith.divf %add3A_73, %add3A_76 : vector<64x5xf32>
      %log3A_78 = math.log %div3A_77 : vector<64x5xf32>
      %concatenate3A_79 = tpu.concatenate %log3A, %log3A_78 in 1 : vector<64x5xf32>, vector<64x5xf32> -> vector<64x10xf32>
      %get3A_80 = arith.constant 0 : index
      %get3A_81 = arith.constant 0 : index
      %get3A_82 = vector.load %arg6[%get3A_80, %get3A_81] : memref<10x1xf32, #tpu.memory_space<vmem>>, vector<10x1xf32>
      %dot_general3A_83 = arith.constant dense<0.000000e+00> : vector<64x1xf32>
      %dot_general3A_84 = tpu.matmul %concatenate3A_79, %get3A_82, %dot_general3A_83 {dimension_numbers = #tpu.dot_dimension_numbers<[1], [0], [0], [1], [0, 0, 1, 1], [], []>, transpose_lhs_hint = false} : vector<64x10xf32>, vector<10x1xf32>, vector<64x1xf32> -> vector<64x1xf32>
      %logistic3A = arith.negf %dot_general3A_84 : vector<64x1xf32>
      %logistic3A_85 = math.exp %logistic3A : vector<64x1xf32>
      %logistic3A_86 = arith.constant 1.000000e+00 : f32
      %logistic3A_87 = vector.broadcast %logistic3A_86 : f32 to vector<64x1xf32>
      %logistic3A_88 = arith.addf %logistic3A_87, %logistic3A_85 : vector<64x1xf32>
      %logistic3A_89 = arith.divf %logistic3A_87, %logistic3A_88 : vector<64x1xf32>
      %swap3A_90 = arith.constant 0 : index
      %swap3A_91 = arith.constant 0 : index
      %swap3A_92 = vector.load %arg7[%swap3A_90, %swap3A_91] : memref<64x1xf32, #tpu.memory_space<vmem>>, vector<64x1xf32>
      tpu.vector_store %arg7[%swap3A_90, %swap3A_91], %logistic3A_89 {strides = array<i32>} : memref<64x1xf32, #tpu.memory_space<vmem>>, vector<64x1xf32>,
    } else {
    }
    return
  }
  func.func @transform_0(%arg0: i32) -> (i32, i32) {
    %c0_i32 = arith.constant 0 : i32
    %c0_i32_0 = arith.constant 0 : i32
    return %arg0, %c0_i32 : i32, i32
  }
  func.func @transform_1(%arg0: i32) -> (i32, i32) {
    %c0_i32 = arith.constant 0 : i32
    %c0_i32_0 = arith.constant 0 : i32
    return %arg0, %c0_i32 : i32, i32
  }
  func.func @transform_2(%arg0: i32) -> (i32, i32, i32) {
    %c0_i32 = arith.constant 0 : i32
    %c0_i32_0 = arith.constant 0 : i32
    %c0_i32_1 = arith.constant 0 : i32
    return %arg0, %c0_i32, %c0_i32_0 : i32, i32, i32
  }
  func.func @transform_3(%arg0: i32) -> (i32, i32) {
    %c0_i32 = arith.constant 0 : i32
    %c0_i32_0 = arith.constant 0 : i32
    %c0_i32_1 = arith.constant 0 : i32
    return %c0_i32, %c0_i32_0 : i32, i32
  }
  func.func @transform_4(%arg0: i32) -> (i32, i32) {
    %c0_i32 = arith.constant 0 : i32
    %c0_i32_0 = arith.constant 0 : i32
    %c0_i32_1 = arith.constant 0 : i32
    return %c0_i32, %c0_i32_0 : i32, i32
  }
  func.func @transform_5(%arg0: i32) -> (i32, i32) {
    %c0_i32 = arith.constant 0 : i32
    %c0_i32_0 = arith.constant 0 : i32
    %c0_i32_1 = arith.constant 0 : i32
    return %c0_i32, %c0_i32_0 : i32, i32
  }
  func.func @transform_6(%arg0: i32) -> (i32, i32) {
    %c0_i32 = arith.constant 0 : i32
    %c0_i32_0 = arith.constant 0 : i32
    %c0_i32_1 = arith.constant 0 : i32
    return %c0_i32, %c0_i32_0 : i32, i32
  }
}

</mosaic_0001>

<sc_bundles>
// kernel: kernel.11.cloned.1.call-start
scs
__scs_entry_jumppad:
0x0: {  	(pc) =	sbr.rel $0x88, $3  }
0x1: {  	(tag) =	ssettag $0x0;
	lr =	simm.s32 $0x1  }
0x2: {  	[smem:$0x3F95] =	sst lr;
	_ =	strace $0xD0000000  }
0x3: {  	_ = 	snop  }
0x4: {  	_ = 	snop  }
0x5: {  	_ = 	snop  }
0x6: {  	_ = 	snop  }
0x7: {  	_ = 	snop  }
__scs_overlays_trampoline_lowered:
0x8: {  	[smem:$0x3FA4] =	sst s0  }
0x9: {  	[smem:$0x3FA5] =	sst s1  }
0xa: {  	[smem:$0x3FA6] =	sst s2  }
0xb: {  	[smem:$0x3FA7] =	sst s3  }
0xc: {  	[smem:$0x3FA8] =	sst s4  }
0xd: {  	[smem:$0x3FA9] =	sst s5  }
0xe: {  	[smem:$0x3FAA] =	sst s6  }
0xf: {  	[smem:$0x3FAB] =	sst s7  }
0x10: {  	[smem:$0x3FAC] =	sst s8  }
0x11: {  	[smem:$0x3FAD] =	sst s9;
	s0 =	simm.s32 @!p0 $0x0  }
0x12: {  	s1 =	sld [smem:$0x3F93];
	s0 =	simm.s32 @p0 $0x1  }
0x13: {  	[smem:$0x3FAE] =	sst s0;
	s0 =	simm.s32 @!p1 $0x0  }
0x14: {  	s2 =	sld [smem:$0x3F92];
	s0 =	simm.s32 @p1 $0x1  }
0x15: {  	[smem:$0x3FAF] =	sst s0;
	s0 =	simm.s32 @!p2 $0x0  }
0x16: {  	s3 =	sld [smem:$0x3FDB];
	s0 =	simm.s32 @p2 $0x1  }
0x17: {  	s4 =	simm.s32 $0x1BF5;
	[smem:$0x3FB1] =	sst s0  }
0x18: {  	s0 =	sld [smem:$0x3F94];
	_ =	swait.ge [sflag:s4], $0x0  }
0x19: {  	s7 =	sld [smem:$0x3F95]  }
0x1a: {  	s8 =	sadd.s32 $0xFFFFE003, lr  }
0x1b: {  	s9 =	sadd.s32 $0xFFFFFEF7, lr;
	s5 =	simm.s32 $0xFFFFFFFF;
	p2 =	slt.u32 s8, $0xFFFFF086  }
0x1c: {  	p1 =	slt.u32 s9, $0xF7A;
	s5 =	simm.s32 @!p2 $0x0  }
0x1d: {  	s5 =	simm.s32 @p1 $0x1;
	p0 =	seq.s32 s7, s2  }
0x1e: {  	s7 =	smul.u32 @!p0 $0xF7A, s2;
	p2 =	seq.s32 @!p0 s5, $0x0  }
0x1f: {  	s9 =	smul.u32 $0xF7A, s1;
	s8 =	simm.s32 @!p0 $0x1BF5;
	p2 =	por !p2, p0  }
0x20: {  	[sflag:s8] =	ssyncset.s32 @!p0 $0xFFFFF086;
	s6 =	sadd.s32 @!p0 s3, s7;
	s7 =	simm.s32 @!p0 $0x108  }
0x21: {  	s3 =	sadd.s32 s3, s9;
	s6 =	sadd.s32 @!p0 $0x88, s6;
	s7 =	simm.s32 @p2 $0x1082  }
0x22: {  	[simem:s7], [sflag:s8] =	dma.local @!p0 [hbm:s6], $0xF7A  }
0x23: {  	s9 =	sor.u32 $0xD0000000, s2;
	s6 =	simm.s32 $0x108;
	_ =	swait.ge @!p0 [sflag:s8], $0x0  }
0x24: {  	s3 =	sadd.s32 $0x88, s3;
	s6 =	simm.s32 @!p1 $0x1082;
	[sflag:s4] =	ssyncset.s32 $0xFFFFF086  }
0x25: {  	[simem:s6], [sflag:s4] =	dma.local [hbm:s3], $0xF7A  }
0x26: {  	[smem:$0x3F95] =	sst s1;
	(tag) =	ssettag s2;
	_ =	strace s9  }
0x27: {  	s1 =	sld [smem:$0x3FA5]  }
0x28: {  	s2 =	sld [smem:$0x3FA6]  }
0x29: {  	s4 =	sld [smem:$0x3FA8]  }
0x2a: {  	p0 =	seq.s32 s5, $0x0;
	s5 =	sld [smem:$0x3FA9]  }
0x2b: {  	s6 =	sld [smem:$0x3FAA]  }
0x2c: {  	s7 =	sld [smem:$0x3FAB]  }
0x2d: {  	s3 =	simm.s32 $0x108;
	s8 =	sld [smem:$0x3FAC]  }
0x2e: {  	s3 =	simm.s32 @!p0 $0x1082;
	s9 =	sld [smem:$0x3FAD]  }
0x2f: {  	lr =	sadd.s32 s0, s3;
	s0 =	sld [smem:$0x3FA4]  }
0x30: {  	s3 =	sld [smem:$0x3FA7]  }
0x31: {  	[smem:$0x3FB0] =	sst s10  }
0x32: {  	s10 =	sld [smem:$0x3FAE];
	_ =	sdelay $0x3  }
0x33: {  	p0 =	seq.s32 s10, $0x1;
	s10 =	sld [smem:$0x3FB0];
	_ =	sdelay $0x3  }
0x34: {  	[smem:$0x3FB0] =	sst s10  }
0x35: {  	s10 =	sld [smem:$0x3FAF];
	_ =	sdelay $0x3  }
0x36: {  	p1 =	seq.s32 s10, $0x1;
	s10 =	sld [smem:$0x3FB0];
	_ =	sdelay $0x3  }
0x37: {  	[smem:$0x3FB0] =	sst s10  }
0x38: {  	s10 =	sld [smem:$0x3FB1]  }
0x39: {  	_ = 	snop;
	(pc) =	sbr.ind lr, $3  }
0x3a: {  	_ = 	snop  }
0x3b: {  	_ = 	snop  }
0x3c: {  	p2 =	seq.s32 s10, $0x1;
	s10 =	sld [smem:$0x3FB0]  }
0x3d: {  	_ =	shalt  }
0x3e: {  	_ =	shalt  }
0x3f: {  	_ =	shalt  }
0x40: {  	_ =	shalt  }
0x41: {  	_ =	shalt  }
0x42: {  	_ =	shalt  }
0x43: {  	_ =	shalt  }
0x44: {  	_ =	shalt  }
0x45: {  	_ =	shalt  }
0x46: {  	_ =	shalt  }
0x47: {  	_ =	shalt  }
0x48: {  	_ =	shalt  }
0x49: {  	_ =	shalt  }
0x4a: {  	_ =	shalt  }
0x4b: {  	_ =	shalt  }
0x4c: {  	_ =	shalt  }
0x4d: {  	_ =	shalt  }
0x4e: {  	_ =	shalt  }
0x4f: {  	_ =	shalt  }
0x50: {  	_ =	shalt  }
0x51: {  	_ =	shalt  }
0x52: {  	_ =	shalt  }
0x53: {  	_ =	shalt  }
0x54: {  	_ =	shalt  }
0x55: {  	_ =	shalt  }
0x56: {  	_ =	shalt  }
0x57: {  	_ =	shalt  }
0x58: {  	_ =	shalt  }
0x59: {  	_ =	shalt  }
0x5a: {  	_ =	shalt  }
0x5b: {  	_ =	shalt  }
0x5c: {  	_ =	shalt  }
0x5d: {  	_ =	shalt  }
0x5e: {  	_ =	shalt  }
0x5f: {  	_ =	shalt  }
0x60: {  	_ =	shalt  }
0x61: {  	_ =	shalt  }
0x62: {  	_ =	shalt  }
0x63: {  	_ =	shalt  }
0x64: {  	_ =	shalt  }
0x65: {  	_ =	shalt  }
0x66: {  	_ =	shalt  }
0x67: {  	_ =	shalt  }
0x68: {  	_ =	shalt  }
0x69: {  	_ =	shalt  }
0x6a: {  	_ =	shalt  }
0x6b: {  	_ =	shalt  }
0x6c: {  	_ =	shalt  }
0x6d: {  	_ =	shalt  }
0x6e: {  	_ =	shalt  }
0x6f: {  	_ =	shalt  }
0x70: {  	_ =	shalt  }
0x71: {  	_ =	shalt  }
0x72: {  	_ =	shalt  }
0x73: {  	_ =	shalt  }
0x74: {  	_ =	shalt  }
0x75: {  	_ =	shalt  }
0x76: {  	_ =	shalt  }
0x77: {  	_ =	shalt  }
0x78: {  	_ =	shalt  }
0x79: {  	_ =	shalt  }
0x7a: {  	_ =	shalt  }
0x7b: {  	_ =	shalt  }
0x7c: {  	_ =	shalt  }
0x7d: {  	_ =	shalt  }
0x7e: {  	_ =	shalt  }
0x7f: {  	_ =	shalt  }
0x80: {  	_ =	shalt  }
0x81: {  	_ =	shalt  }
0x82: {  	_ =	shalt  }
0x83: {  	_ =	shalt  }
0x84: {  	_ =	shalt  }
0x85: {  	_ =	shalt  }
0x86: {  	_ =	shalt  }
0x87: {  	_ =	shalt  }
.Lfunc_end0:
.L_simem_size_0:
called_computation.1_lowered:
.L_overlay_start_0:
0x88: {  	s2 =	sld [smem:$0x3FD9]  }
0x89: {  	s3 =	sld [smem:$0x3FFE];
	_ =	sdelay $0x1  }
0x8a: {  	s1 =	srdreg.scid  }
0x8b: {  	s0 =	sand.u32 $0x1, s1  }
0x8c: {  	s16 =	sshll.u32 s0, $0xA;
	s2 =	sadd.s32 s3, s2  }
0x8d: {  	s2 =	sadd.s32 s2, s16  }
0x8e: {  	[smem:$0x3FBC] =	sst s2  }
0x8f: {  	_ = 	snop  }
0x90: {  	(tm) =	ssettm $0x1  }
0x91: {  	s17 =	sld [smem:$0x3FFB];
	_ =	sdelay $0x3  }
0x92: {  	_ =	strace s17  }
0x93: {  	s2 =	sld [smem:$0x3FFC];
	_ =	sdelay $0x3  }
0x94: {  	_ =	strace s2  }
0x95: {  	s2 =	sld [smem:$0x3FFD];
	_ =	sdelay $0x3  }
0x96: {  	_ =	strace s2  }
0x97: {  	_ =	strace $0x8FFFFFFF  }
0x98: {  	s18 =	sld [smem:$0x3FDB];
	_ =	sdelay $0x1  }
0x99: {  	s19 =	simm.s32 $_scs_section_size  }
0x9a: {  	s4 =	simm.s32 $_size__tile_overlayer_lowered;
	s5 =	simm.s32 $_tile_overlayer_lowered  }
0x9b: {  	s22 =	simm.s32 $0x1BFF;
	s21 =	sshll.u32 s5, $0x1;
	s2 =	sadd.s32 s19, s18  }
0x9c: {  	s6 =	simm.s32 $0x0;
	s20 =	sshll.u32 s4, $0x1;
	s4 =	sadd.s32 s21, s2  }
0x9d: {  	[timem:s6], [sflag:s22] =	dma.local [hbm:s4], s20  }
0x9e: {  	_ =	swait.ge [sflag:s22], s20  }
0x9f: {  	s3 =	ssub.s32 $0x0, s20;
	[sflag:s22] =	ssyncset.done $0x0  }
0xa0: {  	[sflag:s22] =	ssyncadd.s32 s3;
	_ =	sdelay $0x1  }
0xa1: {  	s23 =	simm.s32 $0x1B8B  }
0xa2: {  	_ =	swait.ge [sflag:s23], $0x1  }
0xa3: {  	[sflag:s23] =	ssyncset.done $0x0  }
0xa4: {  	s25 =	simm.s32 $0x1B8E;
	s24 =	sld [smem:$0x3FFE];
	[sflag:s23] =	ssyncadd.s32 $0xFFFFFFFF  }
0xa5: {  	s26 =	simm.s32 $execute0_lowered;
	[smem:$0x3FD2] =	sst s25  }
0xa6: {  	s4 =	sshll.u32 s26, $0x1;
	_ =	strace $0x80000049;
	[dreg:$0x1] =	wrdreg $0xFFFFFFFF  }
0xa7: {  	s28 =	simm.s32 $_size_execute0_lowered;
	s2 =	sadd.s32 s2, s4;
	[dreg:$0x0] =	wrdreg $0x0  }
0xa8: {  	s4 =	sshll.u32 s28, $0x1;
	[dreg:$0x2] =	wrdreg s2  }
0xa9: {  	[dreg:$0x3] =	wrdreg s4  }
0xaa: {  	[dreg:$0x4] =	wrdreg $0xC0  }
0xab: {  	_ =	task [dreg:s6], $0x5FFFF  }
0xac: {  	[dreg:$0x1] =	wrdreg $0xFFFFFFFF  }
0xad: {  	[dreg:$0x0] =	wrdreg $0x60  }
0xae: {  	[dreg:$0x2] =	wrdreg s24  }
0xaf: {  	[dreg:$0x3] =	wrdreg $0x7C200  }
0xb0: {  	[dreg:$0x4] =	wrdreg $0x121600  }
0xb1: {  	[dreg:$0x5] =	wrdreg $0x9  }
0xb2: {  	_ =	task.clear_ibuf [dreg:s6], $0x6FFFF;
	_ =	strace $0x90000049  }
0xb3: {  	s29 =	simm.s32 $0x9;
	_ =	strace $0x8000004B  }
0xb4: {  	_ =	swait.ge [sflag:s29], $0x1  }
0xb5: {  	[sflag:s29] =	ssyncadd.s32 $0xFFFFFFFF  }
0xb6: {  	_ =	strace $0x9000004B  }
0xb7: {  	_ =	sfence  }
0xb8: {  	s30 =	sld [smem:$0x0];
	_ =	sdelay $0x2  }
0xb9: {  	s31 =	sshll.u32 s1, $0xD;
	s1 =	sshrl.u32 s1, $0x2  }
0xba: {  	s3 =	sand.u32 $0x4000, s31;
	s1 =	sadd.s32 s1, s30  }
0xbb: {  	s0 =	sor.u32 s3, s0;
	s1 =	sshll.u32 s1, $0x11  }
0xbc: {  	s0 =	sor.u32 s1, s0  }
0xbd: {  	s0 =	sadd.s32 $0x8F2B, s0  }
0xbe: {  	[sflag:s0] =	ssyncadd.remote.s32 $0x1  }
0xbf: {  	_ =	sfence.sel $0xFFFF  }
0xc0: {  	[dreg:$0x0] =	wrdreg $0xFFFFFFFF;
	(pc) =	sbr.abs _section_cstart, $3  }
0xc1: {  	[dreg:$0x1] =	wrdreg $0xFFFFFFFF  }
0xc2: {  	_ =	task.clear_ibuf [dreg:s6], $0x2FFFF;
	_ =	strace $0x9FFFFFFF  }
0xc3: {  	(tm) =	ssettm $0x7FFFFFFF  }
tec
execute0_lowered:
.L_overlay_start_1:
0x0: {  	(tag) =	ssettag $0x1  }
0x1: {  	s0 =	rddreg [dreg:$0x0]  }
0x2: {  	s2 =	rddreg [dreg:$0x1];
	s1 =	srdreg.scid  }
0x3: {  	s24 =	stileid.u32;
	s3 =	rddreg [dreg:$0x2]  }
0x4: {  	s4 =	simm.s32 $0x0;
	s28 =	simm.s32 $0x0;
	s1 =	sand.u32 $0x1, s1  }
0x5: {  	s5 =	sshll.u32 s24, $0x1;
	[smem:$0x7FF] =	sst s4;
	s6 =	sadd.s32 $0x3200, s0  }
0x6: {  	s8 =	sadd.s32 $0x65400, s0;
	s17 =	sadd.s32 $0x65800, s0;
	s19 =	smul.u32 $0x270, s24  }
0x7: {  	s18 =	sadd.s32 $0x65A00, s0;
	s9 =	sadd.s32 $0x8CE00, s0;
	s11 =	smul.u32 $0x9C00, s24  }
0x8: {  	s13 =	sadd.s32 $0x65C00, s0;
	s14 =	smul.u32 $0x2700, s24;
	s5 =	sor.u32 s1, s5  }
0x9: {  	_ =	strace $0x8000004A;
	[dreg:$0x4] =	wrdreg s8;
	s15 =	smul.u32 $0x9C400, s1  }
0xa: {  	[dreg:$0x5] =	wrdreg s17;
	s10 =	ssub.s32 $0x2, s1;
	s1 =	smul.u32 $0x27100, s1  }
0xb: {  	p0 =	sne.s32 s24, $0xF;
	[dreg:$0x6] =	wrdreg s18;
	s7 =	smul.u32 $0x4E2, s5  }
0xc: {  	s5 =	sadd.s32 $0x16C00, s0;
	s12 =	sshrl.u32 s10, $0x1;
	s16 =	sadd.s32 $0x68, s19  }
0xd: {  	s17 =	sadd.s32 $0xD0, s19;
	s30 =	sadd.s32 $0x138, s19;
	s31 =	sadd.s32 $0x1A0, s19  }
0xe: {  	s8 =	sadd.s32 $0x208, s19;
	s10 =	ssub.s32 s10, s12;
	s12 =	sadd.s32 s11, s2  }
0xf: {  	s21 =	sshll.u32 s16, $0x6;
	s11 =	sadd.s32 s11, s15;
	s18 =	sadd.s32 s14, s1  }
0x10: {  	s15 =	sshrl.u32 s15, $0x3;
	s1 =	sshrl.u32 s1, $0x3;
	s7 =	sadd.s32 s7, s0  }
0x11: {  	s29 =	sshll.u32 s17, $0x6;
	s0 =	sadd.s32 $0x2A600, s0;
	s20 =	sadd.s32 $0x5B600, s7  }
0x12: {  	s18 =	sshrl.u32 s18, $0x3;
	s7 =	sadd.s32 $0x51800, s7;
	[dreg:$0x7] =	wrdreg s20  }
0x13: {  	s11 =	sshrl.u32 s11, $0x3;
	s18 =	sadd.s32 s0, s18;
	[dreg:$0x8] =	wrdreg s7  }
0x14: {  	s15 =	sadd.s32 $0x13800, s15;
	s22 =	sadd.s32 s9, s11;
	[dreg:$0x9] =	wrdreg s18  }
0x15: {  	s0 =	sadd.s32 s0, s1;
	s23 =	sadd.s32 s9, s15;
	[dreg:$0xa] =	wrdreg s22  }
0x16: {  	s25 =	sadd.s32 s13, s11;
	s26 =	sadd.s32 s13, s15;
	[dreg:$0xb] =	wrdreg s23  }
0x17: {  	s13 =	sshll.u32 s30, $0x6;
	s15 =	sshll.u32 s31, $0x6;
	[dreg:$0xc] =	wrdreg s25  }
0x18: {  	s1 =	sshll.u32 s30, $0x4;
	s11 =	simm.s32 $0x11860;
	[dreg:$0xd] =	wrdreg s26  }
0x19: {  	s25 =	sadd.s32 s21, s2;
	s26 =	sadd.s32 s29, s2;
	s9 =	sadd.s32 s13, s2  }
0x1a: {  	s18 =	sshll.u32 s8, $0x6;
	s20 =	sshll.u32 s16, $0x4;
	s23 =	sadd.s32 s14, s3  }
0x1b: {  	s21 =	sshll.u32 s17, $0x4;
	s7 =	sshll.u32 s31, $0x4;
	s1 =	sadd.s32 s1, s3  }
0x1c: {  	s29 =	sshll.u32 s8, $0x4;
	s30 =	sadd.s32 $0x4920, s0;
	[dreg:$0xe] =	wrdreg s9  }
0x1d: {  	s0 =	sadd.s32 $0x4E00, s0;
	s31 =	smax.u32 s10, $0x1;
	[dreg:$0x11] =	wrdreg s1  }
0x1e: {  	s8 =	simm.s32 $0x6220;
	s10 =	simm.s32 $0x11AE0;
	[dreg:$0x14] =	wrdreg s30  }
0x1f: {  	s13 =	simm.s32 $0x28;
	s14 =	simm.s32 $0x4E20;
	[dreg:$0x15] =	wrdreg s0  }
0x20: {  	s16 =	simm.s32 $0x1;
	s9 =	sadd.s32 s15, s2;
	[dreg:$0x16] =	wrdreg s31  }
0x21: {  	s17 =	simm.s32 $0x2;
	s19 =	sadd.s32 s18, s2;
	[dreg:$0x17] =	wrdreg s9  }
0x22: {  	s22 =	sadd.s32 s7, s3;
	s1 =	sadd.s32 s29, s3;
	[dreg:$0x18] =	wrdreg s19  }
0x23: {  	s0 =	sadd.s32 $0x9C000, s2;
	s7 =	sadd.s32 $0x27000, s3;
	[dreg:$0x12] =	wrdreg s22  }
0x24: {  	s15 =	simm.s32 $0x5820;
	s9 =	sadd.s32 s20, s3;
	[dreg:$0x13] =	wrdreg s1  }
0x25: {  	s22 =	simm.s32 $0x4DF8;
	[dreg:$0xf] =	wrdreg s9;
	s9 =	sadd.s32 s21, s3  }
0x26: {  	s21 =	simm.s32 $0x4DD0;
	[dreg:$0x10] =	wrdreg s9;
	s9 =	simm.s32 $0x3  }
.LBB2_1:
0x27: {  	s1 =	rddreg [dreg:$0x4]  }
0x28: {  	[tilespmem:s8], [sflag:$0x3] =	stream.linear.gather [hbm4b:s1+s4], $0x1A00, $0x38;
	[tilespmem:$0x14870] =	vst v63  }
0x29: {  	_ =	swait.ge [sflag:s9], $0x1A00  }
0x2a: {  	[sflag:s9] =	ssyncset.done $0x0  }
0x2b: {  	s19 =	rddreg [dreg:$0x5];
	[sflag:s9] =	ssyncadd.s32 $0xFFFFE600  }
0x2c: {  	[tilespmem:s10], [sflag:$0x3] =	stream.linear.gather [hbm4b:s19+s4], $0x680, $0x38;
	[tilespmem:$0x14870] =	vst v63  }
0x2d: {  	_ =	swait.ge [sflag:s9], $0x680  }
0x2e: {  	[sflag:s9] =	ssyncset.done $0x0  }
0x2f: {  	s20 =	rddreg [dreg:$0x6];
	[sflag:s9] =	ssyncadd.s32 $0xFFFFF980  }
0x30: {  	[tilespmem:s11], [sflag:$0x3] =	stream.linear.gather [hbm4b:s20+s4], $0x280, $0x38;
	[tilespmem:$0x14870] =	vst v63  }
0x31: {  	_ =	swait.ge [sflag:s9], $0x280  }
0x32: {  	[sflag:s9] =	ssyncset.done $0x0  }
0x33: {  	s24 =	rddreg [dreg:$0x7];
	[sflag:s9] =	ssyncadd.s32 $0xFFFFFD80  }
0x34: {  	[tilespmem:s4], [sflag:$0x3] =	stream.linear.gather [hbm4b:s24+s4], $0x2710, $0x38;
	[tilespmem:$0x14870] =	vst v63  }
0x35: {  	_ =	swait.ge [sflag:s9], $0x2710  }
0x36: {  	[sflag:s9] =	ssyncset.done $0x0  }
0x37: {  	s18 =	simm.s32 $0x2710;
	s30 =	rddreg [dreg:$0x8];
	[sflag:s9] =	ssyncadd.s32 $0xFFFFD8F0  }
0x38: {  	[tilespmem:s18], [sflag:$0x3] =	stream.linear.gather [hbm4b:s30+s4], $0x2710, $0x38;
	[tilespmem:$0x14870] =	vst v63  }
0x39: {  	_ =	swait.ge [sflag:s9], $0x2710  }
0x3a: {  	[sflag:s9] =	ssyncset.done $0x0  }
0x3b: {  	[sflag:s9] =	ssyncadd.s32 $0xFFFFD8F0  }
0x3c: {  	[spmem:s12] =	stream.linear.scatter [tilespmem:s8], [sflag:$0x3], $0x1A00, $0x38;
	[tilespmem:$0x14870] =	vst v63  }
0x3d: {  	_ =	swait.ge [sflag:s9], $0x1A00  }
0x3e: {  	[sflag:s9] =	ssyncset.done $0x0  }
0x3f: {  	[sflag:s9] =	ssyncadd.s32 $0xFFFFE600  }
0x40: {  	[spmem:s25] =	stream.linear.scatter [tilespmem:s8], [sflag:$0x3], $0x1A00, $0x38;
	[tilespmem:$0x14870] =	vst v63  }
0x41: {  	_ =	swait.ge [sflag:s9], $0x1A00  }
0x42: {  	[sflag:s9] =	ssyncset.done $0x0  }
0x43: {  	[sflag:s9] =	ssyncadd.s32 $0xFFFFE600  }
0x44: {  	[spmem:s26] =	stream.linear.scatter [tilespmem:s8], [sflag:$0x3], $0x1A00, $0x38;
	[tilespmem:$0x14870] =	vst v63  }
0x45: {  	_ =	swait.ge [sflag:s9], $0x1A00  }
0x46: {  	[sflag:s9] =	ssyncset.done $0x0  }
0x47: {  	s31 =	rddreg [dreg:$0xe];
	[sflag:s9] =	ssyncadd.s32 $0xFFFFE600  }
0x48: {  	[spmem:s31] =	stream.linear.scatter [tilespmem:s8], [sflag:$0x3], $0x1A00, $0x38;
	[tilespmem:$0x14870] =	vst v63  }
0x49: {  	_ =	swait.ge [sflag:s9], $0x1A00  }
0x4a: {  	[sflag:s9] =	ssyncset.done $0x0  }
0x4b: {  	s18 =	rddreg [dreg:$0x17];
	[sflag:s9] =	ssyncadd.s32 $0xFFFFE600  }
0x4c: {  	[spmem:s18] =	stream.linear.scatter [tilespmem:s8], [sflag:$0x3], $0x1A00, $0x38;
	[tilespmem:$0x14870] =	vst v63  }
0x4d: {  	_ =	swait.ge [sflag:s9], $0x1A00  }
0x4e: {  	[sflag:s9] =	ssyncset.done $0x0  }
0x4f: {  	s19 =	rddreg [dreg:$0x18];
	[sflag:s9] =	ssyncadd.s32 $0xFFFFE600  }
0x50: {  	[spmem:s19] =	stream.linear.scatter [tilespmem:s8], [sflag:$0x3], $0x1A00, $0x38;
	[tilespmem:$0x14870] =	vst v63  }
0x51: {  	_ =	swait.ge [sflag:s9], $0x1A00  }
0x52: {  	[sflag:s9] =	ssyncset.done $0x0  }
0x53: {  	s1 =	simm.s32 @!p0 $0x6220;
	[sflag:s9] =	ssyncadd.s32 $0xFFFFE600  }
0x54: {  	[spmem:s0] =	stream.linear.scatter @!p0 [tilespmem:s1], [sflag:$0x3], $0x400, $0x38;
	[tilespmem:$0x14870] =	vst v63  }
0x55: {  	s1 =	simm.s32 @!p0 $0x3  }
0x56: {  	_ =	swait.ge @!p0 [sflag:s1], $0x400  }
0x57: {  	[sflag:s1] =	ssyncset.done @!p0 $0x0  }
0x58: {  	[sflag:s1] =	ssyncadd.s32 @!p0 $0xFFFFFC00  }
0x59: {  	[spmem:s23] =	stream.linear.scatter [tilespmem:s10], [sflag:$0x3], $0x680, $0x38;
	[tilespmem:$0x14870] =	vst v63  }
0x5a: {  	_ =	swait.ge [sflag:s9], $0x680  }
0x5b: {  	[sflag:s9] =	ssyncset.done $0x0  }
0x5c: {  	s20 =	rddreg [dreg:$0xf];
	[sflag:s9] =	ssyncadd.s32 $0xFFFFF980  }
0x5d: {  	[spmem:s20] =	stream.linear.scatter [tilespmem:s10], [sflag:$0x3], $0x680, $0x38;
	[tilespmem:$0x14870] =	vst v63  }
0x5e: {  	_ =	swait.ge [sflag:s9], $0x680  }
0x5f: {  	[sflag:s9] =	ssyncset.done $0x0  }
0x60: {  	s24 =	rddreg [dreg:$0x10];
	[sflag:s9] =	ssyncadd.s32 $0xFFFFF980  }
0x61: {  	[spmem:s24] =	stream.linear.scatter [tilespmem:s10], [sflag:$0x3], $0x680, $0x38;
	[tilespmem:$0x14870] =	vst v63  }
0x62: {  	_ =	swait.ge [sflag:s9], $0x680  }
0x63: {  	[sflag:s9] =	ssyncset.done $0x0  }
0x64: {  	s30 =	rddreg [dreg:$0x11];
	[sflag:s9] =	ssyncadd.s32 $0xFFFFF980  }
0x65: {  	[spmem:s30] =	stream.linear.scatter [tilespmem:s10], [sflag:$0x3], $0x680, $0x38;
	[tilespmem:$0x14870] =	vst v63  }
0x66: {  	_ =	swait.ge [sflag:s9], $0x680  }
0x67: {  	[sflag:s9] =	ssyncset.done $0x0  }
0x68: {  	s31 =	rddreg [dreg:$0x12];
	[sflag:s9] =	ssyncadd.s32 $0xFFFFF980  }
0x69: {  	[spmem:s31] =	stream.linear.scatter [tilespmem:s10], [sflag:$0x3], $0x680, $0x38;
	[tilespmem:$0x14870] =	vst v63  }
0x6a: {  	_ =	swait.ge [sflag:s9], $0x680  }
0x6b: {  	[sflag:s9] =	ssyncset.done $0x0  }
0x6c: {  	s19 =	rddreg [dreg:$0x13];
	[sflag:s9] =	ssyncadd.s32 $0xFFFFF980  }
0x6d: {  	[spmem:s19] =	stream.linear.scatter [tilespmem:s10], [sflag:$0x3], $0x680, $0x38;
	[tilespmem:$0x14870] =	vst v63  }
0x6e: {  	_ =	swait.ge [sflag:s9], $0x680  }
0x6f: {  	[sflag:s9] =	ssyncset.done $0x0  }
0x70: {  	s24 =	simm.s32 @!p0 $0x11AE0;
	[sflag:s9] =	ssyncadd.s32 $0xFFFFF980  }
0x71: {  	[spmem:s7] =	stream.linear.scatter @!p0 [tilespmem:s24], [sflag:$0x3], $0x100, $0x38;
	[tilespmem:$0x14870] =	vst v63  }
0x72: {  	_ =	swait.ge @!p0 [sflag:s1], $0x100  }
0x73: {  	[sflag:s1] =	ssyncset.done @!p0 $0x0  }
0x74: {  	[sflag:s1] =	ssyncadd.s32 @!p0 $0xFFFFFF00  }
0x75: {  	[bflag:$0x0] =	sbarrier.arrive $0xFFFF  }
0x76: {  	[tilespmem:s14], [sflag:$0x1] =	stream.indirect.gather [hbm4b:s5+s13], $0x40, s4, s13, $0xb8;
	[tilespmem:$0x14870] =	vst v63  }
0x77: {  	s20 =	simm.s32 $0x28  }
0x78: {  	[tilespmem:s15], [sflag:$0x2] =	stream.indirect.gather [hbm4b:s5+s13], $0x40, s20, s13, $0xb8;
	[tilespmem:$0x14870] =	vst v63  }
0x79: {  	_ =	swait.ge [sflag:s16], $0xA00  }
0x7a: {  	[sflag:s16] =	ssyncset.done $0x0  }
0x7b: {  	s24 =	simm.s32 $0x2710;
	[sflag:s16] =	ssyncadd.s32 $0xFFFFF600  }
0x7c: {  	[spmem:s2] =	stream.indirect.scatter.add.f32 [tilespmem:s14], [sflag:$0x3], $0x40, s24, s13, $0xb8;
	[tilespmem:$0x14870] =	vst v63  }
0x7d: {  	_ =	swait.ge [sflag:s9], $0xA00  }
0x7e: {  	[sflag:s9] =	ssyncset.done $0x0  }
0x7f: {  	[sflag:s9] =	ssyncadd.s32 $0xFFFFF600  }
0x80: {  	[spmem:s3] =	stream.indirect.scatter.add.f32 [tilespmem:s11], [sflag:$0x3], $0x10, s24, s13, $0xb8;
	[tilespmem:$0x14870] =	vst v63  }
0x81: {  	_ =	swait.ge [sflag:s9], $0x280  }
0x82: {  	[sflag:s9] =	ssyncset.done $0x0  }
0x83: {  	s30 =	simm.s32 $0x50;
	[sflag:s9] =	ssyncadd.s32 $0xFFFFFD80  }
0x84: {  	[tilespmem:s14], [sflag:$0x1] =	stream.indirect.gather [hbm4b:s5+s13], $0x40, s30, s13, $0xb8;
	[tilespmem:$0x14870] =	vst v63  }
0x85: {  	_ =	swait.ge [sflag:s17], $0xA00  }
0x86: {  	[sflag:s17] =	ssyncset.done $0x0  }
0x87: {  	s31 =	simm.s32 $0x2738;
	[sflag:s17] =	ssyncadd.s32 $0xFFFFF600  }
0x88: {  	[spmem:s2] =	stream.indirect.scatter.add.f32 [tilespmem:s15], [sflag:$0x3], $0x40, s31, s13, $0xb8;
	[tilespmem:$0x14870] =	vst v63  }
0x89: {  	_ =	swait.ge [sflag:s9], $0xA00  }
0x8a: {  	[sflag:s9] =	ssyncset.done $0x0  }
0x8b: {  	[sflag:s9] =	ssyncadd.s32 $0xFFFFF600  }
0x8c: {  	[spmem:s3] =	stream.indirect.scatter.add.f32 [tilespmem:s11], [sflag:$0x3], $0x10, s31, s13, $0xb8;
	[tilespmem:$0x14870] =	vst v63  }
0x8d: {  	_ =	swait.ge [sflag:s9], $0x280  }
0x8e: {  	s29 =	simm.s32 $0x50;
	s1 =	simm.s32 $0x280;
	[sflag:s9] =	ssyncset.done $0x0  }
.LBB2_2:
0x8f: {  	s24 =	sadd.s32 $0x28, s29  }
0x90: {  	[sflag:s9] =	ssyncadd.s32 $0xFFFFFD80;
	s30 =	smov.u32 s1;
	s31 =	sadd.s32 $0x140, s1  }
0x91: {  	[tilespmem:s15], [sflag:$0x2] =	stream.indirect.gather [hbm4b:s5+s13], $0x40, s24, s13, $0xb8;
	[tilespmem:$0x14870] =	vst v63  }
0x92: {  	p1 =	sne.s32 s1, $0x99C0;
	_ =	swait.ge [sflag:s16], $0xA00  }
0x93: {  	[sflag:s16] =	ssyncset.done $0x0  }
0x94: {  	s1 =	sadd.s32 $0x2710, s29;
	[sflag:s16] =	ssyncadd.s32 $0xFFFFF600  }
0x95: {  	[spmem:s2] =	stream.indirect.scatter.add.f32 [tilespmem:s14], [sflag:$0x3], $0x40, s1, s13, $0xb8;
	[tilespmem:$0x14870] =	vst v63  }
0x96: {  	_ =	swait.ge [sflag:s9], $0xA00  }
0x97: {  	[sflag:s9] =	ssyncset.done $0x0  }
0x98: {  	[sflag:s9] =	ssyncadd.s32 $0xFFFFF600  }
0x99: {  	[spmem:s3] =	stream.indirect.scatter.add.f32 [tilespmem:s11], [sflag:$0x3], $0x10, s1, s13, $0xb8;
	[tilespmem:$0x14870] =	vst v63  }
0x9a: {  	_ =	swait.ge [sflag:s9], $0x280  }
0x9b: {  	[sflag:s9] =	ssyncset.done $0x0  }
0x9c: {  	s1 =	sadd.s32 $0x50, s29;
	[sflag:s9] =	ssyncadd.s32 $0xFFFFFD80  }
0x9d: {  	[tilespmem:s14], [sflag:$0x1] =	stream.indirect.gather [hbm4b:s5+s13], $0x40, s1, s13, $0xb8;
	[tilespmem:$0x14870] =	vst v63  }
0x9e: {  	_ =	swait.ge [sflag:s17], $0xA00  }
0x9f: {  	[sflag:s17] =	ssyncset.done $0x0  }
0xa0: {  	s1 =	sadd.s32 $0x2738, s29;
	[sflag:s17] =	ssyncadd.s32 $0xFFFFF600  }
0xa1: {  	[spmem:s2] =	stream.indirect.scatter.add.f32 [tilespmem:s15], [sflag:$0x3], $0x40, s1, s13, $0xb8;
	[tilespmem:$0x14870] =	vst v63  }
0xa2: {  	_ =	swait.ge [sflag:s9], $0xA00  }
.Ltmp0:
0xa3: {  	[sflag:s9] =	ssyncset.done $0x0;
	(pc) =	sbr.rel @p1 .LBB2_2-.Ltmp0, $4  }
0xa4: {  	[sflag:s9] =	ssyncadd.s32 $0xFFFFF600  }
0xa5: {  	[spmem:s3] =	stream.indirect.scatter.add.f32 [tilespmem:s11], [sflag:$0x3], $0x10, s1, s13, $0xb8;
	[tilespmem:$0x14870] =	vst v63  }
0xa6: {  	_ =	swait.ge [sflag:s9], $0x280  }
0xa7: {  	s29 =	sshra.s32 s30, $0x2;
	s1 =	smov.u32 s31;
	[sflag:s9] =	ssyncset.done $0x0  }
0xa8: {  	s1 =	sadd.s32 $0x28, s29;
	[sflag:s9] =	ssyncadd.s32 $0xFFFFFD80  }
0xa9: {  	[tilespmem:s15], [sflag:$0x2] =	stream.indirect.gather [hbm4b:s5+s13], $0x40, s1, s13, $0xb8;
	[tilespmem:$0x14870] =	vst v63  }
0xaa: {  	_ =	swait.ge [sflag:s16], $0xA00  }
0xab: {  	[sflag:s16] =	ssyncset.done $0x0  }
0xac: {  	s18 =	sadd.s32 $0x2710, s29;
	[sflag:s16] =	ssyncadd.s32 $0xFFFFF600  }
0xad: {  	[spmem:s2] =	stream.indirect.scatter.add.f32 [tilespmem:s14], [sflag:$0x3], $0x40, s18, s13, $0xb8;
	[tilespmem:$0x14870] =	vst v63  }
0xae: {  	_ =	swait.ge [sflag:s9], $0xA00  }
0xaf: {  	[sflag:s9] =	ssyncset.done $0x0  }
0xb0: {  	[sflag:s9] =	ssyncadd.s32 $0xFFFFF600  }
0xb1: {  	[spmem:s3] =	stream.indirect.scatter.add.f32 [tilespmem:s11], [sflag:$0x3], $0x10, s18, s13, $0xb8;
	[tilespmem:$0x14870] =	vst v63  }
0xb2: {  	_ =	swait.ge [sflag:s9], $0x280  }
0xb3: {  	[sflag:s9] =	ssyncset.done $0x0  }
0xb4: {  	s19 =	sadd.s32 $0x50, s29;
	[sflag:s9] =	ssyncadd.s32 $0xFFFFFD80  }
0xb5: {  	[tilespmem:s14], [sflag:$0x1] =	stream.indirect.gather [hbm4b:s5+s13], $0x40, s19, s13, $0xb8;
	[tilespmem:$0x14870] =	vst v63  }
0xb6: {  	_ =	swait.ge [sflag:s17], $0xA00  }
0xb7: {  	[sflag:s17] =	ssyncset.done $0x0  }
0xb8: {  	s20 =	sadd.s32 $0x2738, s29;
	[sflag:s17] =	ssyncadd.s32 $0xFFFFF600  }
0xb9: {  	[spmem:s2] =	stream.indirect.scatter.add.f32 [tilespmem:s15], [sflag:$0x3], $0x40, s20, s13, $0xb8;
	[tilespmem:$0x14870] =	vst v63  }
0xba: {  	_ =	swait.ge [sflag:s9], $0xA00  }
0xbb: {  	[sflag:s9] =	ssyncset.done $0x0  }
0xbc: {  	[sflag:s9] =	ssyncadd.s32 $0xFFFFF600  }
0xbd: {  	[spmem:s3] =	stream.indirect.scatter.add.f32 [tilespmem:s11], [sflag:$0x3], $0x10, s20, s13, $0xb8;
	[tilespmem:$0x14870] =	vst v63  }
0xbe: {  	_ =	swait.ge [sflag:s9], $0x280  }
0xbf: {  	[sflag:s9] =	ssyncset.done $0x0  }
0xc0: {  	s24 =	simm.s32 $0x26E8;
	[sflag:s9] =	ssyncadd.s32 $0xFFFFFD80  }
0xc1: {  	[tilespmem:s15], [sflag:$0x2] =	stream.indirect.gather [hbm4b:s5+s13], $0x40, s24, s13, $0xb8;
	[tilespmem:$0x14870] =	vst v63  }
0xc2: {  	_ =	swait.ge [sflag:s16], $0xA00  }
0xc3: {  	[sflag:s16] =	ssyncset.done $0x0  }
0xc4: {  	s18 =	simm.s32 $0x4DD0;
	[sflag:s16] =	ssyncadd.s32 $0xFFFFF600  }
0xc5: {  	[spmem:s2] =	stream.indirect.scatter.add.f32 [tilespmem:s14], [sflag:$0x3], $0x40, s18, s13, $0xb8;
	[tilespmem:$0x14870] =	vst v63  }
0xc6: {  	_ =	swait.ge [sflag:s9], $0xA00  }
0xc7: {  	[sflag:s9] =	ssyncset.done $0x0  }
0xc8: {  	[sflag:s9] =	ssyncadd.s32 $0xFFFFF600  }
0xc9: {  	[spmem:s3] =	stream.indirect.scatter.add.f32 [tilespmem:s11], [sflag:$0x3], $0x10, s18, s13, $0xb8;
	[tilespmem:$0x14870] =	vst v63  }
0xca: {  	_ =	swait.ge [sflag:s9], $0x280  }
0xcb: {  	[sflag:s9] =	ssyncset.done $0x0  }
0xcc: {  	[sflag:s9] =	ssyncadd.s32 $0xFFFFFD80  }
0xcd: {  	_ =	swait.ge [sflag:s17], $0xA00  }
0xce: {  	[sflag:s17] =	ssyncset.done $0x0  }
0xcf: {  	s19 =	simm.s32 $0x4DF8;
	[sflag:s17] =	ssyncadd.s32 $0xFFFFF600  }
0xd0: {  	[spmem:s2] =	stream.indirect.scatter.add.f32 [tilespmem:s15], [sflag:$0x3], $0x40, s19, s13, $0xb8;
	[tilespmem:$0x14870] =	vst v63  }
0xd1: {  	_ =	swait.ge [sflag:s9], $0xA00  }
0xd2: {  	[sflag:s9] =	ssyncset.done $0x0  }
0xd3: {  	[sflag:s9] =	ssyncadd.s32 $0xFFFFF600  }
0xd4: {  	[spmem:s3] =	stream.indirect.scatter.add.f32 [tilespmem:s11], [sflag:$0x3], $0x10, s19, s13, $0xb8;
	[tilespmem:$0x14870] =	vst v63  }
0xd5: {  	_ =	swait.ge [sflag:s9], $0x280  }
0xd6: {  	[sflag:s9] =	ssyncset.done $0x0  }
0xd7: {  	s20 =	stileid.u32;
	[sflag:s9] =	ssyncadd.s32 $0xFFFFFD80  }
0xd8: {  	s1 =	sshll.u32 s20, $0x6;
	[bflag:$0x0] =	sbarrier.arrive $0xFFFF  }
0xd9: {  	s30 =	sshrl.u32 s12, $0x3;
	s29 =	sor.u32 $0x1C03, s1;
	s24 =	rddreg [dreg:$0xa]  }
0xda: {  	[hbm:s24], [sflag:s29] =	dma.local [spmem:s30], $0x1380  }
0xdb: {  	_ =	swait.ge [sflag:s9], $0x1380  }
0xdc: {  	[sflag:s9] =	ssyncset.done $0x0  }
0xdd: {  	s1 =	sshrl.u32 @p0 s23, $0x3;
	s18 =	rddreg [dreg:$0x9];
	[sflag:s9] =	ssyncadd.s32 $0xFFFFEC80  }
0xde: {  	[hbm:s18], [sflag:s29] =	dma.local @p0 [spmem:s1], $0x4E0  }
0xdf: {  	s1 =	simm.s32 @p0 $0x3  }
0xe0: {  	_ =	swait.ge @p0 [sflag:s1], $0x4E0  }
0xe1: {  	[sflag:s1] =	ssyncset.done @p0 $0x0  }
0xe2: {  	s31 =	sshrl.u32 @!p0 s0, $0x3;
	[sflag:s1] =	ssyncadd.s32 @p0 $0xFFFFFB20;
	s1 =	rddreg [dreg:$0xb]  }
0xe3: {  	[hbm:s1], [sflag:s29] =	dma.local @!p0 [spmem:s31], $0x80  }
0xe4: {  	s1 =	simm.s32 @!p0 $0x3  }
0xe5: {  	_ =	swait.ge @!p0 [sflag:s1], $0x80  }
0xe6: {  	[sflag:s1] =	ssyncset.done @!p0 $0x0  }
0xe7: {  	s24 =	sshrl.u32 @!p0 s23, $0x3;
	s18 =	rddreg [dreg:$0x14];
	[sflag:s1] =	ssyncadd.s32 @!p0 $0xFFFFFF80  }
0xe8: {  	[hbm:s18], [sflag:s29] =	dma.local @!p0 [spmem:s24], $0x4E0  }
0xe9: {  	_ =	swait.ge @!p0 [sflag:s1], $0x4E0  }
0xea: {  	[sflag:s1] =	ssyncset.done @!p0 $0x0  }
0xeb: {  	s24 =	sshrl.u32 @!p0 s7, $0x3;
	s18 =	rddreg [dreg:$0x15];
	[sflag:s1] =	ssyncadd.s32 @!p0 $0xFFFFFB20  }
0xec: {  	[hbm:s18], [sflag:s29] =	dma.local @!p0 [spmem:s24], $0x20  }
0xed: {  	_ =	swait.ge @!p0 [sflag:s1], $0x20  }
0xee: {  	[sflag:s1] =	ssyncset.done @!p0 $0x0  }
0xef: {  	[sflag:s1] =	ssyncadd.s32 @!p0 $0xFFFFFFE0  }
0xf0: {  	[spmem:s12] =	stream.linear.scatter [tilespmem:s8], [sflag:$0x3], $0x1A00, $0x38;
	[tilespmem:$0x14870] =	vst v63  }
0xf1: {  	_ =	swait.ge [sflag:s9], $0x1A00  }
0xf2: {  	[sflag:s9] =	ssyncset.done $0x0  }
0xf3: {  	[sflag:s9] =	ssyncadd.s32 $0xFFFFE600  }
0xf4: {  	[spmem:s25] =	stream.linear.scatter [tilespmem:s8], [sflag:$0x3], $0x1A00, $0x38;
	[tilespmem:$0x14870] =	vst v63  }
0xf5: {  	_ =	swait.ge [sflag:s9], $0x1A00  }
0xf6: {  	[sflag:s9] =	ssyncset.done $0x0  }
0xf7: {  	[sflag:s9] =	ssyncadd.s32 $0xFFFFE600  }
0xf8: {  	[spmem:s26] =	stream.linear.scatter [tilespmem:s8], [sflag:$0x3], $0x1A00, $0x38;
	[tilespmem:$0x14870] =	vst v63  }
0xf9: {  	_ =	swait.ge [sflag:s9], $0x1A00  }
0xfa: {  	[sflag:s9] =	ssyncset.done $0x0  }
0xfb: {  	s20 =	smov.u32 s26;
	s26 =	rddreg [dreg:$0xe];
	[sflag:s9] =	ssyncadd.s32 $0xFFFFE600  }
0xfc: {  	[spmem:s26] =	stream.linear.scatter [tilespmem:s8], [sflag:$0x3], $0x1A00, $0x38;
	[tilespmem:$0x14870] =	vst v63  }
0xfd: {  	_ =	swait.ge [sflag:s9], $0x1A00  }
0xfe: {  	[sflag:s9] =	ssyncset.done $0x0  }
0xff: {  	s24 =	rddreg [dreg:$0x17];
	[sflag:s9] =	ssyncadd.s32 $0xFFFFE600  }
0x100: {  	[spmem:s24] =	stream.linear.scatter [tilespmem:s8], [sflag:$0x3], $0x1A00, $0x38;
	[tilespmem:$0x14870] =	vst v63  }
0x101: {  	_ =	swait.ge [sflag:s9], $0x1A00  }
0x102: {  	[sflag:s9] =	ssyncset.done $0x0  }
0x103: {  	s19 =	smov.u32 s25;
	s25 =	rddreg [dreg:$0x18];
	[sflag:s9] =	ssyncadd.s32 $0xFFFFE600  }
0x104: {  	[spmem:s25] =	stream.linear.scatter [tilespmem:s8], [sflag:$0x3], $0x1A00, $0x38;
	[tilespmem:$0x14870] =	vst v63  }
0x105: {  	_ =	swait.ge [sflag:s9], $0x1A00  }
0x106: {  	[sflag:s9] =	ssyncset.done $0x0  }
0x107: {  	s24 =	simm.s32 @!p0 $0x6220;
	[sflag:s9] =	ssyncadd.s32 $0xFFFFE600  }
0x108: {  	[spmem:s0] =	stream.linear.scatter @!p0 [tilespmem:s24], [sflag:$0x3], $0x400, $0x38;
	[tilespmem:$0x14870] =	vst v63  }
0x109: {  	_ =	swait.ge @!p0 [sflag:s1], $0x400  }
0x10a: {  	[sflag:s1] =	ssyncset.done @!p0 $0x0  }
0x10b: {  	[sflag:s1] =	ssyncadd.s32 @!p0 $0xFFFFFC00  }
0x10c: {  	s26 =	simm.s32 $0x0;
	[bflag:$0x0] =	sbarrier.arrive $0xFFFF  }
0x10d: {  	[tilespmem:s14], [sflag:$0x1] =	stream.indirect.gather [hbm4b:s6+s13], $0x40, s26, s13, $0xb8;
	[tilespmem:$0x14870] =	vst v63  }
0x10e: {  	s18 =	simm.s32 $0x28  }
0x10f: {  	[tilespmem:s15], [sflag:$0x2] =	stream.indirect.gather [hbm4b:s6+s13], $0x40, s18, s13, $0xb8;
	[tilespmem:$0x14870] =	vst v63  }
0x110: {  	_ =	swait.ge [sflag:s16], $0xA00  }
0x111: {  	[sflag:s16] =	ssyncset.done $0x0  }
0x112: {  	s24 =	simm.s32 $0x2710;
	[sflag:s16] =	ssyncadd.s32 $0xFFFFF600  }
0x113: {  	[spmem:s2] =	stream.indirect.scatter.add.f32 [tilespmem:s14], [sflag:$0x3], $0x40, s24, s13, $0xb8;
	[tilespmem:$0x14870] =	vst v63  }
0x114: {  	_ =	swait.ge [sflag:s9], $0xA00  }
0x115: {  	[sflag:s9] =	ssyncset.done $0x0  }
0x116: {  	s25 =	simm.s32 $0x50;
	[sflag:s9] =	ssyncadd.s32 $0xFFFFF600  }
0x117: {  	[tilespmem:s14], [sflag:$0x1] =	stream.indirect.gather [hbm4b:s6+s13], $0x40, s25, s13, $0xb8;
	[tilespmem:$0x14870] =	vst v63  }
0x118: {  	_ =	swait.ge [sflag:s17], $0xA00  }
0x119: {  	[sflag:s17] =	ssyncset.done $0x0  }
0x11a: {  	s26 =	simm.s32 $0x2738;
	[sflag:s17] =	ssyncadd.s32 $0xFFFFF600  }
0x11b: {  	[spmem:s2] =	stream.indirect.scatter.add.f32 [tilespmem:s15], [sflag:$0x3], $0x40, s26, s13, $0xb8;
	[tilespmem:$0x14870] =	vst v63  }
0x11c: {  	_ =	swait.ge [sflag:s9], $0xA00  }
0x11d: {  	s1 =	simm.s32 $0x50;
	s24 =	simm.s32 $0x280;
	[sflag:s9] =	ssyncset.done $0x0  }
.LBB2_4:
0x11e: {  	s25 =	sadd.s32 $0x28, s1  }
0x11f: {  	[sflag:s9] =	ssyncadd.s32 $0xFFFFF600;
	s26 =	smov.u32 s24;
	s18 =	sadd.s32 $0x140, s24  }
0x120: {  	[tilespmem:s15], [sflag:$0x2] =	stream.indirect.gather [hbm4b:s6+s13], $0x40, s25, s13, $0xb8;
	[tilespmem:$0x14870] =	vst v63  }
0x121: {  	p1 =	sne.s32 s24, $0x99C0;
	_ =	swait.ge [sflag:s16], $0xA00  }
0x122: {  	[sflag:s16] =	ssyncset.done $0x0  }
0x123: {  	s24 =	sadd.s32 $0x2710, s1;
	[sflag:s16] =	ssyncadd.s32 $0xFFFFF600  }
0x124: {  	[spmem:s2] =	stream.indirect.scatter.add.f32 [tilespmem:s14], [sflag:$0x3], $0x40, s24, s13, $0xb8;
	[tilespmem:$0x14870] =	vst v63  }
0x125: {  	_ =	swait.ge [sflag:s9], $0xA00  }
0x126: {  	[sflag:s9] =	ssyncset.done $0x0  }
0x127: {  	s24 =	sadd.s32 $0x50, s1;
	[sflag:s9] =	ssyncadd.s32 $0xFFFFF600  }
0x128: {  	[tilespmem:s14], [sflag:$0x1] =	stream.indirect.gather [hbm4b:s6+s13], $0x40, s24, s13, $0xb8;
	[tilespmem:$0x14870] =	vst v63  }
0x129: {  	_ =	swait.ge [sflag:s17], $0xA00  }
.Ltmp1:
0x12a: {  	[sflag:s17] =	ssyncset.done $0x0;
	(pc) =	sbr.rel @p1 .LBB2_4-.Ltmp1, $4  }
0x12b: {  	s1 =	sadd.s32 $0x2738, s1;
	[sflag:s17] =	ssyncadd.s32 $0xFFFFF600  }
0x12c: {  	[spmem:s2] =	stream.indirect.scatter.add.f32 [tilespmem:s15], [sflag:$0x3], $0x40, s1, s13, $0xb8;
	[tilespmem:$0x14870] =	vst v63  }
0x12d: {  	_ =	swait.ge [sflag:s9], $0xA00  }
0x12e: {  	s24 =	smov.u32 s18;
	s1 =	sshra.s32 s26, $0x2;
	[sflag:s9] =	ssyncset.done $0x0  }
0x12f: {  	s18 =	sadd.s32 $0x28, s1;
	[sflag:s9] =	ssyncadd.s32 $0xFFFFF600  }
0x130: {  	[tilespmem:s15], [sflag:$0x2] =	stream.indirect.gather [hbm4b:s6+s13], $0x40, s18, s13, $0xb8;
	[tilespmem:$0x14870] =	vst v63  }
0x131: {  	_ =	swait.ge [sflag:s16], $0xA00  }
0x132: {  	[sflag:s16] =	ssyncset.done $0x0  }
0x133: {  	s25 =	sadd.s32 $0x2710, s1;
	[sflag:s16] =	ssyncadd.s32 $0xFFFFF600  }
0x134: {  	[spmem:s2] =	stream.indirect.scatter.add.f32 [tilespmem:s14], [sflag:$0x3], $0x40, s25, s13, $0xb8;
	[tilespmem:$0x14870] =	vst v63  }
0x135: {  	_ =	swait.ge [sflag:s9], $0xA00  }
0x136: {  	[sflag:s9] =	ssyncset.done $0x0  }
0x137: {  	s26 =	sadd.s32 $0x50, s1;
	[sflag:s9] =	ssyncadd.s32 $0xFFFFF600  }
0x138: {  	[tilespmem:s14], [sflag:$0x1] =	stream.indirect.gather [hbm4b:s6+s13], $0x40, s26, s13, $0xb8;
	[tilespmem:$0x14870] =	vst v63  }
0x139: {  	_ =	swait.ge [sflag:s17], $0xA00  }
0x13a: {  	[sflag:s17] =	ssyncset.done $0x0  }
0x13b: {  	s24 =	sadd.s32 $0x2738, s1;
	[sflag:s17] =	ssyncadd.s32 $0xFFFFF600  }
0x13c: {  	[spmem:s2] =	stream.indirect.scatter.add.f32 [tilespmem:s15], [sflag:$0x3], $0x40, s24, s13, $0xb8;
	[tilespmem:$0x14870] =	vst v63  }
0x13d: {  	_ =	swait.ge [sflag:s9], $0xA00  }
0x13e: {  	[sflag:s9] =	ssyncset.done $0x0  }
0x13f: {  	s25 =	simm.s32 $0x26E8;
	[sflag:s9] =	ssyncadd.s32 $0xFFFFF600  }
0x140: {  	[tilespmem:s15], [sflag:$0x2] =	stream.indirect.gather [hbm4b:s6+s13], $0x40, s25, s13, $0xb8;
	[tilespmem:$0x14870] =	vst v63  }
0x141: {  	_ =	swait.ge [sflag:s16], $0xA00  }
0x142: {  	[sflag:s16] =	ssyncset.done $0x0  }
0x143: {  	[sflag:s16] =	ssyncadd.s32 $0xFFFFF600  }
0x144: {  	[spmem:s2] =	stream.indirect.scatter.add.f32 [tilespmem:s14], [sflag:$0x3], $0x40, s21, s13, $0xb8;
	[tilespmem:$0x14870] =	vst v63  }
0x145: {  	_ =	swait.ge [sflag:s9], $0xA00  }
0x146: {  	[sflag:s9] =	ssyncset.done $0x0  }
0x147: {  	[sflag:s9] =	ssyncadd.s32 $0xFFFFF600  }
0x148: {  	_ =	swait.ge [sflag:s17], $0xA00  }
0x149: {  	[sflag:s17] =	ssyncset.done $0x0  }
0x14a: {  	[sflag:s17] =	ssyncadd.s32 $0xFFFFF600  }
0x14b: {  	[spmem:s2] =	stream.indirect.scatter.add.f32 [tilespmem:s15], [sflag:$0x3], $0x40, s22, s13, $0xb8;
	[tilespmem:$0x14870] =	vst v63  }
0x14c: {  	_ =	swait.ge [sflag:s9], $0xA00  }
0x14d: {  	[sflag:s9] =	ssyncset.done $0x0  }
0x14e: {  	[sflag:s9] =	ssyncadd.s32 $0xFFFFF600  }
0x14f: {  	[bflag:$0x0] =	sbarrier.arrive $0xFFFF  }
0x150: {  	s26 =	rddreg [dreg:$0xc]  }
0x151: {  	[hbm:s26], [sflag:s29] =	dma.local [spmem:s30], $0x1380  }
0x152: {  	_ =	swait.ge [sflag:s9], $0x1380  }
0x153: {  	[sflag:s9] =	ssyncset.done $0x0  }
0x154: {  	s1 =	rddreg [dreg:$0xd];
	[sflag:s9] =	ssyncadd.s32 $0xFFFFEC80  }
0x155: {  	[hbm:s1], [sflag:s29] =	dma.local @!p0 [spmem:s31], $0x80  }
0x156: {  	s1 =	simm.s32 @!p0 $0x3  }
0x157: {  	_ =	swait.ge @!p0 [sflag:s1], $0x80  }
0x158: {  	s28 =	sadd.s32 $0x1, s28;
	s31 =	rddreg [dreg:$0x16]  }
0x159: {  	p1 =	sne.s32 s28, s31  }
.Ltmp2:
0x15a: {  	_ = 	snop;
	(pc) =	sbr.rel @p1 .LBB2_1-.Ltmp2, $3  }
0x15b: {  	_ =	sdelay $0x1  }
0x15c: {  	[sflag:s1] =	ssyncset.done @!p0 $0x0  }
0x15d: {  	s25 =	smov.u32 s19;
	s26 =	smov.u32 s20;
	[sflag:s1] =	ssyncadd.s32 @!p0 $0xFFFFFF80  }
0x15e: {  	_ =	sfence.sel $0x180000  }
0x15f: {  	[bflag:$0x0] =	sbarrier.arrive $0xFFFF  }
0x160: {  	_ =	strace $0x9000004A  }
0x161: {  	s0 =	stileid.u32;
	[bflag:$0x2] =	sbarrier.arrive $0xFFFF  }
0x162: {  	p0 =	sne.s32 s0, $0x0;
	s0 =	rddreg [dreg:$0x3]  }
0x163: {  	s0 =	sadd.s32 @!p0 $0x100000, s0  }
0x164: {  	[sflag:s0] =	ssyncadd.tile.s32 @!p0 $0x1;
	_ =	shalt  }
.Lfunc_end2:
_tile_overlayer_lowered:
.L_overlay_start_2:
0x165: {  	(tag) =	ssettag $0x2  }
0x166: {  	s0 =	rddreg [dreg:$0x0];
	s2 =	stileid.u32  }
0x167: {  	s1 =	rddreg [dreg:$0x1];
	p0 =	sne.s32 s2, $0x0  }
0x168: {  	s3 =	rddreg [dreg:$0x2];
	[bflag:$0x3] =	sbarrier.arrive $0xFFFF;
	s2 =	simm.s32 @!p0 $0x1C03  }
0x169: {  	[timem:s3], [sflag:s2] =	dma.local @!p0 [hbm:s0], s1  }
0x16a: {  	s0 =	simm.s32 @!p0 $0x3  }
0x16b: {  	_ =	swait.ge @!p0 [sflag:s0], s1  }
0x16c: {  	s1 =	ssub.s32 @!p0 $0x0, s1;
	[sflag:s0] =	ssyncset.done @!p0 $0x0  }
0x16d: {  	[sflag:s0] =	ssyncadd.s32 @!p0 s1  }
0x16e: {  	[bflag:$0x3] =	sbarrier.arrive $0xFFFF  }
0x16f: {  	_ =	shalt  }

// kernel: kernel.8.cloned.1.call-start
scs
__scs_entry_jumppad:
0x0: {  	(pc) =	sbr.rel $0x88, $3  }
0x1: {  	(tag) =	ssettag $0x0;
	lr =	simm.s32 $0x1  }
0x2: {  	[smem:$0x3F95] =	sst lr;
	_ =	strace $0xD0000000  }
0x3: {  	_ = 	snop  }
0x4: {  	_ = 	snop  }
0x5: {  	_ = 	snop  }
0x6: {  	_ = 	snop  }
0x7: {  	_ = 	snop  }
__scs_overlays_trampoline_lowered:
0x8: {  	[smem:$0x3FA4] =	sst s0  }
0x9: {  	[smem:$0x3FA5] =	sst s1  }
0xa: {  	[smem:$0x3FA6] =	sst s2  }
0xb: {  	[smem:$0x3FA7] =	sst s3  }
0xc: {  	[smem:$0x3FA8] =	sst s4  }
0xd: {  	[smem:$0x3FA9] =	sst s5  }
0xe: {  	[smem:$0x3FAA] =	sst s6  }
0xf: {  	[smem:$0x3FAB] =	sst s7  }
0x10: {  	[smem:$0x3FAC] =	sst s8  }
0x11: {  	[smem:$0x3FAD] =	sst s9;
	s0 =	simm.s32 @!p0 $0x0  }
0x12: {  	s1 =	sld [smem:$0x3F93];
	s0 =	simm.s32 @p0 $0x1  }
0x13: {  	[smem:$0x3FAE] =	sst s0;
	s0 =	simm.s32 @!p1 $0x0  }
0x14: {  	s2 =	sld [smem:$0x3F92];
	s0 =	simm.s32 @p1 $0x1  }
0x15: {  	[smem:$0x3FAF] =	sst s0;
	s0 =	simm.s32 @!p2 $0x0  }
0x16: {  	s3 =	sld [smem:$0x3FDB];
	s0 =	simm.s32 @p2 $0x1  }
0x17: {  	s4 =	simm.s32 $0x1BF5;
	[smem:$0x3FB1] =	sst s0  }
0x18: {  	s0 =	sld [smem:$0x3F94];
	_ =	swait.ge [sflag:s4], $0x0  }
0x19: {  	s7 =	sld [smem:$0x3F95]  }
0x1a: {  	s8 =	sadd.s32 $0xFFFFE003, lr  }
0x1b: {  	s9 =	sadd.s32 $0xFFFFFEF7, lr;
	s5 =	simm.s32 $0xFFFFFFFF;
	p2 =	slt.u32 s8, $0xFFFFF086  }
0x1c: {  	p1 =	slt.u32 s9, $0xF7A;
	s5 =	simm.s32 @!p2 $0x0  }
0x1d: {  	s5 =	simm.s32 @p1 $0x1;
	p0 =	seq.s32 s7, s2  }
0x1e: {  	s7 =	smul.u32 @!p0 $0xF7A, s2;
	p2 =	seq.s32 @!p0 s5, $0x0  }
0x1f: {  	s9 =	smul.u32 $0xF7A, s1;
	s8 =	simm.s32 @!p0 $0x1BF5;
	p2 =	por !p2, p0  }
0x20: {  	[sflag:s8] =	ssyncset.s32 @!p0 $0xFFFFF086;
	s6 =	sadd.s32 @!p0 s3, s7;
	s7 =	simm.s32 @!p0 $0x108  }
0x21: {  	s3 =	sadd.s32 s3, s9;
	s6 =	sadd.s32 @!p0 $0x88, s6;
	s7 =	simm.s32 @p2 $0x1082  }
0x22: {  	[simem:s7], [sflag:s8] =	dma.local @!p0 [hbm:s6], $0xF7A  }
0x23: {  	s9 =	sor.u32 $0xD0000000, s2;
	s6 =	simm.s32 $0x108;
	_ =	swait.ge @!p0 [sflag:s8], $0x0  }
0x24: {  	s3 =	sadd.s32 $0x88, s3;
	s6 =	simm.s32 @!p1 $0x1082;
	[sflag:s4] =	ssyncset.s32 $0xFFFFF086  }
0x25: {  	[simem:s6], [sflag:s4] =	dma.local [hbm:s3], $0xF7A  }
0x26: {  	[smem:$0x3F95] =	sst s1;
	(tag) =	ssettag s2;
	_ =	strace s9  }
0x27: {  	s1 =	sld [smem:$0x3FA5]  }
0x28: {  	s2 =	sld [smem:$0x3FA6]  }
0x29: {  	s4 =	sld [smem:$0x3FA8]  }
0x2a: {  	p0 =	seq.s32 s5, $0x0;
	s5 =	sld [smem:$0x3FA9]  }
0x2b: {  	s6 =	sld [smem:$0x3FAA]  }
0x2c: {  	s7 =	sld [smem:$0x3FAB]  }
0x2d: {  	s3 =	simm.s32 $0x108;
	s8 =	sld [smem:$0x3FAC]  }
0x2e: {  	s3 =	simm.s32 @!p0 $0x1082;
	s9 =	sld [smem:$0x3FAD]  }
0x2f: {  	lr =	sadd.s32 s0, s3;
	s0 =	sld [smem:$0x3FA4]  }
0x30: {  	s3 =	sld [smem:$0x3FA7]  }
0x31: {  	[smem:$0x3FB0] =	sst s10  }
0x32: {  	s10 =	sld [smem:$0x3FAE];
	_ =	sdelay $0x3  }
0x33: {  	p0 =	seq.s32 s10, $0x1;
	s10 =	sld [smem:$0x3FB0];
	_ =	sdelay $0x3  }
0x34: {  	[smem:$0x3FB0] =	sst s10  }
0x35: {  	s10 =	sld [smem:$0x3FAF];
	_ =	sdelay $0x3  }
0x36: {  	p1 =	seq.s32 s10, $0x1;
	s10 =	sld [smem:$0x3FB0];
	_ =	sdelay $0x3  }
0x37: {  	[smem:$0x3FB0] =	sst s10  }
0x38: {  	s10 =	sld [smem:$0x3FB1]  }
0x39: {  	_ = 	snop;
	(pc) =	sbr.ind lr, $3  }
0x3a: {  	_ = 	snop  }
0x3b: {  	_ = 	snop  }
0x3c: {  	p2 =	seq.s32 s10, $0x1;
	s10 =	sld [smem:$0x3FB0]  }
0x3d: {  	_ =	shalt  }
0x3e: {  	_ =	shalt  }
0x3f: {  	_ =	shalt  }
0x40: {  	_ =	shalt  }
0x41: {  	_ =	shalt  }
0x42: {  	_ =	shalt  }
0x43: {  	_ =	shalt  }
0x44: {  	_ =	shalt  }
0x45: {  	_ =	shalt  }
0x46: {  	_ =	shalt  }
0x47: {  	_ =	shalt  }
0x48: {  	_ =	shalt  }
0x49: {  	_ =	shalt  }
0x4a: {  	_ =	shalt  }
0x4b: {  	_ =	shalt  }
0x4c: {  	_ =	shalt  }
0x4d: {  	_ =	shalt  }
0x4e: {  	_ =	shalt  }
0x4f: {  	_ =	shalt  }
0x50: {  	_ =	shalt  }
0x51: {  	_ =	shalt  }
0x52: {  	_ =	shalt  }
0x53: {  	_ =	shalt  }
0x54: {  	_ =	shalt  }
0x55: {  	_ =	shalt  }
0x56: {  	_ =	shalt  }
0x57: {  	_ =	shalt  }
0x58: {  	_ =	shalt  }
0x59: {  	_ =	shalt  }
0x5a: {  	_ =	shalt  }
0x5b: {  	_ =	shalt  }
0x5c: {  	_ =	shalt  }
0x5d: {  	_ =	shalt  }
0x5e: {  	_ =	shalt  }
0x5f: {  	_ =	shalt  }
0x60: {  	_ =	shalt  }
0x61: {  	_ =	shalt  }
0x62: {  	_ =	shalt  }
0x63: {  	_ =	shalt  }
0x64: {  	_ =	shalt  }
0x65: {  	_ =	shalt  }
0x66: {  	_ =	shalt  }
0x67: {  	_ =	shalt  }
0x68: {  	_ =	shalt  }
0x69: {  	_ =	shalt  }
0x6a: {  	_ =	shalt  }
0x6b: {  	_ =	shalt  }
0x6c: {  	_ =	shalt  }
0x6d: {  	_ =	shalt  }
0x6e: {  	_ =	shalt  }
0x6f: {  	_ =	shalt  }
0x70: {  	_ =	shalt  }
0x71: {  	_ =	shalt  }
0x72: {  	_ =	shalt  }
0x73: {  	_ =	shalt  }
0x74: {  	_ =	shalt  }
0x75: {  	_ =	shalt  }
0x76: {  	_ =	shalt  }
0x77: {  	_ =	shalt  }
0x78: {  	_ =	shalt  }
0x79: {  	_ =	shalt  }
0x7a: {  	_ =	shalt  }
0x7b: {  	_ =	shalt  }
0x7c: {  	_ =	shalt  }
0x7d: {  	_ =	shalt  }
0x7e: {  	_ =	shalt  }
0x7f: {  	_ =	shalt  }
0x80: {  	_ =	shalt  }
0x81: {  	_ =	shalt  }
0x82: {  	_ =	shalt  }
0x83: {  	_ =	shalt  }
0x84: {  	_ =	shalt  }
0x85: {  	_ =	shalt  }
0x86: {  	_ =	shalt  }
0x87: {  	_ =	shalt  }
.Lfunc_end0:
.L_simem_size_0:
called_computation_lowered:
.L_overlay_start_0:
0x88: {  	s2 =	sld [smem:$0x3FD9]  }
0x89: {  	s3 =	sld [smem:$0x3FFE];
	_ =	sdelay $0x1  }
0x8a: {  	s1 =	srdreg.scid  }
0x8b: {  	s0 =	sand.u32 $0x1, s1  }
0x8c: {  	s16 =	sshll.u32 s0, $0xA;
	s2 =	sadd.s32 s3, s2  }
0x8d: {  	s2 =	sadd.s32 s2, s16  }
0x8e: {  	[smem:$0x3FBC] =	sst s2  }
0x8f: {  	_ = 	snop  }
0x90: {  	(tm) =	ssettm $0x1  }
0x91: {  	s17 =	sld [smem:$0x3FFB];
	_ =	sdelay $0x3  }
0x92: {  	_ =	strace s17  }
0x93: {  	s2 =	sld [smem:$0x3FFC];
	_ =	sdelay $0x3  }
0x94: {  	_ =	strace s2  }
0x95: {  	s2 =	sld [smem:$0x3FFD];
	_ =	sdelay $0x3  }
0x96: {  	_ =	strace s2  }
0x97: {  	_ =	strace $0x8FFFFFFF  }
0x98: {  	s18 =	sld [smem:$0x3FDB];
	_ =	sdelay $0x1  }
0x99: {  	s19 =	simm.s32 $_scs_section_size  }
0x9a: {  	s4 =	simm.s32 $_size__tile_overlayer_lowered;
	s5 =	simm.s32 $_tile_overlayer_lowered  }
0x9b: {  	s22 =	simm.s32 $0x1BFF;
	s21 =	sshll.u32 s5, $0x1;
	s2 =	sadd.s32 s19, s18  }
0x9c: {  	s6 =	simm.s32 $0x0;
	s20 =	sshll.u32 s4, $0x1;
	s4 =	sadd.s32 s21, s2  }
0x9d: {  	[timem:s6], [sflag:s22] =	dma.local [hbm:s4], s20  }
0x9e: {  	_ =	swait.ge [sflag:s22], s20  }
0x9f: {  	s3 =	ssub.s32 $0x0, s20;
	[sflag:s22] =	ssyncset.done $0x0  }
0xa0: {  	[sflag:s22] =	ssyncadd.s32 s3;
	_ =	sdelay $0x1  }
0xa1: {  	s23 =	simm.s32 $0x1B8B  }
0xa2: {  	_ =	swait.ge [sflag:s23], $0x1  }
0xa3: {  	[sflag:s23] =	ssyncset.done $0x0  }
0xa4: {  	s25 =	simm.s32 $0x1B8E;
	s24 =	sld [smem:$0x3FFE];
	[sflag:s23] =	ssyncadd.s32 $0xFFFFFFFF  }
0xa5: {  	s26 =	simm.s32 $execute0_lowered;
	[smem:$0x3FD2] =	sst s25  }
0xa6: {  	s4 =	sshll.u32 s26, $0x1;
	_ =	strace $0x80000046;
	[dreg:$0x1] =	wrdreg $0xFFFFFFFF  }
0xa7: {  	s28 =	simm.s32 $_size_execute0_lowered;
	s2 =	sadd.s32 s2, s4;
	[dreg:$0x0] =	wrdreg $0x0  }
0xa8: {  	s4 =	sshll.u32 s28, $0x1;
	[dreg:$0x2] =	wrdreg s2  }
0xa9: {  	[dreg:$0x3] =	wrdreg s4  }
0xaa: {  	[dreg:$0x4] =	wrdreg $0xC0  }
0xab: {  	_ =	task [dreg:s6], $0x5FFFF  }
0xac: {  	[dreg:$0x1] =	wrdreg $0xFFFFFFFF  }
0xad: {  	[dreg:$0x0] =	wrdreg $0x60  }
0xae: {  	[dreg:$0x2] =	wrdreg s24  }
0xaf: {  	[dreg:$0x3] =	wrdreg $0x7C200  }
0xb0: {  	[dreg:$0x4] =	wrdreg $0x121600  }
0xb1: {  	[dreg:$0x5] =	wrdreg $0x9  }
0xb2: {  	_ =	task.clear_ibuf [dreg:s6], $0x6FFFF;
	_ =	strace $0x90000046  }
0xb3: {  	s29 =	simm.s32 $0x9;
	_ =	strace $0x80000048  }
0xb4: {  	_ =	swait.ge [sflag:s29], $0x1  }
0xb5: {  	[sflag:s29] =	ssyncadd.s32 $0xFFFFFFFF  }
0xb6: {  	_ =	strace $0x90000048  }
0xb7: {  	_ =	sfence  }
0xb8: {  	s30 =	sld [smem:$0x0];
	_ =	sdelay $0x2  }
0xb9: {  	s31 =	sshll.u32 s1, $0xD;
	s1 =	sshrl.u32 s1, $0x2  }
0xba: {  	s3 =	sand.u32 $0x4000, s31;
	s1 =	sadd.s32 s1, s30  }
0xbb: {  	s0 =	sor.u32 s3, s0;
	s1 =	sshll.u32 s1, $0x11  }
0xbc: {  	s0 =	sor.u32 s1, s0  }
0xbd: {  	s0 =	sadd.s32 $0x8F2B, s0  }
0xbe: {  	[sflag:s0] =	ssyncadd.remote.s32 $0x1  }
0xbf: {  	_ =	sfence.sel $0xFFFF  }
0xc0: {  	[dreg:$0x0] =	wrdreg $0xFFFFFFFF;
	(pc) =	sbr.abs _section_cstart, $3  }
0xc1: {  	[dreg:$0x1] =	wrdreg $0xFFFFFFFF  }
0xc2: {  	_ =	task.clear_ibuf [dreg:s6], $0x2FFFF;
	_ =	strace $0x9FFFFFFF  }
0xc3: {  	(tm) =	ssettm $0x7FFFFFFF  }
tec
execute0_lowered:
.L_overlay_start_1:
0x0: {  	(tag) =	ssettag $0x1  }
0x1: {  	s0 =	rddreg [dreg:$0x0]  }
0x2: {  	s2 =	rddreg [dreg:$0x1];
	s1 =	srdreg.scid  }
0x3: {  	s24 =	stileid.u32;
	s3 =	rddreg [dreg:$0x2]  }
0x4: {  	s4 =	simm.s32 $0x0;
	s28 =	simm.s32 $0x0;
	s1 =	sand.u32 $0x1, s1  }
0x5: {  	s5 =	sshll.u32 s24, $0x1;
	[smem:$0x7FF] =	sst s4;
	s6 =	sadd.s32 $0x2A400, s0  }
0x6: {  	s8 =	sadd.s32 $0x65400, s0;
	s17 =	sadd.s32 $0x65800, s0;
	s19 =	smul.u32 $0x270, s24  }
0x7: {  	s18 =	sadd.s32 $0x65A00, s0;
	s9 =	sadd.s32 $0x96C00, s0;
	s11 =	smul.u32 $0x9C00, s24  }
0x8: {  	s13 =	sadd.s32 $0x6FA00, s0;
	s14 =	smul.u32 $0x2700, s24;
	s5 =	sor.u32 s1, s5  }
0x9: {  	_ =	strace $0x80000047;
	[dreg:$0x4] =	wrdreg s8;
	s15 =	smul.u32 $0x9C400, s1  }
0xa: {  	[dreg:$0x5] =	wrdreg s17;
	s10 =	ssub.s32 $0x2, s1;
	s1 =	smul.u32 $0x27100, s1  }
0xb: {  	p0 =	sne.s32 s24, $0xF;
	[dreg:$0x6] =	wrdreg s18;
	s7 =	smul.u32 $0x4E2, s5  }
0xc: {  	s5 =	sadd.s32 $0x3DE00, s0;
	s12 =	sshrl.u32 s10, $0x1;
	s16 =	sadd.s32 $0x68, s19  }
0xd: {  	s17 =	sadd.s32 $0xD0, s19;
	s30 =	sadd.s32 $0x138, s19;
	s31 =	sadd.s32 $0x1A0, s19  }
0xe: {  	s8 =	sadd.s32 $0x208, s19;
	s10 =	ssub.s32 s10, s12;
	s12 =	sadd.s32 s11, s2  }
0xf: {  	s21 =	sshll.u32 s16, $0x6;
	s11 =	sadd.s32 s11, s15;
	s18 =	sadd.s32 s14, s1  }
0x10: {  	s15 =	sshrl.u32 s15, $0x3;
	s1 =	sshrl.u32 s1, $0x3;
	s7 =	sadd.s32 s7, s0  }
0x11: {  	s29 =	sshll.u32 s17, $0x6;
	s0 =	sadd.s32 $0x65C00, s0;
	s20 =	sadd.s32 $0x5B600, s7  }
0x12: {  	s18 =	sshrl.u32 s18, $0x3;
	s7 =	sadd.s32 $0x51800, s7;
	[dreg:$0x7] =	wrdreg s20  }
0x13: {  	s11 =	sshrl.u32 s11, $0x3;
	s18 =	sadd.s32 s0, s18;
	[dreg:$0x8] =	wrdreg s7  }
0x14: {  	s15 =	sadd.s32 $0x13800, s15;
	s22 =	sadd.s32 s9, s11;
	[dreg:$0x9] =	wrdreg s18  }
0x15: {  	s0 =	sadd.s32 s0, s1;
	s23 =	sadd.s32 s9, s15;
	[dreg:$0xa] =	wrdreg s22  }
0x16: {  	s25 =	sadd.s32 s13, s11;
	s26 =	sadd.s32 s13, s15;
	[dreg:$0xb] =	wrdreg s23  }
0x17: {  	s13 =	sshll.u32 s30, $0x6;
	s15 =	sshll.u32 s31, $0x6;
	[dreg:$0xc] =	wrdreg s25  }
0x18: {  	s1 =	sshll.u32 s30, $0x4;
	s11 =	simm.s32 $0x11860;
	[dreg:$0xd] =	wrdreg s26  }
0x19: {  	s25 =	sadd.s32 s21, s2;
	s26 =	sadd.s32 s29, s2;
	s9 =	sadd.s32 s13, s2  }
0x1a: {  	s18 =	sshll.u32 s8, $0x6;
	s20 =	sshll.u32 s16, $0x4;
	s23 =	sadd.s32 s14, s3  }
0x1b: {  	s21 =	sshll.u32 s17, $0x4;
	s7 =	sshll.u32 s31, $0x4;
	s1 =	sadd.s32 s1, s3  }
0x1c: {  	s29 =	sshll.u32 s8, $0x4;
	s30 =	sadd.s32 $0x4920, s0;
	[dreg:$0xe] =	wrdreg s9  }
0x1d: {  	s0 =	sadd.s32 $0x4E00, s0;
	s31 =	smax.u32 s10, $0x1;
	[dreg:$0x11] =	wrdreg s1  }
0x1e: {  	s8 =	simm.s32 $0x6220;
	s10 =	simm.s32 $0x11AE0;
	[dreg:$0x14] =	wrdreg s30  }
0x1f: {  	s13 =	simm.s32 $0x28;
	s14 =	simm.s32 $0x4E20;
	[dreg:$0x15] =	wrdreg s0  }
0x20: {  	s16 =	simm.s32 $0x1;
	s9 =	sadd.s32 s15, s2;
	[dreg:$0x16] =	wrdreg s31  }
0x21: {  	s17 =	simm.s32 $0x2;
	s19 =	sadd.s32 s18, s2;
	[dreg:$0x17] =	wrdreg s9  }
0x22: {  	s22 =	sadd.s32 s7, s3;
	s1 =	sadd.s32 s29, s3;
	[dreg:$0x18] =	wrdreg s19  }
0x23: {  	s0 =	sadd.s32 $0x9C000, s2;
	s7 =	sadd.s32 $0x27000, s3;
	[dreg:$0x12] =	wrdreg s22  }
0x24: {  	s15 =	simm.s32 $0x5820;
	s9 =	sadd.s32 s20, s3;
	[dreg:$0x13] =	wrdreg s1  }
0x25: {  	s22 =	simm.s32 $0x4DF8;
	[dreg:$0xf] =	wrdreg s9;
	s9 =	sadd.s32 s21, s3  }
0x26: {  	s21 =	simm.s32 $0x4DD0;
	[dreg:$0x10] =	wrdreg s9;
	s9 =	simm.s32 $0x3  }
.LBB2_1:
0x27: {  	s1 =	rddreg [dreg:$0x4]  }
0x28: {  	[tilespmem:s8], [sflag:$0x3] =	stream.linear.gather [hbm4b:s1+s4], $0x1A00, $0x38;
	[tilespmem:$0x14870] =	vst v63  }
0x29: {  	_ =	swait.ge [sflag:s9], $0x1A00  }
0x2a: {  	[sflag:s9] =	ssyncset.done $0x0  }
0x2b: {  	s19 =	rddreg [dreg:$0x5];
	[sflag:s9] =	ssyncadd.s32 $0xFFFFE600  }
0x2c: {  	[tilespmem:s10], [sflag:$0x3] =	stream.linear.gather [hbm4b:s19+s4], $0x680, $0x38;
	[tilespmem:$0x14870] =	vst v63  }
0x2d: {  	_ =	swait.ge [sflag:s9], $0x680  }
0x2e: {  	[sflag:s9] =	ssyncset.done $0x0  }
0x2f: {  	s20 =	rddreg [dreg:$0x6];
	[sflag:s9] =	ssyncadd.s32 $0xFFFFF980  }
0x30: {  	[tilespmem:s11], [sflag:$0x3] =	stream.linear.gather [hbm4b:s20+s4], $0x280, $0x38;
	[tilespmem:$0x14870] =	vst v63  }
0x31: {  	_ =	swait.ge [sflag:s9], $0x280  }
0x32: {  	[sflag:s9] =	ssyncset.done $0x0  }
0x33: {  	s24 =	rddreg [dreg:$0x7];
	[sflag:s9] =	ssyncadd.s32 $0xFFFFFD80  }
0x34: {  	[tilespmem:s4], [sflag:$0x3] =	stream.linear.gather [hbm4b:s24+s4], $0x2710, $0x38;
	[tilespmem:$0x14870] =	vst v63  }
0x35: {  	_ =	swait.ge [sflag:s9], $0x2710  }
0x36: {  	[sflag:s9] =	ssyncset.done $0x0  }
0x37: {  	s18 =	simm.s32 $0x2710;
	s30 =	rddreg [dreg:$0x8];
	[sflag:s9] =	ssyncadd.s32 $0xFFFFD8F0  }
0x38: {  	[tilespmem:s18], [sflag:$0x3] =	stream.linear.gather [hbm4b:s30+s4], $0x2710, $0x38;
	[tilespmem:$0x14870] =	vst v63  }
0x39: {  	_ =	swait.ge [sflag:s9], $0x2710  }
0x3a: {  	[sflag:s9] =	ssyncset.done $0x0  }
0x3b: {  	[sflag:s9] =	ssyncadd.s32 $0xFFFFD8F0  }
0x3c: {  	[spmem:s12] =	stream.linear.scatter [tilespmem:s8], [sflag:$0x3], $0x1A00, $0x38;
	[tilespmem:$0x14870] =	vst v63  }
0x3d: {  	_ =	swait.ge [sflag:s9], $0x1A00  }
0x3e: {  	[sflag:s9] =	ssyncset.done $0x0  }
0x3f: {  	[sflag:s9] =	ssyncadd.s32 $0xFFFFE600  }
0x40: {  	[spmem:s25] =	stream.linear.scatter [tilespmem:s8], [sflag:$0x3], $0x1A00, $0x38;
	[tilespmem:$0x14870] =	vst v63  }
0x41: {  	_ =	swait.ge [sflag:s9], $0x1A00  }
0x42: {  	[sflag:s9] =	ssyncset.done $0x0  }
0x43: {  	[sflag:s9] =	ssyncadd.s32 $0xFFFFE600  }
0x44: {  	[spmem:s26] =	stream.linear.scatter [tilespmem:s8], [sflag:$0x3], $0x1A00, $0x38;
	[tilespmem:$0x14870] =	vst v63  }
0x45: {  	_ =	swait.ge [sflag:s9], $0x1A00  }
0x46: {  	[sflag:s9] =	ssyncset.done $0x0  }
0x47: {  	s31 =	rddreg [dreg:$0xe];
	[sflag:s9] =	ssyncadd.s32 $0xFFFFE600  }
0x48: {  	[spmem:s31] =	stream.linear.scatter [tilespmem:s8], [sflag:$0x3], $0x1A00, $0x38;
	[tilespmem:$0x14870] =	vst v63  }
0x49: {  	_ =	swait.ge [sflag:s9], $0x1A00  }
0x4a: {  	[sflag:s9] =	ssyncset.done $0x0  }
0x4b: {  	s18 =	rddreg [dreg:$0x17];
	[sflag:s9] =	ssyncadd.s32 $0xFFFFE600  }
0x4c: {  	[spmem:s18] =	stream.linear.scatter [tilespmem:s8], [sflag:$0x3], $0x1A00, $0x38;
	[tilespmem:$0x14870] =	vst v63  }
0x4d: {  	_ =	swait.ge [sflag:s9], $0x1A00  }
0x4e: {  	[sflag:s9] =	ssyncset.done $0x0  }
0x4f: {  	s19 =	rddreg [dreg:$0x18];
	[sflag:s9] =	ssyncadd.s32 $0xFFFFE600  }
0x50: {  	[spmem:s19] =	stream.linear.scatter [tilespmem:s8], [sflag:$0x3], $0x1A00, $0x38;
	[tilespmem:$0x14870] =	vst v63  }
0x51: {  	_ =	swait.ge [sflag:s9], $0x1A00  }
0x52: {  	[sflag:s9] =	ssyncset.done $0x0  }
0x53: {  	s1 =	simm.s32 @!p0 $0x6220;
	[sflag:s9] =	ssyncadd.s32 $0xFFFFE600  }
0x54: {  	[spmem:s0] =	stream.linear.scatter @!p0 [tilespmem:s1], [sflag:$0x3], $0x400, $0x38;
	[tilespmem:$0x14870] =	vst v63  }
0x55: {  	s1 =	simm.s32 @!p0 $0x3  }
0x56: {  	_ =	swait.ge @!p0 [sflag:s1], $0x400  }
0x57: {  	[sflag:s1] =	ssyncset.done @!p0 $0x0  }
0x58: {  	[sflag:s1] =	ssyncadd.s32 @!p0 $0xFFFFFC00  }
0x59: {  	[spmem:s23] =	stream.linear.scatter [tilespmem:s10], [sflag:$0x3], $0x680, $0x38;
	[tilespmem:$0x14870] =	vst v63  }
0x5a: {  	_ =	swait.ge [sflag:s9], $0x680  }
0x5b: {  	[sflag:s9] =	ssyncset.done $0x0  }
0x5c: {  	s20 =	rddreg [dreg:$0xf];
	[sflag:s9] =	ssyncadd.s32 $0xFFFFF980  }
0x5d: {  	[spmem:s20] =	stream.linear.scatter [tilespmem:s10], [sflag:$0x3], $0x680, $0x38;
	[tilespmem:$0x14870] =	vst v63  }
0x5e: {  	_ =	swait.ge [sflag:s9], $0x680  }
0x5f: {  	[sflag:s9] =	ssyncset.done $0x0  }
0x60: {  	s24 =	rddreg [dreg:$0x10];
	[sflag:s9] =	ssyncadd.s32 $0xFFFFF980  }
0x61: {  	[spmem:s24] =	stream.linear.scatter [tilespmem:s10], [sflag:$0x3], $0x680, $0x38;
	[tilespmem:$0x14870] =	vst v63  }
0x62: {  	_ =	swait.ge [sflag:s9], $0x680  }
0x63: {  	[sflag:s9] =	ssyncset.done $0x0  }
0x64: {  	s30 =	rddreg [dreg:$0x11];
	[sflag:s9] =	ssyncadd.s32 $0xFFFFF980  }
0x65: {  	[spmem:s30] =	stream.linear.scatter [tilespmem:s10], [sflag:$0x3], $0x680, $0x38;
	[tilespmem:$0x14870] =	vst v63  }
0x66: {  	_ =	swait.ge [sflag:s9], $0x680  }
0x67: {  	[sflag:s9] =	ssyncset.done $0x0  }
0x68: {  	s31 =	rddreg [dreg:$0x12];
	[sflag:s9] =	ssyncadd.s32 $0xFFFFF980  }
0x69: {  	[spmem:s31] =	stream.linear.scatter [tilespmem:s10], [sflag:$0x3], $0x680, $0x38;
	[tilespmem:$0x14870] =	vst v63  }
0x6a: {  	_ =	swait.ge [sflag:s9], $0x680  }
0x6b: {  	[sflag:s9] =	ssyncset.done $0x0  }
0x6c: {  	s19 =	rddreg [dreg:$0x13];
	[sflag:s9] =	ssyncadd.s32 $0xFFFFF980  }
0x6d: {  	[spmem:s19] =	stream.linear.scatter [tilespmem:s10], [sflag:$0x3], $0x680, $0x38;
	[tilespmem:$0x14870] =	vst v63  }
0x6e: {  	_ =	swait.ge [sflag:s9], $0x680  }
0x6f: {  	[sflag:s9] =	ssyncset.done $0x0  }
0x70: {  	s24 =	simm.s32 @!p0 $0x11AE0;
	[sflag:s9] =	ssyncadd.s32 $0xFFFFF980  }
0x71: {  	[spmem:s7] =	stream.linear.scatter @!p0 [tilespmem:s24], [sflag:$0x3], $0x100, $0x38;
	[tilespmem:$0x14870] =	vst v63  }
0x72: {  	_ =	swait.ge @!p0 [sflag:s1], $0x100  }
0x73: {  	[sflag:s1] =	ssyncset.done @!p0 $0x0  }
0x74: {  	[sflag:s1] =	ssyncadd.s32 @!p0 $0xFFFFFF00  }
0x75: {  	[bflag:$0x0] =	sbarrier.arrive $0xFFFF  }
0x76: {  	[tilespmem:s14], [sflag:$0x1] =	stream.indirect.gather [hbm4b:s5+s13], $0x40, s4, s13, $0xb8;
	[tilespmem:$0x14870] =	vst v63  }
0x77: {  	s20 =	simm.s32 $0x28  }
0x78: {  	[tilespmem:s15], [sflag:$0x2] =	stream.indirect.gather [hbm4b:s5+s13], $0x40, s20, s13, $0xb8;
	[tilespmem:$0x14870] =	vst v63  }
0x79: {  	_ =	swait.ge [sflag:s16], $0xA00  }
0x7a: {  	[sflag:s16] =	ssyncset.done $0x0  }
0x7b: {  	s24 =	simm.s32 $0x2710;
	[sflag:s16] =	ssyncadd.s32 $0xFFFFF600  }
0x7c: {  	[spmem:s2] =	stream.indirect.scatter.add.f32 [tilespmem:s14], [sflag:$0x3], $0x40, s24, s13, $0xb8;
	[tilespmem:$0x14870] =	vst v63  }
0x7d: {  	_ =	swait.ge [sflag:s9], $0xA00  }
0x7e: {  	[sflag:s9] =	ssyncset.done $0x0  }
0x7f: {  	[sflag:s9] =	ssyncadd.s32 $0xFFFFF600  }
0x80: {  	[spmem:s3] =	stream.indirect.scatter.add.f32 [tilespmem:s11], [sflag:$0x3], $0x10, s24, s13, $0xb8;
	[tilespmem:$0x14870] =	vst v63  }
0x81: {  	_ =	swait.ge [sflag:s9], $0x280  }
0x82: {  	[sflag:s9] =	ssyncset.done $0x0  }
0x83: {  	s30 =	simm.s32 $0x50;
	[sflag:s9] =	ssyncadd.s32 $0xFFFFFD80  }
0x84: {  	[tilespmem:s14], [sflag:$0x1] =	stream.indirect.gather [hbm4b:s5+s13], $0x40, s30, s13, $0xb8;
	[tilespmem:$0x14870] =	vst v63  }
0x85: {  	_ =	swait.ge [sflag:s17], $0xA00  }
0x86: {  	[sflag:s17] =	ssyncset.done $0x0  }
0x87: {  	s31 =	simm.s32 $0x2738;
	[sflag:s17] =	ssyncadd.s32 $0xFFFFF600  }
0x88: {  	[spmem:s2] =	stream.indirect.scatter.add.f32 [tilespmem:s15], [sflag:$0x3], $0x40, s31, s13, $0xb8;
	[tilespmem:$0x14870] =	vst v63  }
0x89: {  	_ =	swait.ge [sflag:s9], $0xA00  }
0x8a: {  	[sflag:s9] =	ssyncset.done $0x0  }
0x8b: {  	[sflag:s9] =	ssyncadd.s32 $0xFFFFF600  }
0x8c: {  	[spmem:s3] =	stream.indirect.scatter.add.f32 [tilespmem:s11], [sflag:$0x3], $0x10, s31, s13, $0xb8;
	[tilespmem:$0x14870] =	vst v63  }
0x8d: {  	_ =	swait.ge [sflag:s9], $0x280  }
0x8e: {  	s29 =	simm.s32 $0x50;
	s1 =	simm.s32 $0x280;
	[sflag:s9] =	ssyncset.done $0x0  }
.LBB2_2:
0x8f: {  	s24 =	sadd.s32 $0x28, s29  }
0x90: {  	[sflag:s9] =	ssyncadd.s32 $0xFFFFFD80;
	s30 =	smov.u32 s1;
	s31 =	sadd.s32 $0x140, s1  }
0x91: {  	[tilespmem:s15], [sflag:$0x2] =	stream.indirect.gather [hbm4b:s5+s13], $0x40, s24, s13, $0xb8;
	[tilespmem:$0x14870] =	vst v63  }
0x92: {  	p1 =	sne.s32 s1, $0x99C0;
	_ =	swait.ge [sflag:s16], $0xA00  }
0x93: {  	[sflag:s16] =	ssyncset.done $0x0  }
0x94: {  	s1 =	sadd.s32 $0x2710, s29;
	[sflag:s16] =	ssyncadd.s32 $0xFFFFF600  }
0x95: {  	[spmem:s2] =	stream.indirect.scatter.add.f32 [tilespmem:s14], [sflag:$0x3], $0x40, s1, s13, $0xb8;
	[tilespmem:$0x14870] =	vst v63  }
0x96: {  	_ =	swait.ge [sflag:s9], $0xA00  }
0x97: {  	[sflag:s9] =	ssyncset.done $0x0  }
0x98: {  	[sflag:s9] =	ssyncadd.s32 $0xFFFFF600  }
0x99: {  	[spmem:s3] =	stream.indirect.scatter.add.f32 [tilespmem:s11], [sflag:$0x3], $0x10, s1, s13, $0xb8;
	[tilespmem:$0x14870] =	vst v63  }
0x9a: {  	_ =	swait.ge [sflag:s9], $0x280  }
0x9b: {  	[sflag:s9] =	ssyncset.done $0x0  }
0x9c: {  	s1 =	sadd.s32 $0x50, s29;
	[sflag:s9] =	ssyncadd.s32 $0xFFFFFD80  }
0x9d: {  	[tilespmem:s14], [sflag:$0x1] =	stream.indirect.gather [hbm4b:s5+s13], $0x40, s1, s13, $0xb8;
	[tilespmem:$0x14870] =	vst v63  }
0x9e: {  	_ =	swait.ge [sflag:s17], $0xA00  }
0x9f: {  	[sflag:s17] =	ssyncset.done $0x0  }
0xa0: {  	s1 =	sadd.s32 $0x2738, s29;
	[sflag:s17] =	ssyncadd.s32 $0xFFFFF600  }
0xa1: {  	[spmem:s2] =	stream.indirect.scatter.add.f32 [tilespmem:s15], [sflag:$0x3], $0x40, s1, s13, $0xb8;
	[tilespmem:$0x14870] =	vst v63  }
0xa2: {  	_ =	swait.ge [sflag:s9], $0xA00  }
.Ltmp0:
0xa3: {  	[sflag:s9] =	ssyncset.done $0x0;
	(pc) =	sbr.rel @p1 .LBB2_2-.Ltmp0, $4  }
0xa4: {  	[sflag:s9] =	ssyncadd.s32 $0xFFFFF600  }
0xa5: {  	[spmem:s3] =	stream.indirect.scatter.add.f32 [tilespmem:s11], [sflag:$0x3], $0x10, s1, s13, $0xb8;
	[tilespmem:$0x14870] =	vst v63  }
0xa6: {  	_ =	swait.ge [sflag:s9], $0x280  }
0xa7: {  	s29 =	sshra.s32 s30, $0x2;
	s1 =	smov.u32 s31;
	[sflag:s9] =	ssyncset.done $0x0  }
0xa8: {  	s1 =	sadd.s32 $0x28, s29;
	[sflag:s9] =	ssyncadd.s32 $0xFFFFFD80  }
0xa9: {  	[tilespmem:s15], [sflag:$0x2] =	stream.indirect.gather [hbm4b:s5+s13], $0x40, s1, s13, $0xb8;
	[tilespmem:$0x14870] =	vst v63  }
0xaa: {  	_ =	swait.ge [sflag:s16], $0xA00  }
0xab: {  	[sflag:s16] =	ssyncset.done $0x0  }
0xac: {  	s18 =	sadd.s32 $0x2710, s29;
	[sflag:s16] =	ssyncadd.s32 $0xFFFFF600  }
0xad: {  	[spmem:s2] =	stream.indirect.scatter.add.f32 [tilespmem:s14], [sflag:$0x3], $0x40, s18, s13, $0xb8;
	[tilespmem:$0x14870] =	vst v63  }
0xae: {  	_ =	swait.ge [sflag:s9], $0xA00  }
0xaf: {  	[sflag:s9] =	ssyncset.done $0x0  }
0xb0: {  	[sflag:s9] =	ssyncadd.s32 $0xFFFFF600  }
0xb1: {  	[spmem:s3] =	stream.indirect.scatter.add.f32 [tilespmem:s11], [sflag:$0x3], $0x10, s18, s13, $0xb8;
	[tilespmem:$0x14870] =	vst v63  }
0xb2: {  	_ =	swait.ge [sflag:s9], $0x280  }
0xb3: {  	[sflag:s9] =	ssyncset.done $0x0  }
0xb4: {  	s19 =	sadd.s32 $0x50, s29;
	[sflag:s9] =	ssyncadd.s32 $0xFFFFFD80  }
0xb5: {  	[tilespmem:s14], [sflag:$0x1] =	stream.indirect.gather [hbm4b:s5+s13], $0x40, s19, s13, $0xb8;
	[tilespmem:$0x14870] =	vst v63  }
0xb6: {  	_ =	swait.ge [sflag:s17], $0xA00  }
0xb7: {  	[sflag:s17] =	ssyncset.done $0x0  }
0xb8: {  	s20 =	sadd.s32 $0x2738, s29;
	[sflag:s17] =	ssyncadd.s32 $0xFFFFF600  }
0xb9: {  	[spmem:s2] =	stream.indirect.scatter.add.f32 [tilespmem:s15], [sflag:$0x3], $0x40, s20, s13, $0xb8;
	[tilespmem:$0x14870] =	vst v63  }
0xba: {  	_ =	swait.ge [sflag:s9], $0xA00  }
0xbb: {  	[sflag:s9] =	ssyncset.done $0x0  }
0xbc: {  	[sflag:s9] =	ssyncadd.s32 $0xFFFFF600  }
0xbd: {  	[spmem:s3] =	stream.indirect.scatter.add.f32 [tilespmem:s11], [sflag:$0x3], $0x10, s20, s13, $0xb8;
	[tilespmem:$0x14870] =	vst v63  }
0xbe: {  	_ =	swait.ge [sflag:s9], $0x280  }
0xbf: {  	[sflag:s9] =	ssyncset.done $0x0  }
0xc0: {  	s24 =	simm.s32 $0x26E8;
	[sflag:s9] =	ssyncadd.s32 $0xFFFFFD80  }
0xc1: {  	[tilespmem:s15], [sflag:$0x2] =	stream.indirect.gather [hbm4b:s5+s13], $0x40, s24, s13, $0xb8;
	[tilespmem:$0x14870] =	vst v63  }
0xc2: {  	_ =	swait.ge [sflag:s16], $0xA00  }
0xc3: {  	[sflag:s16] =	ssyncset.done $0x0  }
0xc4: {  	s18 =	simm.s32 $0x4DD0;
	[sflag:s16] =	ssyncadd.s32 $0xFFFFF600  }
0xc5: {  	[spmem:s2] =	stream.indirect.scatter.add.f32 [tilespmem:s14], [sflag:$0x3], $0x40, s18, s13, $0xb8;
	[tilespmem:$0x14870] =	vst v63  }
0xc6: {  	_ =	swait.ge [sflag:s9], $0xA00  }
0xc7: {  	[sflag:s9] =	ssyncset.done $0x0  }
0xc8: {  	[sflag:s9] =	ssyncadd.s32 $0xFFFFF600  }
0xc9: {  	[spmem:s3] =	stream.indirect.scatter.add.f32 [tilespmem:s11], [sflag:$0x3], $0x10, s18, s13, $0xb8;
	[tilespmem:$0x14870] =	vst v63  }
0xca: {  	_ =	swait.ge [sflag:s9], $0x280  }
0xcb: {  	[sflag:s9] =	ssyncset.done $0x0  }
0xcc: {  	[sflag:s9] =	ssyncadd.s32 $0xFFFFFD80  }
0xcd: {  	_ =	swait.ge [sflag:s17], $0xA00  }
0xce: {  	[sflag:s17] =	ssyncset.done $0x0  }
0xcf: {  	s19 =	simm.s32 $0x4DF8;
	[sflag:s17] =	ssyncadd.s32 $0xFFFFF600  }
0xd0: {  	[spmem:s2] =	stream.indirect.scatter.add.f32 [tilespmem:s15], [sflag:$0x3], $0x40, s19, s13, $0xb8;
	[tilespmem:$0x14870] =	vst v63  }
0xd1: {  	_ =	swait.ge [sflag:s9], $0xA00  }
0xd2: {  	[sflag:s9] =	ssyncset.done $0x0  }
0xd3: {  	[sflag:s9] =	ssyncadd.s32 $0xFFFFF600  }
0xd4: {  	[spmem:s3] =	stream.indirect.scatter.add.f32 [tilespmem:s11], [sflag:$0x3], $0x10, s19, s13, $0xb8;
	[tilespmem:$0x14870] =	vst v63  }
0xd5: {  	_ =	swait.ge [sflag:s9], $0x280  }
0xd6: {  	[sflag:s9] =	ssyncset.done $0x0  }
0xd7: {  	s20 =	stileid.u32;
	[sflag:s9] =	ssyncadd.s32 $0xFFFFFD80  }
0xd8: {  	s1 =	sshll.u32 s20, $0x6;
	[bflag:$0x0] =	sbarrier.arrive $0xFFFF  }
0xd9: {  	s30 =	sshrl.u32 s12, $0x3;
	s29 =	sor.u32 $0x1C03, s1;
	s24 =	rddreg [dreg:$0xa]  }
0xda: {  	[hbm:s24], [sflag:s29] =	dma.local [spmem:s30], $0x1380  }
0xdb: {  	_ =	swait.ge [sflag:s9], $0x1380  }
0xdc: {  	[sflag:s9] =	ssyncset.done $0x0  }
0xdd: {  	s1 =	sshrl.u32 @p0 s23, $0x3;
	s18 =	rddreg [dreg:$0x9];
	[sflag:s9] =	ssyncadd.s32 $0xFFFFEC80  }
0xde: {  	[hbm:s18], [sflag:s29] =	dma.local @p0 [spmem:s1], $0x4E0  }
0xdf: {  	s1 =	simm.s32 @p0 $0x3  }
0xe0: {  	_ =	swait.ge @p0 [sflag:s1], $0x4E0  }
0xe1: {  	[sflag:s1] =	ssyncset.done @p0 $0x0  }
0xe2: {  	s31 =	sshrl.u32 @!p0 s0, $0x3;
	[sflag:s1] =	ssyncadd.s32 @p0 $0xFFFFFB20;
	s1 =	rddreg [dreg:$0xb]  }
0xe3: {  	[hbm:s1], [sflag:s29] =	dma.local @!p0 [spmem:s31], $0x80  }
0xe4: {  	s1 =	simm.s32 @!p0 $0x3  }
0xe5: {  	_ =	swait.ge @!p0 [sflag:s1], $0x80  }
0xe6: {  	[sflag:s1] =	ssyncset.done @!p0 $0x0  }
0xe7: {  	s24 =	sshrl.u32 @!p0 s23, $0x3;
	s18 =	rddreg [dreg:$0x14];
	[sflag:s1] =	ssyncadd.s32 @!p0 $0xFFFFFF80  }
0xe8: {  	[hbm:s18], [sflag:s29] =	dma.local @!p0 [spmem:s24], $0x4E0  }
0xe9: {  	_ =	swait.ge @!p0 [sflag:s1], $0x4E0  }
0xea: {  	[sflag:s1] =	ssyncset.done @!p0 $0x0  }
0xeb: {  	s24 =	sshrl.u32 @!p0 s7, $0x3;
	s18 =	rddreg [dreg:$0x15];
	[sflag:s1] =	ssyncadd.s32 @!p0 $0xFFFFFB20  }
0xec: {  	[hbm:s18], [sflag:s29] =	dma.local @!p0 [spmem:s24], $0x20  }
0xed: {  	_ =	swait.ge @!p0 [sflag:s1], $0x20  }
0xee: {  	[sflag:s1] =	ssyncset.done @!p0 $0x0  }
0xef: {  	[sflag:s1] =	ssyncadd.s32 @!p0 $0xFFFFFFE0  }
0xf0: {  	[spmem:s12] =	stream.linear.scatter [tilespmem:s8], [sflag:$0x3], $0x1A00, $0x38;
	[tilespmem:$0x14870] =	vst v63  }
0xf1: {  	_ =	swait.ge [sflag:s9], $0x1A00  }
0xf2: {  	[sflag:s9] =	ssyncset.done $0x0  }
0xf3: {  	[sflag:s9] =	ssyncadd.s32 $0xFFFFE600  }
0xf4: {  	[spmem:s25] =	stream.linear.scatter [tilespmem:s8], [sflag:$0x3], $0x1A00, $0x38;
	[tilespmem:$0x14870] =	vst v63  }
0xf5: {  	_ =	swait.ge [sflag:s9], $0x1A00  }
0xf6: {  	[sflag:s9] =	ssyncset.done $0x0  }
0xf7: {  	[sflag:s9] =	ssyncadd.s32 $0xFFFFE600  }
0xf8: {  	[spmem:s26] =	stream.linear.scatter [tilespmem:s8], [sflag:$0x3], $0x1A00, $0x38;
	[tilespmem:$0x14870] =	vst v63  }
0xf9: {  	_ =	swait.ge [sflag:s9], $0x1A00  }
0xfa: {  	[sflag:s9] =	ssyncset.done $0x0  }
0xfb: {  	s20 =	smov.u32 s26;
	s26 =	rddreg [dreg:$0xe];
	[sflag:s9] =	ssyncadd.s32 $0xFFFFE600  }
0xfc: {  	[spmem:s26] =	stream.linear.scatter [tilespmem:s8], [sflag:$0x3], $0x1A00, $0x38;
	[tilespmem:$0x14870] =	vst v63  }
0xfd: {  	_ =	swait.ge [sflag:s9], $0x1A00  }
0xfe: {  	[sflag:s9] =	ssyncset.done $0x0  }
0xff: {  	s24 =	rddreg [dreg:$0x17];
	[sflag:s9] =	ssyncadd.s32 $0xFFFFE600  }
0x100: {  	[spmem:s24] =	stream.linear.scatter [tilespmem:s8], [sflag:$0x3], $0x1A00, $0x38;
	[tilespmem:$0x14870] =	vst v63  }
0x101: {  	_ =	swait.ge [sflag:s9], $0x1A00  }
0x102: {  	[sflag:s9] =	ssyncset.done $0x0  }
0x103: {  	s19 =	smov.u32 s25;
	s25 =	rddreg [dreg:$0x18];
	[sflag:s9] =	ssyncadd.s32 $0xFFFFE600  }
0x104: {  	[spmem:s25] =	stream.linear.scatter [tilespmem:s8], [sflag:$0x3], $0x1A00, $0x38;
	[tilespmem:$0x14870] =	vst v63  }
0x105: {  	_ =	swait.ge [sflag:s9], $0x1A00  }
0x106: {  	[sflag:s9] =	ssyncset.done $0x0  }
0x107: {  	s24 =	simm.s32 @!p0 $0x6220;
	[sflag:s9] =	ssyncadd.s32 $0xFFFFE600  }
0x108: {  	[spmem:s0] =	stream.linear.scatter @!p0 [tilespmem:s24], [sflag:$0x3], $0x400, $0x38;
	[tilespmem:$0x14870] =	vst v63  }
0x109: {  	_ =	swait.ge @!p0 [sflag:s1], $0x400  }
0x10a: {  	[sflag:s1] =	ssyncset.done @!p0 $0x0  }
0x10b: {  	[sflag:s1] =	ssyncadd.s32 @!p0 $0xFFFFFC00  }
0x10c: {  	s26 =	simm.s32 $0x0;
	[bflag:$0x0] =	sbarrier.arrive $0xFFFF  }
0x10d: {  	[tilespmem:s14], [sflag:$0x1] =	stream.indirect.gather [hbm4b:s6+s13], $0x40, s26, s13, $0xb8;
	[tilespmem:$0x14870] =	vst v63  }
0x10e: {  	s18 =	simm.s32 $0x28  }
0x10f: {  	[tilespmem:s15], [sflag:$0x2] =	stream.indirect.gather [hbm4b:s6+s13], $0x40, s18, s13, $0xb8;
	[tilespmem:$0x14870] =	vst v63  }
0x110: {  	_ =	swait.ge [sflag:s16], $0xA00  }
0x111: {  	[sflag:s16] =	ssyncset.done $0x0  }
0x112: {  	s24 =	simm.s32 $0x2710;
	[sflag:s16] =	ssyncadd.s32 $0xFFFFF600  }
0x113: {  	[spmem:s2] =	stream.indirect.scatter.add.f32 [tilespmem:s14], [sflag:$0x3], $0x40, s24, s13, $0xb8;
	[tilespmem:$0x14870] =	vst v63  }
0x114: {  	_ =	swait.ge [sflag:s9], $0xA00  }
0x115: {  	[sflag:s9] =	ssyncset.done $0x0  }
0x116: {  	s25 =	simm.s32 $0x50;
	[sflag:s9] =	ssyncadd.s32 $0xFFFFF600  }
0x117: {  	[tilespmem:s14], [sflag:$0x1] =	stream.indirect.gather [hbm4b:s6+s13], $0x40, s25, s13, $0xb8;
	[tilespmem:$0x14870] =	vst v63  }
0x118: {  	_ =	swait.ge [sflag:s17], $0xA00  }
0x119: {  	[sflag:s17] =	ssyncset.done $0x0  }
0x11a: {  	s26 =	simm.s32 $0x2738;
	[sflag:s17] =	ssyncadd.s32 $0xFFFFF600  }
0x11b: {  	[spmem:s2] =	stream.indirect.scatter.add.f32 [tilespmem:s15], [sflag:$0x3], $0x40, s26, s13, $0xb8;
	[tilespmem:$0x14870] =	vst v63  }
0x11c: {  	_ =	swait.ge [sflag:s9], $0xA00  }
0x11d: {  	s1 =	simm.s32 $0x50;
	s24 =	simm.s32 $0x280;
	[sflag:s9] =	ssyncset.done $0x0  }
.LBB2_4:
0x11e: {  	s25 =	sadd.s32 $0x28, s1  }
0x11f: {  	[sflag:s9] =	ssyncadd.s32 $0xFFFFF600;
	s26 =	smov.u32 s24;
	s18 =	sadd.s32 $0x140, s24  }
0x120: {  	[tilespmem:s15], [sflag:$0x2] =	stream.indirect.gather [hbm4b:s6+s13], $0x40, s25, s13, $0xb8;
	[tilespmem:$0x14870] =	vst v63  }
0x121: {  	p1 =	sne.s32 s24, $0x99C0;
	_ =	swait.ge [sflag:s16], $0xA00  }
0x122: {  	[sflag:s16] =	ssyncset.done $0x0  }
0x123: {  	s24 =	sadd.s32 $0x2710, s1;
	[sflag:s16] =	ssyncadd.s32 $0xFFFFF600  }
0x124: {  	[spmem:s2] =	stream.indirect.scatter.add.f32 [tilespmem:s14], [sflag:$0x3], $0x40, s24, s13, $0xb8;
	[tilespmem:$0x14870] =	vst v63  }
0x125: {  	_ =	swait.ge [sflag:s9], $0xA00  }
0x126: {  	[sflag:s9] =	ssyncset.done $0x0  }
0x127: {  	s24 =	sadd.s32 $0x50, s1;
	[sflag:s9] =	ssyncadd.s32 $0xFFFFF600  }
0x128: {  	[tilespmem:s14], [sflag:$0x1] =	stream.indirect.gather [hbm4b:s6+s13], $0x40, s24, s13, $0xb8;
	[tilespmem:$0x14870] =	vst v63  }
0x129: {  	_ =	swait.ge [sflag:s17], $0xA00  }
.Ltmp1:
0x12a: {  	[sflag:s17] =	ssyncset.done $0x0;
	(pc) =	sbr.rel @p1 .LBB2_4-.Ltmp1, $4  }
0x12b: {  	s1 =	sadd.s32 $0x2738, s1;
	[sflag:s17] =	ssyncadd.s32 $0xFFFFF600  }
0x12c: {  	[spmem:s2] =	stream.indirect.scatter.add.f32 [tilespmem:s15], [sflag:$0x3], $0x40, s1, s13, $0xb8;
	[tilespmem:$0x14870] =	vst v63  }
0x12d: {  	_ =	swait.ge [sflag:s9], $0xA00  }
0x12e: {  	s24 =	smov.u32 s18;
	s1 =	sshra.s32 s26, $0x2;
	[sflag:s9] =	ssyncset.done $0x0  }
0x12f: {  	s18 =	sadd.s32 $0x28, s1;
	[sflag:s9] =	ssyncadd.s32 $0xFFFFF600  }
0x130: {  	[tilespmem:s15], [sflag:$0x2] =	stream.indirect.gather [hbm4b:s6+s13], $0x40, s18, s13, $0xb8;
	[tilespmem:$0x14870] =	vst v63  }
0x131: {  	_ =	swait.ge [sflag:s16], $0xA00  }
0x132: {  	[sflag:s16] =	ssyncset.done $0x0  }
0x133: {  	s25 =	sadd.s32 $0x2710, s1;
	[sflag:s16] =	ssyncadd.s32 $0xFFFFF600  }
0x134: {  	[spmem:s2] =	stream.indirect.scatter.add.f32 [tilespmem:s14], [sflag:$0x3], $0x40, s25, s13, $0xb8;
	[tilespmem:$0x14870] =	vst v63  }
0x135: {  	_ =	swait.ge [sflag:s9], $0xA00  }
0x136: {  	[sflag:s9] =	ssyncset.done $0x0  }
0x137: {  	s26 =	sadd.s32 $0x50, s1;
	[sflag:s9] =	ssyncadd.s32 $0xFFFFF600  }
0x138: {  	[tilespmem:s14], [sflag:$0x1] =	stream.indirect.gather [hbm4b:s6+s13], $0x40, s26, s13, $0xb8;
	[tilespmem:$0x14870] =	vst v63  }
0x139: {  	_ =	swait.ge [sflag:s17], $0xA00  }
0x13a: {  	[sflag:s17] =	ssyncset.done $0x0  }
0x13b: {  	s24 =	sadd.s32 $0x2738, s1;
	[sflag:s17] =	ssyncadd.s32 $0xFFFFF600  }
0x13c: {  	[spmem:s2] =	stream.indirect.scatter.add.f32 [tilespmem:s15], [sflag:$0x3], $0x40, s24, s13, $0xb8;
	[tilespmem:$0x14870] =	vst v63  }
0x13d: {  	_ =	swait.ge [sflag:s9], $0xA00  }
0x13e: {  	[sflag:s9] =	ssyncset.done $0x0  }
0x13f: {  	s25 =	simm.s32 $0x26E8;
	[sflag:s9] =	ssyncadd.s32 $0xFFFFF600  }
0x140: {  	[tilespmem:s15], [sflag:$0x2] =	stream.indirect.gather [hbm4b:s6+s13], $0x40, s25, s13, $0xb8;
	[tilespmem:$0x14870] =	vst v63  }
0x141: {  	_ =	swait.ge [sflag:s16], $0xA00  }
0x142: {  	[sflag:s16] =	ssyncset.done $0x0  }
0x143: {  	[sflag:s16] =	ssyncadd.s32 $0xFFFFF600  }
0x144: {  	[spmem:s2] =	stream.indirect.scatter.add.f32 [tilespmem:s14], [sflag:$0x3], $0x40, s21, s13, $0xb8;
	[tilespmem:$0x14870] =	vst v63  }
0x145: {  	_ =	swait.ge [sflag:s9], $0xA00  }
0x146: {  	[sflag:s9] =	ssyncset.done $0x0  }
0x147: {  	[sflag:s9] =	ssyncadd.s32 $0xFFFFF600  }
0x148: {  	_ =	swait.ge [sflag:s17], $0xA00  }
0x149: {  	[sflag:s17] =	ssyncset.done $0x0  }
0x14a: {  	[sflag:s17] =	ssyncadd.s32 $0xFFFFF600  }
0x14b: {  	[spmem:s2] =	stream.indirect.scatter.add.f32 [tilespmem:s15], [sflag:$0x3], $0x40, s22, s13, $0xb8;
	[tilespmem:$0x14870] =	vst v63  }
0x14c: {  	_ =	swait.ge [sflag:s9], $0xA00  }
0x14d: {  	[sflag:s9] =	ssyncset.done $0x0  }
0x14e: {  	[sflag:s9] =	ssyncadd.s32 $0xFFFFF600  }
0x14f: {  	[bflag:$0x0] =	sbarrier.arrive $0xFFFF  }
0x150: {  	s26 =	rddreg [dreg:$0xc]  }
0x151: {  	[hbm:s26], [sflag:s29] =	dma.local [spmem:s30], $0x1380  }
0x152: {  	_ =	swait.ge [sflag:s9], $0x1380  }
0x153: {  	[sflag:s9] =	ssyncset.done $0x0  }
0x154: {  	s1 =	rddreg [dreg:$0xd];
	[sflag:s9] =	ssyncadd.s32 $0xFFFFEC80  }
0x155: {  	[hbm:s1], [sflag:s29] =	dma.local @!p0 [spmem:s31], $0x80  }
0x156: {  	s1 =	simm.s32 @!p0 $0x3  }
0x157: {  	_ =	swait.ge @!p0 [sflag:s1], $0x80  }
0x158: {  	s28 =	sadd.s32 $0x1, s28;
	s31 =	rddreg [dreg:$0x16]  }
0x159: {  	p1 =	sne.s32 s28, s31  }
.Ltmp2:
0x15a: {  	_ = 	snop;
	(pc) =	sbr.rel @p1 .LBB2_1-.Ltmp2, $3  }
0x15b: {  	_ =	sdelay $0x1  }
0x15c: {  	[sflag:s1] =	ssyncset.done @!p0 $0x0  }
0x15d: {  	s25 =	smov.u32 s19;
	s26 =	smov.u32 s20;
	[sflag:s1] =	ssyncadd.s32 @!p0 $0xFFFFFF80  }
0x15e: {  	_ =	sfence.sel $0x180000  }
0x15f: {  	[bflag:$0x0] =	sbarrier.arrive $0xFFFF  }
0x160: {  	_ =	strace $0x90000047  }
0x161: {  	s0 =	stileid.u32;
	[bflag:$0x2] =	sbarrier.arrive $0xFFFF  }
0x162: {  	p0 =	sne.s32 s0, $0x0;
	s0 =	rddreg [dreg:$0x3]  }
0x163: {  	s0 =	sadd.s32 @!p0 $0x100000, s0  }
0x164: {  	[sflag:s0] =	ssyncadd.tile.s32 @!p0 $0x1;
	_ =	shalt  }
.Lfunc_end2:
_tile_overlayer_lowered:
.L_overlay_start_2:
0x165: {  	(tag) =	ssettag $0x2  }
0x166: {  	s0 =	rddreg [dreg:$0x0];
	s2 =	stileid.u32  }
0x167: {  	s1 =	rddreg [dreg:$0x1];
	p0 =	sne.s32 s2, $0x0  }
0x168: {  	s3 =	rddreg [dreg:$0x2];
	[bflag:$0x3] =	sbarrier.arrive $0xFFFF;
	s2 =	simm.s32 @!p0 $0x1C03  }
0x169: {  	[timem:s3], [sflag:s2] =	dma.local @!p0 [hbm:s0], s1  }
0x16a: {  	s0 =	simm.s32 @!p0 $0x3  }
0x16b: {  	_ =	swait.ge @!p0 [sflag:s0], s1  }
0x16c: {  	s1 =	ssub.s32 @!p0 $0x0, s1;
	[sflag:s0] =	ssyncset.done @!p0 $0x0  }
0x16d: {  	[sflag:s0] =	ssyncadd.s32 @!p0 s1  }
0x16e: {  	[bflag:$0x3] =	sbarrier.arrive $0xFFFF  }
0x16f: {  	_ =	shalt  }

</sc_bundles>
